<compile_context>
chip_gen: v7x
topology: tpu7x:2x2x1
jax: 0.10.2.dev20260603
libtpu: 0.0.44.dev20260713+nightly
codegen_flags: <defaults>
</compile_context>

<pallas_src>
import functools

import jax
import jax.numpy as jnp
from jax import lax
from jax.experimental import pallas as pl
from jax.experimental.pallas import tpu as pltpu
from jax.experimental.pallas import tpu_sc as plsc

_NW = 32
_CB = 512


@functools.lru_cache(maxsize=None)
def _make_gather(B, H, V, D):
    n_d8 = D // 8
    slab = (B // 128) * 1024
    wslab = 8 * _CB
    mesh = plsc.VectorSubcoreMesh(core_axis_name="c", subcore_axis_name="s")

    scratch = (
        [pltpu.VMEM((_CB,), jnp.int32) for _ in range(2)]
        + [pltpu.VMEM((_CB, D), jnp.float32) for _ in range(2)]
        + [pltpu.VMEM((n_d8 * wslab,), jnp.float32) for _ in range(2)]
        + [pltpu.SemaphoreType.DMA for _ in range(6)]
    )

    @functools.partial(
        pl.kernel,
        out_type=jax.ShapeDtypeStruct((H, n_d8, slab), jnp.float32),
        mesh=mesh,
        scratch_types=scratch,
        compiler_params=pltpu.CompilerParams(
            use_tc_tiling_on_sc=False, needs_layout_passes=False),
    )
    def gather_kernel(ids_hbm, table_hbm, out_hbm, *bufs):
        idx_v = bufs[0:2]
        rows_v = bufs[2:4]
        tbuf_v = bufs[4:6]
        sem_i = bufs[6:8]
        sem_g = bufs[8:10]
        sem_o = bufs[10:12]

        wid = lax.axis_index("s") * 2 + lax.axis_index("c")
        b0 = wid * _CB
        lane = lax.iota(jnp.int32, 16)

        dvecs = [(d0 + lane) & (D - 1) for d0 in range(D)]
        svecs = [
            lax.shift_right_logical(dv, 3) * wslab + (dv & 7) * 128 + lane
            for dv in dvecs
        ]

        def transpose(rows, tbuf):
            def jg_body(jb, carry):
                jvec = jb * 16 + lane
                obase = lax.shift_right_logical(jb, 3) * 1024 + (jb & 7) * 16
                for d0 in range(D):
                    v = plsc.load_gather(rows, [jvec, dvecs[d0]])
                    plsc.store_scatter(tbuf, [svecs[d0] + obase], v)
                return carry

            lax.fori_loop(0, _CB // 16, jg_body, 0)

        def fire_idx(g, b):
            pltpu.async_copy(ids_hbm.at[g, pl.ds(b0, _CB)], idx_v[b], sem_i[b])

        def wait_idx(g, b):
            pltpu.make_async_copy(
                ids_hbm.at[g, pl.ds(b0, _CB)], idx_v[b], sem_i[b]).wait()

        def fire_gather(b):
            pltpu.async_copy(table_hbm.at[idx_v[b]], rows_v[b], sem_g[b])

        def wait_gather(b):
            pltpu.make_async_copy(
                table_hbm.at[idx_v[b]], rows_v[b], sem_g[b]).wait()

        def fire_writeback(g, b):
            for d8 in range(n_d8):
                pltpu.async_copy(
                    tbuf_v[b].at[pl.ds(d8 * wslab, wslab)],
                    out_hbm.at[g, d8, pl.ds(wid * wslab, wslab)], sem_o[b])

        def wait_writeback(g, b):
            for d8 in range(n_d8):
                pltpu.make_async_copy(
                    tbuf_v[b].at[pl.ds(d8 * wslab, wslab)],
                    out_hbm.at[g, d8, pl.ds(wid * wslab, wslab)],
                    sem_o[b]).wait()

        fire_idx(0, 0)
        fire_idx(1, 1)

        def step(t, carry):
            for bi in range(2):
                g = 2 * t + bi
                b = bi
                b2 = 1 - bi

                @pl.when(g < H)
                def _():
                    wait_idx(g, b)
                    fire_gather(b)

                @pl.when(jnp.logical_and(g >= 1, g <= H))
                def _():
                    wait_gather(b2)

                    @pl.when(g + 1 < H)
                    def _():
                        fire_idx(g + 1, b2)

                    @pl.when(g >= 3)
                    def _():
                        wait_writeback(g - 3, b2)

                    transpose(rows_v[b2], tbuf_v[b2])
                    fire_writeback(g - 1, b2)
            return carry

        lax.fori_loop(0, H // 2 + 1, step, 0)

        wait_writeback(H - 2, H % 2)
        wait_writeback(H - 1, 1 - H % 2)

    return gather_kernel


def kernel(ids, table):
    B, H = ids.shape
    V, D = table.shape
    ids_t = jnp.transpose(ids).astype(jnp.int32)
    out5 = _make_gather(B, H, V, D)(ids_t, table)
    out5 = out5.reshape(H, D // 8, B // 128, 8, 128)
    x = jnp.transpose(out5, (2, 4, 0, 1, 3))
    return x.reshape(B, H, D)

# --- scband reference (transcript-rebuilt; emitter-appended) ---
"""Pipeline reference for scband-mock-embedding-1906965480141 (READ-ONLY COPY).

The authoritative reference and input builder live on the scoring server;
editing this copy changes nothing except your own understanding.
"""

import jax, jax.numpy as jnp
import numpy as np

VOCAB = 1000000
HIDDEN = 32
BATCH = 16384
HIST = 200


def setup_inputs(seed: int = 0) -> dict:
    key = jax.random.key(seed)
    k_ids, k_tab = jax.random.split(key)
    ids = jax.random.randint(k_ids, (BATCH, HIST), 0, VOCAB, dtype=jnp.int64 if jax.config.jax_enable_x64 else jnp.int32)
    table = jax.random.normal(k_tab, (VOCAB, HIDDEN), dtype=jnp.float32)
    return {"ids": ids, "table": table}


def reference(ids, table):
    # nn.Embedding forward: row gather from embedding table
    return jnp.take(table, ids, axis=0)

if __name__ == "__main__":
    import jax
    _d = setup_inputs()
    print(jax.jit(kernel)(*tuple(_d.values())))

</pallas_src>

<mosaic_0001>
#map = affine_map<(d0, d1) -> (0, 0)>
#map1 = affine_map<(d0, d1) -> (0, 0, 0)>
module attributes {stable_mosaic.version = 14 : i64} {
  func.func @gather_kernel(%arg0: i32, %arg1: i32, %arg2: memref<200x16384xi32, #tpu.memory_space<hbm>>, %arg3: memref<1000000x32xf32, #tpu.memory_space<hbm>>, %arg4: memref<200x4x131072xf32, #tpu.memory_space<hbm>>, %arg5: memref<512xi32, #tpu.memory_space<vmem>>, %arg6: memref<512xi32, #tpu.memory_space<vmem>>, %arg7: memref<512x32xf32, #tpu.memory_space<vmem>>, %arg8: memref<512x32xf32, #tpu.memory_space<vmem>>, %arg9: memref<16384xf32, #tpu.memory_space<vmem>>, %arg10: memref<16384xf32, #tpu.memory_space<vmem>>, %arg11: memref<!tpu.dma_semaphore, #tpu.memory_space<semaphore_mem>>, %arg12: memref<!tpu.dma_semaphore, #tpu.memory_space<semaphore_mem>>, %arg13: memref<!tpu.dma_semaphore, #tpu.memory_space<semaphore_mem>>, %arg14: memref<!tpu.dma_semaphore, #tpu.memory_space<semaphore_mem>>, %arg15: memref<!tpu.dma_semaphore, #tpu.memory_space<semaphore_mem>>, %arg16: memref<!tpu.dma_semaphore, #tpu.memory_space<semaphore_mem>>) attributes {dimension_semantics = [#tpu.dimension_semantics<core_parallel>, #tpu.dimension_semantics<subcore_parallel>], iteration_bounds = array<i64: 2, 16>, scalar_prefetch = 0 : i64, scratch_operands = 12 : i64, tpu.core_type = #tpu.core_type<sc_vector_subcore>, window_params = [{transform_indices = #map}, {transform_indices = #map}, {transform_indices = #map1}]} {
    %mul3A = arith.constant 2 : i32
    %mul3A_0 = arith.muli %arg1, %mul3A : i32
    %add3A = arith.addi %mul3A_0, %arg0 : i32
    %mul3A_1 = arith.constant 512 : i32
    %mul3A_2 = arith.muli %add3A, %mul3A_1 : i32
    %iota3A = tpu.iota {dimensions = array<i32: 0>} : vector<16xi32>
    %add3A_3 = arith.constant 0 : i32
    %add3A_4 = vector.broadcast %add3A_3 : i32 to vector<16xi32>
    %add3A_5 = arith.addi %add3A_4, %iota3A : vector<16xi32>
    %and3A = arith.constant 31 : i32
    %and3A_6 = vector.broadcast %and3A : i32 to vector<16xi32>
    %and3A_7 = arith.andi %add3A_5, %and3A_6 : vector<16xi32>
    %add3A_8 = arith.constant 1 : i32
    %add3A_9 = vector.broadcast %add3A_8 : i32 to vector<16xi32>
    %add3A_10 = arith.addi %add3A_9, %iota3A : vector<16xi32>
    %and3A_11 = arith.constant 31 : i32
    %and3A_12 = vector.broadcast %and3A_11 : i32 to vector<16xi32>
    %and3A_13 = arith.andi %add3A_10, %and3A_12 : vector<16xi32>
    %add3A_14 = arith.constant 2 : i32
    %add3A_15 = vector.broadcast %add3A_14 : i32 to vector<16xi32>
    %add3A_16 = arith.addi %add3A_15, %iota3A : vector<16xi32>
    %and3A_17 = arith.constant 31 : i32
    %and3A_18 = vector.broadcast %and3A_17 : i32 to vector<16xi32>
    %and3A_19 = arith.andi %add3A_16, %and3A_18 : vector<16xi32>
    %add3A_20 = arith.constant 3 : i32
    %add3A_21 = vector.broadcast %add3A_20 : i32 to vector<16xi32>
    %add3A_22 = arith.addi %add3A_21, %iota3A : vector<16xi32>
    %and3A_23 = arith.constant 31 : i32
    %and3A_24 = vector.broadcast %and3A_23 : i32 to vector<16xi32>
    %and3A_25 = arith.andi %add3A_22, %and3A_24 : vector<16xi32>
    %add3A_26 = arith.constant 4 : i32
    %add3A_27 = vector.broadcast %add3A_26 : i32 to vector<16xi32>
    %add3A_28 = arith.addi %add3A_27, %iota3A : vector<16xi32>
    %and3A_29 = arith.constant 31 : i32
    %and3A_30 = vector.broadcast %and3A_29 : i32 to vector<16xi32>
    %and3A_31 = arith.andi %add3A_28, %and3A_30 : vector<16xi32>
    %add3A_32 = arith.constant 5 : i32
    %add3A_33 = vector.broadcast %add3A_32 : i32 to vector<16xi32>
    %add3A_34 = arith.addi %add3A_33, %iota3A : vector<16xi32>
    %and3A_35 = arith.constant 31 : i32
    %and3A_36 = vector.broadcast %and3A_35 : i32 to vector<16xi32>
    %and3A_37 = arith.andi %add3A_34, %and3A_36 : vector<16xi32>
    %add3A_38 = arith.constant 6 : i32
    %add3A_39 = vector.broadcast %add3A_38 : i32 to vector<16xi32>
    %add3A_40 = arith.addi %add3A_39, %iota3A : vector<16xi32>
    %and3A_41 = arith.constant 31 : i32
    %and3A_42 = vector.broadcast %and3A_41 : i32 to vector<16xi32>
    %and3A_43 = arith.andi %add3A_40, %and3A_42 : vector<16xi32>
    %add3A_44 = arith.constant 7 : i32
    %add3A_45 = vector.broadcast %add3A_44 : i32 to vector<16xi32>
    %add3A_46 = arith.addi %add3A_45, %iota3A : vector<16xi32>
    %and3A_47 = arith.constant 31 : i32
    %and3A_48 = vector.broadcast %and3A_47 : i32 to vector<16xi32>
    %and3A_49 = arith.andi %add3A_46, %and3A_48 : vector<16xi32>
    %add3A_50 = arith.constant 8 : i32
    %add3A_51 = vector.broadcast %add3A_50 : i32 to vector<16xi32>
    %add3A_52 = arith.addi %add3A_51, %iota3A : vector<16xi32>
    %and3A_53 = arith.constant 31 : i32
    %and3A_54 = vector.broadcast %and3A_53 : i32 to vector<16xi32>
    %and3A_55 = arith.andi %add3A_52, %and3A_54 : vector<16xi32>
    %add3A_56 = arith.constant 9 : i32
    %add3A_57 = vector.broadcast %add3A_56 : i32 to vector<16xi32>
    %add3A_58 = arith.addi %add3A_57, %iota3A : vector<16xi32>
    %and3A_59 = arith.constant 31 : i32
    %and3A_60 = vector.broadcast %and3A_59 : i32 to vector<16xi32>
    %and3A_61 = arith.andi %add3A_58, %and3A_60 : vector<16xi32>
    %add3A_62 = arith.constant 10 : i32
    %add3A_63 = vector.broadcast %add3A_62 : i32 to vector<16xi32>
    %add3A_64 = arith.addi %add3A_63, %iota3A : vector<16xi32>
    %and3A_65 = arith.constant 31 : i32
    %and3A_66 = vector.broadcast %and3A_65 : i32 to vector<16xi32>
    %and3A_67 = arith.andi %add3A_64, %and3A_66 : vector<16xi32>
    %add3A_68 = arith.constant 11 : i32
    %add3A_69 = vector.broadcast %add3A_68 : i32 to vector<16xi32>
    %add3A_70 = arith.addi %add3A_69, %iota3A : vector<16xi32>
    %and3A_71 = arith.constant 31 : i32
    %and3A_72 = vector.broadcast %and3A_71 : i32 to vector<16xi32>
    %and3A_73 = arith.andi %add3A_70, %and3A_72 : vector<16xi32>
    %add3A_74 = arith.constant 12 : i32
    %add3A_75 = vector.broadcast %add3A_74 : i32 to vector<16xi32>
    %add3A_76 = arith.addi %add3A_75, %iota3A : vector<16xi32>
    %and3A_77 = arith.constant 31 : i32
    %and3A_78 = vector.broadcast %and3A_77 : i32 to vector<16xi32>
    %and3A_79 = arith.andi %add3A_76, %and3A_78 : vector<16xi32>
    %add3A_80 = arith.constant 13 : i32
    %add3A_81 = vector.broadcast %add3A_80 : i32 to vector<16xi32>
    %add3A_82 = arith.addi %add3A_81, %iota3A : vector<16xi32>
    %and3A_83 = arith.constant 31 : i32
    %and3A_84 = vector.broadcast %and3A_83 : i32 to vector<16xi32>
    %and3A_85 = arith.andi %add3A_82, %and3A_84 : vector<16xi32>
    %add3A_86 = arith.constant 14 : i32
    %add3A_87 = vector.broadcast %add3A_86 : i32 to vector<16xi32>
    %add3A_88 = arith.addi %add3A_87, %iota3A : vector<16xi32>
    %and3A_89 = arith.constant 31 : i32
    %and3A_90 = vector.broadcast %and3A_89 : i32 to vector<16xi32>
    %and3A_91 = arith.andi %add3A_88, %and3A_90 : vector<16xi32>
    %add3A_92 = arith.constant 15 : i32
    %add3A_93 = vector.broadcast %add3A_92 : i32 to vector<16xi32>
    %add3A_94 = arith.addi %add3A_93, %iota3A : vector<16xi32>
    %and3A_95 = arith.constant 31 : i32
    %and3A_96 = vector.broadcast %and3A_95 : i32 to vector<16xi32>
    %and3A_97 = arith.andi %add3A_94, %and3A_96 : vector<16xi32>
    %add3A_98 = arith.constant 16 : i32
    %add3A_99 = vector.broadcast %add3A_98 : i32 to vector<16xi32>
    %add3A_100 = arith.addi %add3A_99, %iota3A : vector<16xi32>
    %and3A_101 = arith.constant 31 : i32
    %and3A_102 = vector.broadcast %and3A_101 : i32 to vector<16xi32>
    %and3A_103 = arith.andi %add3A_100, %and3A_102 : vector<16xi32>
    %add3A_104 = arith.constant 17 : i32
    %add3A_105 = vector.broadcast %add3A_104 : i32 to vector<16xi32>
    %add3A_106 = arith.addi %add3A_105, %iota3A : vector<16xi32>
    %and3A_107 = arith.constant 31 : i32
    %and3A_108 = vector.broadcast %and3A_107 : i32 to vector<16xi32>
    %and3A_109 = arith.andi %add3A_106, %and3A_108 : vector<16xi32>
    %add3A_110 = arith.constant 18 : i32
    %add3A_111 = vector.broadcast %add3A_110 : i32 to vector<16xi32>
    %add3A_112 = arith.addi %add3A_111, %iota3A : vector<16xi32>
    %and3A_113 = arith.constant 31 : i32
    %and3A_114 = vector.broadcast %and3A_113 : i32 to vector<16xi32>
    %and3A_115 = arith.andi %add3A_112, %and3A_114 : vector<16xi32>
    %add3A_116 = arith.constant 19 : i32
    %add3A_117 = vector.broadcast %add3A_116 : i32 to vector<16xi32>
    %add3A_118 = arith.addi %add3A_117, %iota3A : vector<16xi32>
    %and3A_119 = arith.constant 31 : i32
    %and3A_120 = vector.broadcast %and3A_119 : i32 to vector<16xi32>
    %and3A_121 = arith.andi %add3A_118, %and3A_120 : vector<16xi32>
    %add3A_122 = arith.constant 20 : i32
    %add3A_123 = vector.broadcast %add3A_122 : i32 to vector<16xi32>
    %add3A_124 = arith.addi %add3A_123, %iota3A : vector<16xi32>
    %and3A_125 = arith.constant 31 : i32
    %and3A_126 = vector.broadcast %and3A_125 : i32 to vector<16xi32>
    %and3A_127 = arith.andi %add3A_124, %and3A_126 : vector<16xi32>
    %add3A_128 = arith.constant 21 : i32
    %add3A_129 = vector.broadcast %add3A_128 : i32 to vector<16xi32>
    %add3A_130 = arith.addi %add3A_129, %iota3A : vector<16xi32>
    %and3A_131 = arith.constant 31 : i32
    %and3A_132 = vector.broadcast %and3A_131 : i32 to vector<16xi32>
    %and3A_133 = arith.andi %add3A_130, %and3A_132 : vector<16xi32>
    %add3A_134 = arith.constant 22 : i32
    %add3A_135 = vector.broadcast %add3A_134 : i32 to vector<16xi32>
    %add3A_136 = arith.addi %add3A_135, %iota3A : vector<16xi32>
    %and3A_137 = arith.constant 31 : i32
    %and3A_138 = vector.broadcast %and3A_137 : i32 to vector<16xi32>
    %and3A_139 = arith.andi %add3A_136, %and3A_138 : vector<16xi32>
    %add3A_140 = arith.constant 23 : i32
    %add3A_141 = vector.broadcast %add3A_140 : i32 to vector<16xi32>
    %add3A_142 = arith.addi %add3A_141, %iota3A : vector<16xi32>
    %and3A_143 = arith.constant 31 : i32
    %and3A_144 = vector.broadcast %and3A_143 : i32 to vector<16xi32>
    %and3A_145 = arith.andi %add3A_142, %and3A_144 : vector<16xi32>
    %add3A_146 = arith.constant 24 : i32
    %add3A_147 = vector.broadcast %add3A_146 : i32 to vector<16xi32>
    %add3A_148 = arith.addi %add3A_147, %iota3A : vector<16xi32>
    %and3A_149 = arith.constant 31 : i32
    %and3A_150 = vector.broadcast %and3A_149 : i32 to vector<16xi32>
    %and3A_151 = arith.andi %add3A_148, %and3A_150 : vector<16xi32>
    %add3A_152 = arith.constant 25 : i32
    %add3A_153 = vector.broadcast %add3A_152 : i32 to vector<16xi32>
    %add3A_154 = arith.addi %add3A_153, %iota3A : vector<16xi32>
    %and3A_155 = arith.constant 31 : i32
    %and3A_156 = vector.broadcast %and3A_155 : i32 to vector<16xi32>
    %and3A_157 = arith.andi %add3A_154, %and3A_156 : vector<16xi32>
    %add3A_158 = arith.constant 26 : i32
    %add3A_159 = vector.broadcast %add3A_158 : i32 to vector<16xi32>
    %add3A_160 = arith.addi %add3A_159, %iota3A : vector<16xi32>
    %and3A_161 = arith.constant 31 : i32
    %and3A_162 = vector.broadcast %and3A_161 : i32 to vector<16xi32>
    %and3A_163 = arith.andi %add3A_160, %and3A_162 : vector<16xi32>
    %add3A_164 = arith.constant 27 : i32
    %add3A_165 = vector.broadcast %add3A_164 : i32 to vector<16xi32>
    %add3A_166 = arith.addi %add3A_165, %iota3A : vector<16xi32>
    %and3A_167 = arith.constant 31 : i32
    %and3A_168 = vector.broadcast %and3A_167 : i32 to vector<16xi32>
    %and3A_169 = arith.andi %add3A_166, %and3A_168 : vector<16xi32>
    %add3A_170 = arith.constant 28 : i32
    %add3A_171 = vector.broadcast %add3A_170 : i32 to vector<16xi32>
    %add3A_172 = arith.addi %add3A_171, %iota3A : vector<16xi32>
    %and3A_173 = arith.constant 31 : i32
    %and3A_174 = vector.broadcast %and3A_173 : i32 to vector<16xi32>
    %and3A_175 = arith.andi %add3A_172, %and3A_174 : vector<16xi32>
    %add3A_176 = arith.constant 29 : i32
    %add3A_177 = vector.broadcast %add3A_176 : i32 to vector<16xi32>
    %add3A_178 = arith.addi %add3A_177, %iota3A : vector<16xi32>
    %and3A_179 = arith.constant 31 : i32
    %and3A_180 = vector.broadcast %and3A_179 : i32 to vector<16xi32>
    %and3A_181 = arith.andi %add3A_178, %and3A_180 : vector<16xi32>
    %add3A_182 = arith.constant 30 : i32
    %add3A_183 = vector.broadcast %add3A_182 : i32 to vector<16xi32>
    %add3A_184 = arith.addi %add3A_183, %iota3A : vector<16xi32>
    %and3A_185 = arith.constant 31 : i32
    %and3A_186 = vector.broadcast %and3A_185 : i32 to vector<16xi32>
    %and3A_187 = arith.andi %add3A_184, %and3A_186 : vector<16xi32>
    %add3A_188 = arith.constant 31 : i32
    %add3A_189 = vector.broadcast %add3A_188 : i32 to vector<16xi32>
    %add3A_190 = arith.addi %add3A_189, %iota3A : vector<16xi32>
    %and3A_191 = arith.constant 31 : i32
    %and3A_192 = vector.broadcast %and3A_191 : i32 to vector<16xi32>
    %and3A_193 = arith.andi %add3A_190, %and3A_192 : vector<16xi32>
    %shift_right_logical3A = arith.constant 3 : i32
    %shift_right_logical3A_194 = vector.broadcast %shift_right_logical3A : i32 to vector<16xi32>
    %shift_right_logical3A_195 = arith.shrui %and3A_7, %shift_right_logical3A_194 : vector<16xi32>
    %mul3A_196 = arith.constant 4096 : i32
    %mul3A_197 = vector.broadcast %mul3A_196 : i32 to vector<16xi32>
    %mul3A_198 = arith.muli %shift_right_logical3A_195, %mul3A_197 : vector<16xi32>
    %and3A_199 = arith.constant 7 : i32
    %and3A_200 = vector.broadcast %and3A_199 : i32 to vector<16xi32>
    %and3A_201 = arith.andi %and3A_7, %and3A_200 : vector<16xi32>
    %mul3A_202 = arith.constant 128 : i32
    %mul3A_203 = vector.broadcast %mul3A_202 : i32 to vector<16xi32>
    %mul3A_204 = arith.muli %and3A_201, %mul3A_203 : vector<16xi32>
    %add3A_205 = arith.addi %mul3A_198, %mul3A_204 : vector<16xi32>
    %add3A_206 = arith.addi %add3A_205, %iota3A : vector<16xi32>
    %shift_right_logical3A_207 = arith.constant 3 : i32
    %shift_right_logical3A_208 = vector.broadcast %shift_right_logical3A_207 : i32 to vector<16xi32>
    %shift_right_logical3A_209 = arith.shrui %and3A_13, %shift_right_logical3A_208 : vector<16xi32>
    %mul3A_210 = arith.constant 4096 : i32
    %mul3A_211 = vector.broadcast %mul3A_210 : i32 to vector<16xi32>
    %mul3A_212 = arith.muli %shift_right_logical3A_209, %mul3A_211 : vector<16xi32>
    %and3A_213 = arith.constant 7 : i32
    %and3A_214 = vector.broadcast %and3A_213 : i32 to vector<16xi32>
    %and3A_215 = arith.andi %and3A_13, %and3A_214 : vector<16xi32>
    %mul3A_216 = arith.constant 128 : i32
    %mul3A_217 = vector.broadcast %mul3A_216 : i32 to vector<16xi32>
    %mul3A_218 = arith.muli %and3A_215, %mul3A_217 : vector<16xi32>
    %add3A_219 = arith.addi %mul3A_212, %mul3A_218 : vector<16xi32>
    %add3A_220 = arith.addi %add3A_219, %iota3A : vector<16xi32>
    %shift_right_logical3A_221 = arith.constant 3 : i32
    %shift_right_logical3A_222 = vector.broadcast %shift_right_logical3A_221 : i32 to vector<16xi32>
    %shift_right_logical3A_223 = arith.shrui %and3A_19, %shift_right_logical3A_222 : vector<16xi32>
    %mul3A_224 = arith.constant 4096 : i32
    %mul3A_225 = vector.broadcast %mul3A_224 : i32 to vector<16xi32>
    %mul3A_226 = arith.muli %shift_right_logical3A_223, %mul3A_225 : vector<16xi32>
    %and3A_227 = arith.constant 7 : i32
    %and3A_228 = vector.broadcast %and3A_227 : i32 to vector<16xi32>
    %and3A_229 = arith.andi %and3A_19, %and3A_228 : vector<16xi32>
    %mul3A_230 = arith.constant 128 : i32
    %mul3A_231 = vector.broadcast %mul3A_230 : i32 to vector<16xi32>
    %mul3A_232 = arith.muli %and3A_229, %mul3A_231 : vector<16xi32>
    %add3A_233 = arith.addi %mul3A_226, %mul3A_232 : vector<16xi32>
    %add3A_234 = arith.addi %add3A_233, %iota3A : vector<16xi32>
    %shift_right_logical3A_235 = arith.constant 3 : i32
    %shift_right_logical3A_236 = vector.broadcast %shift_right_logical3A_235 : i32 to vector<16xi32>
    %shift_right_logical3A_237 = arith.shrui %and3A_25, %shift_right_logical3A_236 : vector<16xi32>
    %mul3A_238 = arith.constant 4096 : i32
    %mul3A_239 = vector.broadcast %mul3A_238 : i32 to vector<16xi32>
    %mul3A_240 = arith.muli %shift_right_logical3A_237, %mul3A_239 : vector<16xi32>
    %and3A_241 = arith.constant 7 : i32
    %and3A_242 = vector.broadcast %and3A_241 : i32 to vector<16xi32>
    %and3A_243 = arith.andi %and3A_25, %and3A_242 : vector<16xi32>
    %mul3A_244 = arith.constant 128 : i32
    %mul3A_245 = vector.broadcast %mul3A_244 : i32 to vector<16xi32>
    %mul3A_246 = arith.muli %and3A_243, %mul3A_245 : vector<16xi32>
    %add3A_247 = arith.addi %mul3A_240, %mul3A_246 : vector<16xi32>
    %add3A_248 = arith.addi %add3A_247, %iota3A : vector<16xi32>
    %shift_right_logical3A_249 = arith.constant 3 : i32
    %shift_right_logical3A_250 = vector.broadcast %shift_right_logical3A_249 : i32 to vector<16xi32>
    %shift_right_logical3A_251 = arith.shrui %and3A_31, %shift_right_logical3A_250 : vector<16xi32>
    %mul3A_252 = arith.constant 4096 : i32
    %mul3A_253 = vector.broadcast %mul3A_252 : i32 to vector<16xi32>
    %mul3A_254 = arith.muli %shift_right_logical3A_251, %mul3A_253 : vector<16xi32>
    %and3A_255 = arith.constant 7 : i32
    %and3A_256 = vector.broadcast %and3A_255 : i32 to vector<16xi32>
    %and3A_257 = arith.andi %and3A_31, %and3A_256 : vector<16xi32>
    %mul3A_258 = arith.constant 128 : i32
    %mul3A_259 = vector.broadcast %mul3A_258 : i32 to vector<16xi32>
    %mul3A_260 = arith.muli %and3A_257, %mul3A_259 : vector<16xi32>
    %add3A_261 = arith.addi %mul3A_254, %mul3A_260 : vector<16xi32>
    %add3A_262 = arith.addi %add3A_261, %iota3A : vector<16xi32>
    %shift_right_logical3A_263 = arith.constant 3 : i32
    %shift_right_logical3A_264 = vector.broadcast %shift_right_logical3A_263 : i32 to vector<16xi32>
    %shift_right_logical3A_265 = arith.shrui %and3A_37, %shift_right_logical3A_264 : vector<16xi32>
    %mul3A_266 = arith.constant 4096 : i32
    %mul3A_267 = vector.broadcast %mul3A_266 : i32 to vector<16xi32>
    %mul3A_268 = arith.muli %shift_right_logical3A_265, %mul3A_267 : vector<16xi32>
    %and3A_269 = arith.constant 7 : i32
    %and3A_270 = vector.broadcast %and3A_269 : i32 to vector<16xi32>
    %and3A_271 = arith.andi %and3A_37, %and3A_270 : vector<16xi32>
    %mul3A_272 = arith.constant 128 : i32
    %mul3A_273 = vector.broadcast %mul3A_272 : i32 to vector<16xi32>
    %mul3A_274 = arith.muli %and3A_271, %mul3A_273 : vector<16xi32>
    %add3A_275 = arith.addi %mul3A_268, %mul3A_274 : vector<16xi32>
    %add3A_276 = arith.addi %add3A_275, %iota3A : vector<16xi32>
    %shift_right_logical3A_277 = arith.constant 3 : i32
    %shift_right_logical3A_278 = vector.broadcast %shift_right_logical3A_277 : i32 to vector<16xi32>
    %shift_right_logical3A_279 = arith.shrui %and3A_43, %shift_right_logical3A_278 : vector<16xi32>
    %mul3A_280 = arith.constant 4096 : i32
    %mul3A_281 = vector.broadcast %mul3A_280 : i32 to vector<16xi32>
    %mul3A_282 = arith.muli %shift_right_logical3A_279, %mul3A_281 : vector<16xi32>
    %and3A_283 = arith.constant 7 : i32
    %and3A_284 = vector.broadcast %and3A_283 : i32 to vector<16xi32>
    %and3A_285 = arith.andi %and3A_43, %and3A_284 : vector<16xi32>
    %mul3A_286 = arith.constant 128 : i32
    %mul3A_287 = vector.broadcast %mul3A_286 : i32 to vector<16xi32>
    %mul3A_288 = arith.muli %and3A_285, %mul3A_287 : vector<16xi32>
    %add3A_289 = arith.addi %mul3A_282, %mul3A_288 : vector<16xi32>
    %add3A_290 = arith.addi %add3A_289, %iota3A : vector<16xi32>
    %shift_right_logical3A_291 = arith.constant 3 : i32
    %shift_right_logical3A_292 = vector.broadcast %shift_right_logical3A_291 : i32 to vector<16xi32>
    %shift_right_logical3A_293 = arith.shrui %and3A_49, %shift_right_logical3A_292 : vector<16xi32>
    %mul3A_294 = arith.constant 4096 : i32
    %mul3A_295 = vector.broadcast %mul3A_294 : i32 to vector<16xi32>
    %mul3A_296 = arith.muli %shift_right_logical3A_293, %mul3A_295 : vector<16xi32>
    %and3A_297 = arith.constant 7 : i32
    %and3A_298 = vector.broadcast %and3A_297 : i32 to vector<16xi32>
    %and3A_299 = arith.andi %and3A_49, %and3A_298 : vector<16xi32>
    %mul3A_300 = arith.constant 128 : i32
    %mul3A_301 = vector.broadcast %mul3A_300 : i32 to vector<16xi32>
    %mul3A_302 = arith.muli %and3A_299, %mul3A_301 : vector<16xi32>
    %add3A_303 = arith.addi %mul3A_296, %mul3A_302 : vector<16xi32>
    %add3A_304 = arith.addi %add3A_303, %iota3A : vector<16xi32>
    %shift_right_logical3A_305 = arith.constant 3 : i32
    %shift_right_logical3A_306 = vector.broadcast %shift_right_logical3A_305 : i32 to vector<16xi32>
    %shift_right_logical3A_307 = arith.shrui %and3A_55, %shift_right_logical3A_306 : vector<16xi32>
    %mul3A_308 = arith.constant 4096 : i32
    %mul3A_309 = vector.broadcast %mul3A_308 : i32 to vector<16xi32>
    %mul3A_310 = arith.muli %shift_right_logical3A_307, %mul3A_309 : vector<16xi32>
    %and3A_311 = arith.constant 7 : i32
    %and3A_312 = vector.broadcast %and3A_311 : i32 to vector<16xi32>
    %and3A_313 = arith.andi %and3A_55, %and3A_312 : vector<16xi32>
    %mul3A_314 = arith.constant 128 : i32
    %mul3A_315 = vector.broadcast %mul3A_314 : i32 to vector<16xi32>
    %mul3A_316 = arith.muli %and3A_313, %mul3A_315 : vector<16xi32>
    %add3A_317 = arith.addi %mul3A_310, %mul3A_316 : vector<16xi32>
    %add3A_318 = arith.addi %add3A_317, %iota3A : vector<16xi32>
    %shift_right_logical3A_319 = arith.constant 3 : i32
    %shift_right_logical3A_320 = vector.broadcast %shift_right_logical3A_319 : i32 to vector<16xi32>
    %shift_right_logical3A_321 = arith.shrui %and3A_61, %shift_right_logical3A_320 : vector<16xi32>
    %mul3A_322 = arith.constant 4096 : i32
    %mul3A_323 = vector.broadcast %mul3A_322 : i32 to vector<16xi32>
    %mul3A_324 = arith.muli %shift_right_logical3A_321, %mul3A_323 : vector<16xi32>
    %and3A_325 = arith.constant 7 : i32
    %and3A_326 = vector.broadcast %and3A_325 : i32 to vector<16xi32>
    %and3A_327 = arith.andi %and3A_61, %and3A_326 : vector<16xi32>
    %mul3A_328 = arith.constant 128 : i32
    %mul3A_329 = vector.broadcast %mul3A_328 : i32 to vector<16xi32>
    %mul3A_330 = arith.muli %and3A_327, %mul3A_329 : vector<16xi32>
    %add3A_331 = arith.addi %mul3A_324, %mul3A_330 : vector<16xi32>
    %add3A_332 = arith.addi %add3A_331, %iota3A : vector<16xi32>
    %shift_right_logical3A_333 = arith.constant 3 : i32
    %shift_right_logical3A_334 = vector.broadcast %shift_right_logical3A_333 : i32 to vector<16xi32>
    %shift_right_logical3A_335 = arith.shrui %and3A_67, %shift_right_logical3A_334 : vector<16xi32>
    %mul3A_336 = arith.constant 4096 : i32
    %mul3A_337 = vector.broadcast %mul3A_336 : i32 to vector<16xi32>
    %mul3A_338 = arith.muli %shift_right_logical3A_335, %mul3A_337 : vector<16xi32>
    %and3A_339 = arith.constant 7 : i32
    %and3A_340 = vector.broadcast %and3A_339 : i32 to vector<16xi32>
    %and3A_341 = arith.andi %and3A_67, %and3A_340 : vector<16xi32>
    %mul3A_342 = arith.constant 128 : i32
    %mul3A_343 = vector.broadcast %mul3A_342 : i32 to vector<16xi32>
    %mul3A_344 = arith.muli %and3A_341, %mul3A_343 : vector<16xi32>
    %add3A_345 = arith.addi %mul3A_338, %mul3A_344 : vector<16xi32>
    %add3A_346 = arith.addi %add3A_345, %iota3A : vector<16xi32>
    %shift_right_logical3A_347 = arith.constant 3 : i32
    %shift_right_logical3A_348 = vector.broadcast %shift_right_logical3A_347 : i32 to vector<16xi32>
    %shift_right_logical3A_349 = arith.shrui %and3A_73, %shift_right_logical3A_348 : vector<16xi32>
    %mul3A_350 = arith.constant 4096 : i32
    %mul3A_351 = vector.broadcast %mul3A_350 : i32 to vector<16xi32>
    %mul3A_352 = arith.muli %shift_right_logical3A_349, %mul3A_351 : vector<16xi32>
    %and3A_353 = arith.constant 7 : i32
    %and3A_354 = vector.broadcast %and3A_353 : i32 to vector<16xi32>
    %and3A_355 = arith.andi %and3A_73, %and3A_354 : vector<16xi32>
    %mul3A_356 = arith.constant 128 : i32
    %mul3A_357 = vector.broadcast %mul3A_356 : i32 to vector<16xi32>
    %mul3A_358 = arith.muli %and3A_355, %mul3A_357 : vector<16xi32>
    %add3A_359 = arith.addi %mul3A_352, %mul3A_358 : vector<16xi32>
    %add3A_360 = arith.addi %add3A_359, %iota3A : vector<16xi32>
    %shift_right_logical3A_361 = arith.constant 3 : i32
    %shift_right_logical3A_362 = vector.broadcast %shift_right_logical3A_361 : i32 to vector<16xi32>
    %shift_right_logical3A_363 = arith.shrui %and3A_79, %shift_right_logical3A_362 : vector<16xi32>
    %mul3A_364 = arith.constant 4096 : i32
    %mul3A_365 = vector.broadcast %mul3A_364 : i32 to vector<16xi32>
    %mul3A_366 = arith.muli %shift_right_logical3A_363, %mul3A_365 : vector<16xi32>
    %and3A_367 = arith.constant 7 : i32
    %and3A_368 = vector.broadcast %and3A_367 : i32 to vector<16xi32>
    %and3A_369 = arith.andi %and3A_79, %and3A_368 : vector<16xi32>
    %mul3A_370 = arith.constant 128 : i32
    %mul3A_371 = vector.broadcast %mul3A_370 : i32 to vector<16xi32>
    %mul3A_372 = arith.muli %and3A_369, %mul3A_371 : vector<16xi32>
    %add3A_373 = arith.addi %mul3A_366, %mul3A_372 : vector<16xi32>
    %add3A_374 = arith.addi %add3A_373, %iota3A : vector<16xi32>
    %shift_right_logical3A_375 = arith.constant 3 : i32
    %shift_right_logical3A_376 = vector.broadcast %shift_right_logical3A_375 : i32 to vector<16xi32>
    %shift_right_logical3A_377 = arith.shrui %and3A_85, %shift_right_logical3A_376 : vector<16xi32>
    %mul3A_378 = arith.constant 4096 : i32
    %mul3A_379 = vector.broadcast %mul3A_378 : i32 to vector<16xi32>
    %mul3A_380 = arith.muli %shift_right_logical3A_377, %mul3A_379 : vector<16xi32>
    %and3A_381 = arith.constant 7 : i32
    %and3A_382 = vector.broadcast %and3A_381 : i32 to vector<16xi32>
    %and3A_383 = arith.andi %and3A_85, %and3A_382 : vector<16xi32>
    %mul3A_384 = arith.constant 128 : i32
    %mul3A_385 = vector.broadcast %mul3A_384 : i32 to vector<16xi32>
    %mul3A_386 = arith.muli %and3A_383, %mul3A_385 : vector<16xi32>
    %add3A_387 = arith.addi %mul3A_380, %mul3A_386 : vector<16xi32>
    %add3A_388 = arith.addi %add3A_387, %iota3A : vector<16xi32>
    %shift_right_logical3A_389 = arith.constant 3 : i32
    %shift_right_logical3A_390 = vector.broadcast %shift_right_logical3A_389 : i32 to vector<16xi32>
    %shift_right_logical3A_391 = arith.shrui %and3A_91, %shift_right_logical3A_390 : vector<16xi32>
    %mul3A_392 = arith.constant 4096 : i32
    %mul3A_393 = vector.broadcast %mul3A_392 : i32 to vector<16xi32>
    %mul3A_394 = arith.muli %shift_right_logical3A_391, %mul3A_393 : vector<16xi32>
    %and3A_395 = arith.constant 7 : i32
    %and3A_396 = vector.broadcast %and3A_395 : i32 to vector<16xi32>
    %and3A_397 = arith.andi %and3A_91, %and3A_396 : vector<16xi32>
    %mul3A_398 = arith.constant 128 : i32
    %mul3A_399 = vector.broadcast %mul3A_398 : i32 to vector<16xi32>
    %mul3A_400 = arith.muli %and3A_397, %mul3A_399 : vector<16xi32>
    %add3A_401 = arith.addi %mul3A_394, %mul3A_400 : vector<16xi32>
    %add3A_402 = arith.addi %add3A_401, %iota3A : vector<16xi32>
    %shift_right_logical3A_403 = arith.constant 3 : i32
    %shift_right_logical3A_404 = vector.broadcast %shift_right_logical3A_403 : i32 to vector<16xi32>
    %shift_right_logical3A_405 = arith.shrui %and3A_97, %shift_right_logical3A_404 : vector<16xi32>
    %mul3A_406 = arith.constant 4096 : i32
    %mul3A_407 = vector.broadcast %mul3A_406 : i32 to vector<16xi32>
    %mul3A_408 = arith.muli %shift_right_logical3A_405, %mul3A_407 : vector<16xi32>
    %and3A_409 = arith.constant 7 : i32
    %and3A_410 = vector.broadcast %and3A_409 : i32 to vector<16xi32>
    %and3A_411 = arith.andi %and3A_97, %and3A_410 : vector<16xi32>
    %mul3A_412 = arith.constant 128 : i32
    %mul3A_413 = vector.broadcast %mul3A_412 : i32 to vector<16xi32>
    %mul3A_414 = arith.muli %and3A_411, %mul3A_413 : vector<16xi32>
    %add3A_415 = arith.addi %mul3A_408, %mul3A_414 : vector<16xi32>
    %add3A_416 = arith.addi %add3A_415, %iota3A : vector<16xi32>
    %shift_right_logical3A_417 = arith.constant 3 : i32
    %shift_right_logical3A_418 = vector.broadcast %shift_right_logical3A_417 : i32 to vector<16xi32>
    %shift_right_logical3A_419 = arith.shrui %and3A_103, %shift_right_logical3A_418 : vector<16xi32>
    %mul3A_420 = arith.constant 4096 : i32
    %mul3A_421 = vector.broadcast %mul3A_420 : i32 to vector<16xi32>
    %mul3A_422 = arith.muli %shift_right_logical3A_419, %mul3A_421 : vector<16xi32>
    %and3A_423 = arith.constant 7 : i32
    %and3A_424 = vector.broadcast %and3A_423 : i32 to vector<16xi32>
    %and3A_425 = arith.andi %and3A_103, %and3A_424 : vector<16xi32>
    %mul3A_426 = arith.constant 128 : i32
    %mul3A_427 = vector.broadcast %mul3A_426 : i32 to vector<16xi32>
    %mul3A_428 = arith.muli %and3A_425, %mul3A_427 : vector<16xi32>
    %add3A_429 = arith.addi %mul3A_422, %mul3A_428 : vector<16xi32>
    %add3A_430 = arith.addi %add3A_429, %iota3A : vector<16xi32>
    %shift_right_logical3A_431 = arith.constant 3 : i32
    %shift_right_logical3A_432 = vector.broadcast %shift_right_logical3A_431 : i32 to vector<16xi32>
    %shift_right_logical3A_433 = arith.shrui %and3A_109, %shift_right_logical3A_432 : vector<16xi32>
    %mul3A_434 = arith.constant 4096 : i32
    %mul3A_435 = vector.broadcast %mul3A_434 : i32 to vector<16xi32>
    %mul3A_436 = arith.muli %shift_right_logical3A_433, %mul3A_435 : vector<16xi32>
    %and3A_437 = arith.constant 7 : i32
    %and3A_438 = vector.broadcast %and3A_437 : i32 to vector<16xi32>
    %and3A_439 = arith.andi %and3A_109, %and3A_438 : vector<16xi32>
    %mul3A_440 = arith.constant 128 : i32
    %mul3A_441 = vector.broadcast %mul3A_440 : i32 to vector<16xi32>
    %mul3A_442 = arith.muli %and3A_439, %mul3A_441 : vector<16xi32>
    %add3A_443 = arith.addi %mul3A_436, %mul3A_442 : vector<16xi32>
    %add3A_444 = arith.addi %add3A_443, %iota3A : vector<16xi32>
    %shift_right_logical3A_445 = arith.constant 3 : i32
    %shift_right_logical3A_446 = vector.broadcast %shift_right_logical3A_445 : i32 to vector<16xi32>
    %shift_right_logical3A_447 = arith.shrui %and3A_115, %shift_right_logical3A_446 : vector<16xi32>
    %mul3A_448 = arith.constant 4096 : i32
    %mul3A_449 = vector.broadcast %mul3A_448 : i32 to vector<16xi32>
    %mul3A_450 = arith.muli %shift_right_logical3A_447, %mul3A_449 : vector<16xi32>
    %and3A_451 = arith.constant 7 : i32
    %and3A_452 = vector.broadcast %and3A_451 : i32 to vector<16xi32>
    %and3A_453 = arith.andi %and3A_115, %and3A_452 : vector<16xi32>
    %mul3A_454 = arith.constant 128 : i32
    %mul3A_455 = vector.broadcast %mul3A_454 : i32 to vector<16xi32>
    %mul3A_456 = arith.muli %and3A_453, %mul3A_455 : vector<16xi32>
    %add3A_457 = arith.addi %mul3A_450, %mul3A_456 : vector<16xi32>
    %add3A_458 = arith.addi %add3A_457, %iota3A : vector<16xi32>
    %shift_right_logical3A_459 = arith.constant 3 : i32
    %shift_right_logical3A_460 = vector.broadcast %shift_right_logical3A_459 : i32 to vector<16xi32>
    %shift_right_logical3A_461 = arith.shrui %and3A_121, %shift_right_logical3A_460 : vector<16xi32>
    %mul3A_462 = arith.constant 4096 : i32
    %mul3A_463 = vector.broadcast %mul3A_462 : i32 to vector<16xi32>
    %mul3A_464 = arith.muli %shift_right_logical3A_461, %mul3A_463 : vector<16xi32>
    %and3A_465 = arith.constant 7 : i32
    %and3A_466 = vector.broadcast %and3A_465 : i32 to vector<16xi32>
    %and3A_467 = arith.andi %and3A_121, %and3A_466 : vector<16xi32>
    %mul3A_468 = arith.constant 128 : i32
    %mul3A_469 = vector.broadcast %mul3A_468 : i32 to vector<16xi32>
    %mul3A_470 = arith.muli %and3A_467, %mul3A_469 : vector<16xi32>
    %add3A_471 = arith.addi %mul3A_464, %mul3A_470 : vector<16xi32>
    %add3A_472 = arith.addi %add3A_471, %iota3A : vector<16xi32>
    %shift_right_logical3A_473 = arith.constant 3 : i32
    %shift_right_logical3A_474 = vector.broadcast %shift_right_logical3A_473 : i32 to vector<16xi32>
    %shift_right_logical3A_475 = arith.shrui %and3A_127, %shift_right_logical3A_474 : vector<16xi32>
    %mul3A_476 = arith.constant 4096 : i32
    %mul3A_477 = vector.broadcast %mul3A_476 : i32 to vector<16xi32>
    %mul3A_478 = arith.muli %shift_right_logical3A_475, %mul3A_477 : vector<16xi32>
    %and3A_479 = arith.constant 7 : i32
    %and3A_480 = vector.broadcast %and3A_479 : i32 to vector<16xi32>
    %and3A_481 = arith.andi %and3A_127, %and3A_480 : vector<16xi32>
    %mul3A_482 = arith.constant 128 : i32
    %mul3A_483 = vector.broadcast %mul3A_482 : i32 to vector<16xi32>
    %mul3A_484 = arith.muli %and3A_481, %mul3A_483 : vector<16xi32>
    %add3A_485 = arith.addi %mul3A_478, %mul3A_484 : vector<16xi32>
    %add3A_486 = arith.addi %add3A_485, %iota3A : vector<16xi32>
    %shift_right_logical3A_487 = arith.constant 3 : i32
    %shift_right_logical3A_488 = vector.broadcast %shift_right_logical3A_487 : i32 to vector<16xi32>
    %shift_right_logical3A_489 = arith.shrui %and3A_133, %shift_right_logical3A_488 : vector<16xi32>
    %mul3A_490 = arith.constant 4096 : i32
    %mul3A_491 = vector.broadcast %mul3A_490 : i32 to vector<16xi32>
    %mul3A_492 = arith.muli %shift_right_logical3A_489, %mul3A_491 : vector<16xi32>
    %and3A_493 = arith.constant 7 : i32
    %and3A_494 = vector.broadcast %and3A_493 : i32 to vector<16xi32>
    %and3A_495 = arith.andi %and3A_133, %and3A_494 : vector<16xi32>
    %mul3A_496 = arith.constant 128 : i32
    %mul3A_497 = vector.broadcast %mul3A_496 : i32 to vector<16xi32>
    %mul3A_498 = arith.muli %and3A_495, %mul3A_497 : vector<16xi32>
    %add3A_499 = arith.addi %mul3A_492, %mul3A_498 : vector<16xi32>
    %add3A_500 = arith.addi %add3A_499, %iota3A : vector<16xi32>
    %shift_right_logical3A_501 = arith.constant 3 : i32
    %shift_right_logical3A_502 = vector.broadcast %shift_right_logical3A_501 : i32 to vector<16xi32>
    %shift_right_logical3A_503 = arith.shrui %and3A_139, %shift_right_logical3A_502 : vector<16xi32>
    %mul3A_504 = arith.constant 4096 : i32
    %mul3A_505 = vector.broadcast %mul3A_504 : i32 to vector<16xi32>
    %mul3A_506 = arith.muli %shift_right_logical3A_503, %mul3A_505 : vector<16xi32>
    %and3A_507 = arith.constant 7 : i32
    %and3A_508 = vector.broadcast %and3A_507 : i32 to vector<16xi32>
    %and3A_509 = arith.andi %and3A_139, %and3A_508 : vector<16xi32>
    %mul3A_510 = arith.constant 128 : i32
    %mul3A_511 = vector.broadcast %mul3A_510 : i32 to vector<16xi32>
    %mul3A_512 = arith.muli %and3A_509, %mul3A_511 : vector<16xi32>
    %add3A_513 = arith.addi %mul3A_506, %mul3A_512 : vector<16xi32>
    %add3A_514 = arith.addi %add3A_513, %iota3A : vector<16xi32>
    %shift_right_logical3A_515 = arith.constant 3 : i32
    %shift_right_logical3A_516 = vector.broadcast %shift_right_logical3A_515 : i32 to vector<16xi32>
    %shift_right_logical3A_517 = arith.shrui %and3A_145, %shift_right_logical3A_516 : vector<16xi32>
    %mul3A_518 = arith.constant 4096 : i32
    %mul3A_519 = vector.broadcast %mul3A_518 : i32 to vector<16xi32>
    %mul3A_520 = arith.muli %shift_right_logical3A_517, %mul3A_519 : vector<16xi32>
    %and3A_521 = arith.constant 7 : i32
    %and3A_522 = vector.broadcast %and3A_521 : i32 to vector<16xi32>
    %and3A_523 = arith.andi %and3A_145, %and3A_522 : vector<16xi32>
    %mul3A_524 = arith.constant 128 : i32
    %mul3A_525 = vector.broadcast %mul3A_524 : i32 to vector<16xi32>
    %mul3A_526 = arith.muli %and3A_523, %mul3A_525 : vector<16xi32>
    %add3A_527 = arith.addi %mul3A_520, %mul3A_526 : vector<16xi32>
    %add3A_528 = arith.addi %add3A_527, %iota3A : vector<16xi32>
    %shift_right_logical3A_529 = arith.constant 3 : i32
    %shift_right_logical3A_530 = vector.broadcast %shift_right_logical3A_529 : i32 to vector<16xi32>
    %shift_right_logical3A_531 = arith.shrui %and3A_151, %shift_right_logical3A_530 : vector<16xi32>
    %mul3A_532 = arith.constant 4096 : i32
    %mul3A_533 = vector.broadcast %mul3A_532 : i32 to vector<16xi32>
    %mul3A_534 = arith.muli %shift_right_logical3A_531, %mul3A_533 : vector<16xi32>
    %and3A_535 = arith.constant 7 : i32
    %and3A_536 = vector.broadcast %and3A_535 : i32 to vector<16xi32>
    %and3A_537 = arith.andi %and3A_151, %and3A_536 : vector<16xi32>
    %mul3A_538 = arith.constant 128 : i32
    %mul3A_539 = vector.broadcast %mul3A_538 : i32 to vector<16xi32>
    %mul3A_540 = arith.muli %and3A_537, %mul3A_539 : vector<16xi32>
    %add3A_541 = arith.addi %mul3A_534, %mul3A_540 : vector<16xi32>
    %add3A_542 = arith.addi %add3A_541, %iota3A : vector<16xi32>
    %shift_right_logical3A_543 = arith.constant 3 : i32
    %shift_right_logical3A_544 = vector.broadcast %shift_right_logical3A_543 : i32 to vector<16xi32>
    %shift_right_logical3A_545 = arith.shrui %and3A_157, %shift_right_logical3A_544 : vector<16xi32>
    %mul3A_546 = arith.constant 4096 : i32
    %mul3A_547 = vector.broadcast %mul3A_546 : i32 to vector<16xi32>
    %mul3A_548 = arith.muli %shift_right_logical3A_545, %mul3A_547 : vector<16xi32>
    %and3A_549 = arith.constant 7 : i32
    %and3A_550 = vector.broadcast %and3A_549 : i32 to vector<16xi32>
    %and3A_551 = arith.andi %and3A_157, %and3A_550 : vector<16xi32>
    %mul3A_552 = arith.constant 128 : i32
    %mul3A_553 = vector.broadcast %mul3A_552 : i32 to vector<16xi32>
    %mul3A_554 = arith.muli %and3A_551, %mul3A_553 : vector<16xi32>
    %add3A_555 = arith.addi %mul3A_548, %mul3A_554 : vector<16xi32>
    %add3A_556 = arith.addi %add3A_555, %iota3A : vector<16xi32>
    %shift_right_logical3A_557 = arith.constant 3 : i32
    %shift_right_logical3A_558 = vector.broadcast %shift_right_logical3A_557 : i32 to vector<16xi32>
    %shift_right_logical3A_559 = arith.shrui %and3A_163, %shift_right_logical3A_558 : vector<16xi32>
    %mul3A_560 = arith.constant 4096 : i32
    %mul3A_561 = vector.broadcast %mul3A_560 : i32 to vector<16xi32>
    %mul3A_562 = arith.muli %shift_right_logical3A_559, %mul3A_561 : vector<16xi32>
    %and3A_563 = arith.constant 7 : i32
    %and3A_564 = vector.broadcast %and3A_563 : i32 to vector<16xi32>
    %and3A_565 = arith.andi %and3A_163, %and3A_564 : vector<16xi32>
    %mul3A_566 = arith.constant 128 : i32
    %mul3A_567 = vector.broadcast %mul3A_566 : i32 to vector<16xi32>
    %mul3A_568 = arith.muli %and3A_565, %mul3A_567 : vector<16xi32>
    %add3A_569 = arith.addi %mul3A_562, %mul3A_568 : vector<16xi32>
    %add3A_570 = arith.addi %add3A_569, %iota3A : vector<16xi32>
    %shift_right_logical3A_571 = arith.constant 3 : i32
    %shift_right_logical3A_572 = vector.broadcast %shift_right_logical3A_571 : i32 to vector<16xi32>
    %shift_right_logical3A_573 = arith.shrui %and3A_169, %shift_right_logical3A_572 : vector<16xi32>
    %mul3A_574 = arith.constant 4096 : i32
    %mul3A_575 = vector.broadcast %mul3A_574 : i32 to vector<16xi32>
    %mul3A_576 = arith.muli %shift_right_logical3A_573, %mul3A_575 : vector<16xi32>
    %and3A_577 = arith.constant 7 : i32
    %and3A_578 = vector.broadcast %and3A_577 : i32 to vector<16xi32>
    %and3A_579 = arith.andi %and3A_169, %and3A_578 : vector<16xi32>
    %mul3A_580 = arith.constant 128 : i32
    %mul3A_581 = vector.broadcast %mul3A_580 : i32 to vector<16xi32>
    %mul3A_582 = arith.muli %and3A_579, %mul3A_581 : vector<16xi32>
    %add3A_583 = arith.addi %mul3A_576, %mul3A_582 : vector<16xi32>
    %add3A_584 = arith.addi %add3A_583, %iota3A : vector<16xi32>
    %shift_right_logical3A_585 = arith.constant 3 : i32
    %shift_right_logical3A_586 = vector.broadcast %shift_right_logical3A_585 : i32 to vector<16xi32>
    %shift_right_logical3A_587 = arith.shrui %and3A_175, %shift_right_logical3A_586 : vector<16xi32>
    %mul3A_588 = arith.constant 4096 : i32
    %mul3A_589 = vector.broadcast %mul3A_588 : i32 to vector<16xi32>
    %mul3A_590 = arith.muli %shift_right_logical3A_587, %mul3A_589 : vector<16xi32>
    %and3A_591 = arith.constant 7 : i32
    %and3A_592 = vector.broadcast %and3A_591 : i32 to vector<16xi32>
    %and3A_593 = arith.andi %and3A_175, %and3A_592 : vector<16xi32>
    %mul3A_594 = arith.constant 128 : i32
    %mul3A_595 = vector.broadcast %mul3A_594 : i32 to vector<16xi32>
    %mul3A_596 = arith.muli %and3A_593, %mul3A_595 : vector<16xi32>
    %add3A_597 = arith.addi %mul3A_590, %mul3A_596 : vector<16xi32>
    %add3A_598 = arith.addi %add3A_597, %iota3A : vector<16xi32>
    %shift_right_logical3A_599 = arith.constant 3 : i32
    %shift_right_logical3A_600 = vector.broadcast %shift_right_logical3A_599 : i32 to vector<16xi32>
    %shift_right_logical3A_601 = arith.shrui %and3A_181, %shift_right_logical3A_600 : vector<16xi32>
    %mul3A_602 = arith.constant 4096 : i32
    %mul3A_603 = vector.broadcast %mul3A_602 : i32 to vector<16xi32>
    %mul3A_604 = arith.muli %shift_right_logical3A_601, %mul3A_603 : vector<16xi32>
    %and3A_605 = arith.constant 7 : i32
    %and3A_606 = vector.broadcast %and3A_605 : i32 to vector<16xi32>
    %and3A_607 = arith.andi %and3A_181, %and3A_606 : vector<16xi32>
    %mul3A_608 = arith.constant 128 : i32
    %mul3A_609 = vector.broadcast %mul3A_608 : i32 to vector<16xi32>
    %mul3A_610 = arith.muli %and3A_607, %mul3A_609 : vector<16xi32>
    %add3A_611 = arith.addi %mul3A_604, %mul3A_610 : vector<16xi32>
    %add3A_612 = arith.addi %add3A_611, %iota3A : vector<16xi32>
    %shift_right_logical3A_613 = arith.constant 3 : i32
    %shift_right_logical3A_614 = vector.broadcast %shift_right_logical3A_613 : i32 to vector<16xi32>
    %shift_right_logical3A_615 = arith.shrui %and3A_187, %shift_right_logical3A_614 : vector<16xi32>
    %mul3A_616 = arith.constant 4096 : i32
    %mul3A_617 = vector.broadcast %mul3A_616 : i32 to vector<16xi32>
    %mul3A_618 = arith.muli %shift_right_logical3A_615, %mul3A_617 : vector<16xi32>
    %and3A_619 = arith.constant 7 : i32
    %and3A_620 = vector.broadcast %and3A_619 : i32 to vector<16xi32>
    %and3A_621 = arith.andi %and3A_187, %and3A_620 : vector<16xi32>
    %mul3A_622 = arith.constant 128 : i32
    %mul3A_623 = vector.broadcast %mul3A_622 : i32 to vector<16xi32>
    %mul3A_624 = arith.muli %and3A_621, %mul3A_623 : vector<16xi32>
    %add3A_625 = arith.addi %mul3A_618, %mul3A_624 : vector<16xi32>
    %add3A_626 = arith.addi %add3A_625, %iota3A : vector<16xi32>
    %shift_right_logical3A_627 = arith.constant 3 : i32
    %shift_right_logical3A_628 = vector.broadcast %shift_right_logical3A_627 : i32 to vector<16xi32>
    %shift_right_logical3A_629 = arith.shrui %and3A_193, %shift_right_logical3A_628 : vector<16xi32>
    %mul3A_630 = arith.constant 4096 : i32
    %mul3A_631 = vector.broadcast %mul3A_630 : i32 to vector<16xi32>
    %mul3A_632 = arith.muli %shift_right_logical3A_629, %mul3A_631 : vector<16xi32>
    %and3A_633 = arith.constant 7 : i32
    %and3A_634 = vector.broadcast %and3A_633 : i32 to vector<16xi32>
    %and3A_635 = arith.andi %and3A_193, %and3A_634 : vector<16xi32>
    %mul3A_636 = arith.constant 128 : i32
    %mul3A_637 = vector.broadcast %mul3A_636 : i32 to vector<16xi32>
    %mul3A_638 = arith.muli %and3A_635, %mul3A_637 : vector<16xi32>
    %add3A_639 = arith.addi %mul3A_632, %mul3A_638 : vector<16xi32>
    %add3A_640 = arith.addi %add3A_639, %iota3A : vector<16xi32>
    %dma_start3A = arith.constant 0 : i32
    %dma_start3A_641 = tpu.memref_slice %arg2[%dma_start3A, %mul3A_2] : memref<200x16384xi32, #tpu.memory_space<hbm>> -> memref<1x512xi32, #tpu.memory_space<hbm>>
    %dma_start3A_642 = tpu.memref_squeeze %dma_start3A_641 : memref<1x512xi32, #tpu.memory_space<hbm>> -> memref<512xi32, #tpu.memory_space<hbm>>
    %dma_start3A_643 = tpu.memref_slice %arg2[%dma_start3A, %mul3A_2] : memref<200x16384xi32, #tpu.memory_space<hbm>> -> memref<1x512xi32, #tpu.memory_space<hbm>>
    %dma_start3A_644 = tpu.memref_squeeze %dma_start3A_643 : memref<1x512xi32, #tpu.memory_space<hbm>> -> memref<512xi32, #tpu.memory_space<hbm>>
    tpu.enqueue_dma source(%dma_start3A_644 : memref<512xi32, #tpu.memory_space<hbm>>) target(%arg5 : memref<512xi32, #tpu.memory_space<vmem>>) target_semaphore(%arg11 : memref<!tpu.dma_semaphore, #tpu.memory_space<semaphore_mem>>)
    %dma_start3A_645 = arith.constant 1 : i32
    %dma_start3A_646 = tpu.memref_slice %arg2[%dma_start3A_645, %mul3A_2] : memref<200x16384xi32, #tpu.memory_space<hbm>> -> memref<1x512xi32, #tpu.memory_space<hbm>>
    %dma_start3A_647 = tpu.memref_squeeze %dma_start3A_646 : memref<1x512xi32, #tpu.memory_space<hbm>> -> memref<512xi32, #tpu.memory_space<hbm>>
    %dma_start3A_648 = tpu.memref_slice %arg2[%dma_start3A_645, %mul3A_2] : memref<200x16384xi32, #tpu.memory_space<hbm>> -> memref<1x512xi32, #tpu.memory_space<hbm>>
    %dma_start3A_649 = tpu.memref_squeeze %dma_start3A_648 : memref<1x512xi32, #tpu.memory_space<hbm>> -> memref<512xi32, #tpu.memory_space<hbm>>
    tpu.enqueue_dma source(%dma_start3A_649 : memref<512xi32, #tpu.memory_space<hbm>>) target(%arg6 : memref<512xi32, #tpu.memory_space<vmem>>) target_semaphore(%arg12 : memref<!tpu.dma_semaphore, #tpu.memory_space<semaphore_mem>>)
    %scan3A = arith.constant 0 : i32
    %scan3A_650 = arith.constant 0 : i32
    %scan3A_651 = arith.constant 101 : i32
    %scan3A_652 = arith.addi %scan3A_650, %scan3A_651 : i32
    %scan3A_653 = arith.constant 1 : i32
    scf.for %scan3A_750 = %scan3A_650 to %scan3A_652 step %scan3A_653  : i32 {
      %mul3A_751 = arith.constant 2 : i32
      %mul3A_752 = arith.muli %mul3A_751, %scan3A_750 : i32
      %add3A_753 = arith.constant 0 : i32
      %add3A_754 = arith.addi %mul3A_752, %add3A_753 : i32
      %lt3A = arith.constant 200 : i32
      %lt3A_755 = arith.cmpi slt, %add3A_754, %lt3A : i32
      %convert_element_type3A = arith.extui %lt3A_755 : i1 to i32
      %cond3A = arith.constant 0 : i32
      %cond3A_756 = arith.cmpi ne, %convert_element_type3A, %cond3A : i32
      scf.if %cond3A_756 {
        %dma_wait3A_780 = tpu.memref_slice %arg2[%add3A_754, %mul3A_2] : memref<200x16384xi32, #tpu.memory_space<hbm>> -> memref<1x512xi32, #tpu.memory_space<hbm>>
        %dma_wait3A_781 = tpu.memref_squeeze %dma_wait3A_780 : memref<1x512xi32, #tpu.memory_space<hbm>> -> memref<512xi32, #tpu.memory_space<hbm>>
        %dma_wait3A_782 = tpu.memref_slice %arg2[%add3A_754, %mul3A_2] : memref<200x16384xi32, #tpu.memory_space<hbm>> -> memref<1x512xi32, #tpu.memory_space<hbm>>
        %dma_wait3A_783 = tpu.memref_squeeze %dma_wait3A_782 : memref<1x512xi32, #tpu.memory_space<hbm>> -> memref<512xi32, #tpu.memory_space<hbm>>
        tpu.wait_dma2 semaphore(%arg11 : memref<!tpu.dma_semaphore, #tpu.memory_space<semaphore_mem>>) src(%dma_wait3A_783 : memref<512xi32, #tpu.memory_space<hbm>>) dst(%arg5 : memref<512xi32, #tpu.memory_space<vmem>>)
        %dma_start3A_784 = arith.constant 0 : i32
        %dma_start3A_785 = arith.constant 0 : i32
        %dma_start3A_786 = tpu.memref_slice %arg3[%dma_start3A_784, %dma_start3A_785] : memref<1000000x32xf32, #tpu.memory_space<hbm>> -> memref<1000000x32xf32, #tpu.memory_space<hbm>>
        tpu.enqueue_indirect_dma source(%dma_start3A_786 : memref<1000000x32xf32, #tpu.memory_space<hbm>>) target(%arg7 : memref<512x32xf32, #tpu.memory_space<vmem>>) offsets(%arg5 : memref<512xi32, #tpu.memory_space<vmem>>) semaphore(%arg13 : memref<!tpu.dma_semaphore, #tpu.memory_space<semaphore_mem>>)
      } else {
      }
      %ge3A = arith.constant 1 : i32
      %ge3A_757 = arith.cmpi sge, %add3A_754, %ge3A : i32
      %le3A = arith.constant 200 : i32
      %le3A_758 = arith.cmpi sle, %add3A_754, %le3A : i32
      %and3A_759 = arith.andi %ge3A_757, %le3A_758 : i1
      %convert_element_type3A_760 = arith.extui %and3A_759 : i1 to i32
      %cond3A_761 = arith.constant 0 : i32
      %cond3A_762 = arith.cmpi ne, %convert_element_type3A_760, %cond3A_761 : i32
      scf.if %cond3A_762 {
        %dma_wait3A_780 = arith.constant 0 : i32
        %dma_wait3A_781 = arith.constant 0 : i32
        %dma_wait3A_782 = tpu.memref_slice %arg3[%dma_wait3A_780, %dma_wait3A_781] : memref<1000000x32xf32, #tpu.memory_space<hbm>> -> memref<1000000x32xf32, #tpu.memory_space<hbm>>
        tpu.wait_indirect_dma semaphore(%arg14 : memref<!tpu.dma_semaphore, #tpu.memory_space<semaphore_mem>>) src(%dma_wait3A_782 : memref<1000000x32xf32, #tpu.memory_space<hbm>>) dst(%arg8 : memref<512x32xf32, #tpu.memory_space<vmem>>)
        %add3A_783 = arith.constant 1 : i32
        %add3A_784 = arith.addi %add3A_754, %add3A_783 : i32
        %lt3A_785 = arith.constant 200 : i32
        %lt3A_786 = arith.cmpi slt, %add3A_784, %lt3A_785 : i32
        %convert_element_type3A_787 = arith.extui %lt3A_786 : i1 to i32
        %cond3A_788 = arith.constant 0 : i32
        %cond3A_789 = arith.cmpi ne, %convert_element_type3A_787, %cond3A_788 : i32
        scf.if %cond3A_789 {
          %add3A_846 = arith.constant 1 : i32
          %add3A_847 = arith.addi %add3A_754, %add3A_846 : i32
          %dma_start3A_848 = tpu.memref_slice %arg2[%add3A_847, %mul3A_2] : memref<200x16384xi32, #tpu.memory_space<hbm>> -> memref<1x512xi32, #tpu.memory_space<hbm>>
          %dma_start3A_849 = tpu.memref_squeeze %dma_start3A_848 : memref<1x512xi32, #tpu.memory_space<hbm>> -> memref<512xi32, #tpu.memory_space<hbm>>
          %dma_start3A_850 = tpu.memref_slice %arg2[%add3A_847, %mul3A_2] : memref<200x16384xi32, #tpu.memory_space<hbm>> -> memref<1x512xi32, #tpu.memory_space<hbm>>
          %dma_start3A_851 = tpu.memref_squeeze %dma_start3A_850 : memref<1x512xi32, #tpu.memory_space<hbm>> -> memref<512xi32, #tpu.memory_space<hbm>>
          tpu.enqueue_dma source(%dma_start3A_851 : memref<512xi32, #tpu.memory_space<hbm>>) target(%arg6 : memref<512xi32, #tpu.memory_space<vmem>>) target_semaphore(%arg12 : memref<!tpu.dma_semaphore, #tpu.memory_space<semaphore_mem>>)
        } else {
        }
        %ge3A_790 = arith.constant 3 : i32
        %ge3A_791 = arith.cmpi sge, %add3A_754, %ge3A_790 : i32
        %convert_element_type3A_792 = arith.extui %ge3A_791 : i1 to i32
        %cond3A_793 = arith.constant 0 : i32
        %cond3A_794 = arith.cmpi ne, %convert_element_type3A_792, %cond3A_793 : i32
        scf.if %cond3A_794 {
          %sub3A_846 = arith.constant 3 : i32
          %sub3A_847 = arith.subi %add3A_754, %sub3A_846 : i32
          %mul3A_848 = arith.constant 4096 : i32
          %mul3A_849 = arith.muli %add3A, %mul3A_848 : i32
          %dma_wait3A_850 = arith.constant 0 : i32
          %dma_wait3A_851 = arith.constant 0 : i32
          %dma_wait3A_852 = tpu.memref_slice %arg10[%dma_wait3A_851] : memref<16384xf32, #tpu.memory_space<vmem>> -> memref<4096xf32, #tpu.memory_space<vmem>>
          %dma_wait3A_853 = tpu.memref_slice %arg4[%sub3A_847, %dma_wait3A_850, %mul3A_849] : memref<200x4x131072xf32, #tpu.memory_space<hbm>> -> memref<1x1x4096xf32, #tpu.memory_space<hbm>>
          %dma_wait3A_854 = tpu.memref_squeeze %dma_wait3A_853 : memref<1x1x4096xf32, #tpu.memory_space<hbm>> -> memref<4096xf32, #tpu.memory_space<hbm>>
          %dma_wait3A_855 = tpu.memref_slice %arg4[%sub3A_847, %dma_wait3A_850, %mul3A_849] : memref<200x4x131072xf32, #tpu.memory_space<hbm>> -> memref<1x1x4096xf32, #tpu.memory_space<hbm>>
          %dma_wait3A_856 = tpu.memref_squeeze %dma_wait3A_855 : memref<1x1x4096xf32, #tpu.memory_space<hbm>> -> memref<4096xf32, #tpu.memory_space<hbm>>
          %dma_wait3A_857 = arith.constant 0 : i32
          %dma_wait3A_858 = tpu.memref_slice %arg10[%dma_wait3A_857] : memref<16384xf32, #tpu.memory_space<vmem>> -> memref<4096xf32, #tpu.memory_space<vmem>>
          tpu.wait_dma2 semaphore(%arg16 : memref<!tpu.dma_semaphore, #tpu.memory_space<semaphore_mem>>) src(%dma_wait3A_858 : memref<4096xf32, #tpu.memory_space<vmem>>) dst(%dma_wait3A_856 : memref<4096xf32, #tpu.memory_space<hbm>>)
          %mul3A_859 = arith.constant 4096 : i32
          %mul3A_860 = arith.muli %add3A, %mul3A_859 : i32
          %dma_wait3A_861 = arith.constant 1 : i32
          %dma_wait3A_862 = arith.constant 4096 : i32
          %dma_wait3A_863 = tpu.memref_slice %arg10[%dma_wait3A_862] : memref<16384xf32, #tpu.memory_space<vmem>> -> memref<4096xf32, #tpu.memory_space<vmem>>
          %dma_wait3A_864 = tpu.memref_slice %arg4[%sub3A_847, %dma_wait3A_861, %mul3A_860] : memref<200x4x131072xf32, #tpu.memory_space<hbm>> -> memref<1x1x4096xf32, #tpu.memory_space<hbm>>
          %dma_wait3A_865 = tpu.memref_squeeze %dma_wait3A_864 : memref<1x1x4096xf32, #tpu.memory_space<hbm>> -> memref<4096xf32, #tpu.memory_space<hbm>>
          %dma_wait3A_866 = tpu.memref_slice %arg4[%sub3A_847, %dma_wait3A_861, %mul3A_860] : memref<200x4x131072xf32, #tpu.memory_space<hbm>> -> memref<1x1x4096xf32, #tpu.memory_space<hbm>>
          %dma_wait3A_867 = tpu.memref_squeeze %dma_wait3A_866 : memref<1x1x4096xf32, #tpu.memory_space<hbm>> -> memref<4096xf32, #tpu.memory_space<hbm>>
          %dma_wait3A_868 = arith.constant 4096 : i32
          %dma_wait3A_869 = tpu.memref_slice %arg10[%dma_wait3A_868] : memref<16384xf32, #tpu.memory_space<vmem>> -> memref<4096xf32, #tpu.memory_space<vmem>>
          tpu.wait_dma2 semaphore(%arg16 : memref<!tpu.dma_semaphore, #tpu.memory_space<semaphore_mem>>) src(%dma_wait3A_869 : memref<4096xf32, #tpu.memory_space<vmem>>) dst(%dma_wait3A_867 : memref<4096xf32, #tpu.memory_space<hbm>>)
          %mul3A_870 = arith.constant 4096 : i32
          %mul3A_871 = arith.muli %add3A, %mul3A_870 : i32
          %dma_wait3A_872 = arith.constant 2 : i32
          %dma_wait3A_873 = arith.constant 8192 : i32
          %dma_wait3A_874 = tpu.memref_slice %arg10[%dma_wait3A_873] : memref<16384xf32, #tpu.memory_space<vmem>> -> memref<4096xf32, #tpu.memory_space<vmem>>
          %dma_wait3A_875 = tpu.memref_slice %arg4[%sub3A_847, %dma_wait3A_872, %mul3A_871] : memref<200x4x131072xf32, #tpu.memory_space<hbm>> -> memref<1x1x4096xf32, #tpu.memory_space<hbm>>
          %dma_wait3A_876 = tpu.memref_squeeze %dma_wait3A_875 : memref<1x1x4096xf32, #tpu.memory_space<hbm>> -> memref<4096xf32, #tpu.memory_space<hbm>>
          %dma_wait3A_877 = tpu.memref_slice %arg4[%sub3A_847, %dma_wait3A_872, %mul3A_871] : memref<200x4x131072xf32, #tpu.memory_space<hbm>> -> memref<1x1x4096xf32, #tpu.memory_space<hbm>>
          %dma_wait3A_878 = tpu.memref_squeeze %dma_wait3A_877 : memref<1x1x4096xf32, #tpu.memory_space<hbm>> -> memref<4096xf32, #tpu.memory_space<hbm>>
          %dma_wait3A_879 = arith.constant 8192 : i32
          %dma_wait3A_880 = tpu.memref_slice %arg10[%dma_wait3A_879] : memref<16384xf32, #tpu.memory_space<vmem>> -> memref<4096xf32, #tpu.memory_space<vmem>>
          tpu.wait_dma2 semaphore(%arg16 : memref<!tpu.dma_semaphore, #tpu.memory_space<semaphore_mem>>) src(%dma_wait3A_880 : memref<4096xf32, #tpu.memory_space<vmem>>) dst(%dma_wait3A_878 : memref<4096xf32, #tpu.memory_space<hbm>>)
          %mul3A_881 = arith.constant 4096 : i32
          %mul3A_882 = arith.muli %add3A, %mul3A_881 : i32
          %dma_wait3A_883 = arith.constant 3 : i32
          %dma_wait3A_884 = arith.constant 12288 : i32
          %dma_wait3A_885 = tpu.memref_slice %arg10[%dma_wait3A_884] : memref<16384xf32, #tpu.memory_space<vmem>> -> memref<4096xf32, #tpu.memory_space<vmem>>
          %dma_wait3A_886 = tpu.memref_slice %arg4[%sub3A_847, %dma_wait3A_883, %mul3A_882] : memref<200x4x131072xf32, #tpu.memory_space<hbm>> -> memref<1x1x4096xf32, #tpu.memory_space<hbm>>
          %dma_wait3A_887 = tpu.memref_squeeze %dma_wait3A_886 : memref<1x1x4096xf32, #tpu.memory_space<hbm>> -> memref<4096xf32, #tpu.memory_space<hbm>>
          %dma_wait3A_888 = tpu.memref_slice %arg4[%sub3A_847, %dma_wait3A_883, %mul3A_882] : memref<200x4x131072xf32, #tpu.memory_space<hbm>> -> memref<1x1x4096xf32, #tpu.memory_space<hbm>>
          %dma_wait3A_889 = tpu.memref_squeeze %dma_wait3A_888 : memref<1x1x4096xf32, #tpu.memory_space<hbm>> -> memref<4096xf32, #tpu.memory_space<hbm>>
          %dma_wait3A_890 = arith.constant 12288 : i32
          %dma_wait3A_891 = tpu.memref_slice %arg10[%dma_wait3A_890] : memref<16384xf32, #tpu.memory_space<vmem>> -> memref<4096xf32, #tpu.memory_space<vmem>>
          tpu.wait_dma2 semaphore(%arg16 : memref<!tpu.dma_semaphore, #tpu.memory_space<semaphore_mem>>) src(%dma_wait3A_891 : memref<4096xf32, #tpu.memory_space<vmem>>) dst(%dma_wait3A_889 : memref<4096xf32, #tpu.memory_space<hbm>>)
        } else {
        }
        %scan3A_795 = arith.constant 0 : i32
        %scan3A_796 = arith.constant 0 : i32
        %scan3A_797 = arith.constant 32 : i32
        %scan3A_798 = arith.addi %scan3A_796, %scan3A_797 : i32
        %scan3A_799 = arith.constant 1 : i32
        scf.for %scan3A_846 = %scan3A_796 to %scan3A_798 step %scan3A_799  : i32 {
          %mul3A_847 = arith.constant 16 : i32
          %mul3A_848 = arith.muli %scan3A_846, %mul3A_847 : i32
          %add3A_849 = vector.broadcast %mul3A_848 : i32 to vector<16xi32>
          %add3A_850 = arith.addi %add3A_849, %iota3A : vector<16xi32>
          %shift_right_logical3A_851 = arith.constant 3 : i32
          %shift_right_logical3A_852 = arith.shrui %scan3A_846, %shift_right_logical3A_851 : i32
          %mul3A_853 = arith.constant 1024 : i32
          %mul3A_854 = arith.muli %shift_right_logical3A_852, %mul3A_853 : i32
          %and3A_855 = arith.constant 7 : i32
          %and3A_856 = arith.andi %scan3A_846, %and3A_855 : i32
          %mul3A_857 = arith.constant 16 : i32
          %mul3A_858 = arith.muli %and3A_856, %mul3A_857 : i32
          %add3A_859 = arith.addi %mul3A_854, %mul3A_858 : i32
          %gather3A = tpu.vector_load_idx %arg8[%add3A_850, %and3A_7] : memref<512x32xf32, #tpu.memory_space<vmem>>[vector<16xi32>, vector<16xi32>], vector<16xf32>,
          %add3A_860 = vector.broadcast %add3A_859 : i32 to vector<16xi32>
          %add3A_861 = arith.addi %add3A_206, %add3A_860 : vector<16xi32>
          tpu.vector_store_idx %arg10[%add3A_861], %gather3A : memref<16384xf32, #tpu.memory_space<vmem>>[vector<16xi32>], vector<16xf32>,
          %gather3A_862 = tpu.vector_load_idx %arg8[%add3A_850, %and3A_13] : memref<512x32xf32, #tpu.memory_space<vmem>>[vector<16xi32>, vector<16xi32>], vector<16xf32>,
          %add3A_863 = vector.broadcast %add3A_859 : i32 to vector<16xi32>
          %add3A_864 = arith.addi %add3A_220, %add3A_863 : vector<16xi32>
          tpu.vector_store_idx %arg10[%add3A_864], %gather3A_862 : memref<16384xf32, #tpu.memory_space<vmem>>[vector<16xi32>], vector<16xf32>,
          %gather3A_865 = tpu.vector_load_idx %arg8[%add3A_850, %and3A_19] : memref<512x32xf32, #tpu.memory_space<vmem>>[vector<16xi32>, vector<16xi32>], vector<16xf32>,
          %add3A_866 = vector.broadcast %add3A_859 : i32 to vector<16xi32>
          %add3A_867 = arith.addi %add3A_234, %add3A_866 : vector<16xi32>
          tpu.vector_store_idx %arg10[%add3A_867], %gather3A_865 : memref<16384xf32, #tpu.memory_space<vmem>>[vector<16xi32>], vector<16xf32>,
          %gather3A_868 = tpu.vector_load_idx %arg8[%add3A_850, %and3A_25] : memref<512x32xf32, #tpu.memory_space<vmem>>[vector<16xi32>, vector<16xi32>], vector<16xf32>,
          %add3A_869 = vector.broadcast %add3A_859 : i32 to vector<16xi32>
          %add3A_870 = arith.addi %add3A_248, %add3A_869 : vector<16xi32>
          tpu.vector_store_idx %arg10[%add3A_870], %gather3A_868 : memref<16384xf32, #tpu.memory_space<vmem>>[vector<16xi32>], vector<16xf32>,
          %gather3A_871 = tpu.vector_load_idx %arg8[%add3A_850, %and3A_31] : memref<512x32xf32, #tpu.memory_space<vmem>>[vector<16xi32>, vector<16xi32>], vector<16xf32>,
          %add3A_872 = vector.broadcast %add3A_859 : i32 to vector<16xi32>
          %add3A_873 = arith.addi %add3A_262, %add3A_872 : vector<16xi32>
          tpu.vector_store_idx %arg10[%add3A_873], %gather3A_871 : memref<16384xf32, #tpu.memory_space<vmem>>[vector<16xi32>], vector<16xf32>,
          %gather3A_874 = tpu.vector_load_idx %arg8[%add3A_850, %and3A_37] : memref<512x32xf32, #tpu.memory_space<vmem>>[vector<16xi32>, vector<16xi32>], vector<16xf32>,
          %add3A_875 = vector.broadcast %add3A_859 : i32 to vector<16xi32>
          %add3A_876 = arith.addi %add3A_276, %add3A_875 : vector<16xi32>
          tpu.vector_store_idx %arg10[%add3A_876], %gather3A_874 : memref<16384xf32, #tpu.memory_space<vmem>>[vector<16xi32>], vector<16xf32>,
          %gather3A_877 = tpu.vector_load_idx %arg8[%add3A_850, %and3A_43] : memref<512x32xf32, #tpu.memory_space<vmem>>[vector<16xi32>, vector<16xi32>], vector<16xf32>,
          %add3A_878 = vector.broadcast %add3A_859 : i32 to vector<16xi32>
          %add3A_879 = arith.addi %add3A_290, %add3A_878 : vector<16xi32>
          tpu.vector_store_idx %arg10[%add3A_879], %gather3A_877 : memref<16384xf32, #tpu.memory_space<vmem>>[vector<16xi32>], vector<16xf32>,
          %gather3A_880 = tpu.vector_load_idx %arg8[%add3A_850, %and3A_49] : memref<512x32xf32, #tpu.memory_space<vmem>>[vector<16xi32>, vector<16xi32>], vector<16xf32>,
          %add3A_881 = vector.broadcast %add3A_859 : i32 to vector<16xi32>
          %add3A_882 = arith.addi %add3A_304, %add3A_881 : vector<16xi32>
          tpu.vector_store_idx %arg10[%add3A_882], %gather3A_880 : memref<16384xf32, #tpu.memory_space<vmem>>[vector<16xi32>], vector<16xf32>,
          %gather3A_883 = tpu.vector_load_idx %arg8[%add3A_850, %and3A_55] : memref<512x32xf32, #tpu.memory_space<vmem>>[vector<16xi32>, vector<16xi32>], vector<16xf32>,
          %add3A_884 = vector.broadcast %add3A_859 : i32 to vector<16xi32>
          %add3A_885 = arith.addi %add3A_318, %add3A_884 : vector<16xi32>
          tpu.vector_store_idx %arg10[%add3A_885], %gather3A_883 : memref<16384xf32, #tpu.memory_space<vmem>>[vector<16xi32>], vector<16xf32>,
          %gather3A_886 = tpu.vector_load_idx %arg8[%add3A_850, %and3A_61] : memref<512x32xf32, #tpu.memory_space<vmem>>[vector<16xi32>, vector<16xi32>], vector<16xf32>,
          %add3A_887 = vector.broadcast %add3A_859 : i32 to vector<16xi32>
          %add3A_888 = arith.addi %add3A_332, %add3A_887 : vector<16xi32>
          tpu.vector_store_idx %arg10[%add3A_888], %gather3A_886 : memref<16384xf32, #tpu.memory_space<vmem>>[vector<16xi32>], vector<16xf32>,
          %gather3A_889 = tpu.vector_load_idx %arg8[%add3A_850, %and3A_67] : memref<512x32xf32, #tpu.memory_space<vmem>>[vector<16xi32>, vector<16xi32>], vector<16xf32>,
          %add3A_890 = vector.broadcast %add3A_859 : i32 to vector<16xi32>
          %add3A_891 = arith.addi %add3A_346, %add3A_890 : vector<16xi32>
          tpu.vector_store_idx %arg10[%add3A_891], %gather3A_889 : memref<16384xf32, #tpu.memory_space<vmem>>[vector<16xi32>], vector<16xf32>,
          %gather3A_892 = tpu.vector_load_idx %arg8[%add3A_850, %and3A_73] : memref<512x32xf32, #tpu.memory_space<vmem>>[vector<16xi32>, vector<16xi32>], vector<16xf32>,
          %add3A_893 = vector.broadcast %add3A_859 : i32 to vector<16xi32>
          %add3A_894 = arith.addi %add3A_360, %add3A_893 : vector<16xi32>
          tpu.vector_store_idx %arg10[%add3A_894], %gather3A_892 : memref<16384xf32, #tpu.memory_space<vmem>>[vector<16xi32>], vector<16xf32>,
          %gather3A_895 = tpu.vector_load_idx %arg8[%add3A_850, %and3A_79] : memref<512x32xf32, #tpu.memory_space<vmem>>[vector<16xi32>, vector<16xi32>], vector<16xf32>,
          %add3A_896 = vector.broadcast %add3A_859 : i32 to vector<16xi32>
          %add3A_897 = arith.addi %add3A_374, %add3A_896 : vector<16xi32>
          tpu.vector_store_idx %arg10[%add3A_897], %gather3A_895 : memref<16384xf32, #tpu.memory_space<vmem>>[vector<16xi32>], vector<16xf32>,
          %gather3A_898 = tpu.vector_load_idx %arg8[%add3A_850, %and3A_85] : memref<512x32xf32, #tpu.memory_space<vmem>>[vector<16xi32>, vector<16xi32>], vector<16xf32>,
          %add3A_899 = vector.broadcast %add3A_859 : i32 to vector<16xi32>
          %add3A_900 = arith.addi %add3A_388, %add3A_899 : vector<16xi32>
          tpu.vector_store_idx %arg10[%add3A_900], %gather3A_898 : memref<16384xf32, #tpu.memory_space<vmem>>[vector<16xi32>], vector<16xf32>,
          %gather3A_901 = tpu.vector_load_idx %arg8[%add3A_850, %and3A_91] : memref<512x32xf32, #tpu.memory_space<vmem>>[vector<16xi32>, vector<16xi32>], vector<16xf32>,
          %add3A_902 = vector.broadcast %add3A_859 : i32 to vector<16xi32>
          %add3A_903 = arith.addi %add3A_402, %add3A_902 : vector<16xi32>
          tpu.vector_store_idx %arg10[%add3A_903], %gather3A_901 : memref<16384xf32, #tpu.memory_space<vmem>>[vector<16xi32>], vector<16xf32>,
          %gather3A_904 = tpu.vector_load_idx %arg8[%add3A_850, %and3A_97] : memref<512x32xf32, #tpu.memory_space<vmem>>[vector<16xi32>, vector<16xi32>], vector<16xf32>,
          %add3A_905 = vector.broadcast %add3A_859 : i32 to vector<16xi32>
          %add3A_906 = arith.addi %add3A_416, %add3A_905 : vector<16xi32>
          tpu.vector_store_idx %arg10[%add3A_906], %gather3A_904 : memref<16384xf32, #tpu.memory_space<vmem>>[vector<16xi32>], vector<16xf32>,
          %gather3A_907 = tpu.vector_load_idx %arg8[%add3A_850, %and3A_103] : memref<512x32xf32, #tpu.memory_space<vmem>>[vector<16xi32>, vector<16xi32>], vector<16xf32>,
          %add3A_908 = vector.broadcast %add3A_859 : i32 to vector<16xi32>
          %add3A_909 = arith.addi %add3A_430, %add3A_908 : vector<16xi32>
          tpu.vector_store_idx %arg10[%add3A_909], %gather3A_907 : memref<16384xf32, #tpu.memory_space<vmem>>[vector<16xi32>], vector<16xf32>,
          %gather3A_910 = tpu.vector_load_idx %arg8[%add3A_850, %and3A_109] : memref<512x32xf32, #tpu.memory_space<vmem>>[vector<16xi32>, vector<16xi32>], vector<16xf32>,
          %add3A_911 = vector.broadcast %add3A_859 : i32 to vector<16xi32>
          %add3A_912 = arith.addi %add3A_444, %add3A_911 : vector<16xi32>
          tpu.vector_store_idx %arg10[%add3A_912], %gather3A_910 : memref<16384xf32, #tpu.memory_space<vmem>>[vector<16xi32>], vector<16xf32>,
          %gather3A_913 = tpu.vector_load_idx %arg8[%add3A_850, %and3A_115] : memref<512x32xf32, #tpu.memory_space<vmem>>[vector<16xi32>, vector<16xi32>], vector<16xf32>,
          %add3A_914 = vector.broadcast %add3A_859 : i32 to vector<16xi32>
          %add3A_915 = arith.addi %add3A_458, %add3A_914 : vector<16xi32>
          tpu.vector_store_idx %arg10[%add3A_915], %gather3A_913 : memref<16384xf32, #tpu.memory_space<vmem>>[vector<16xi32>], vector<16xf32>,
          %gather3A_916 = tpu.vector_load_idx %arg8[%add3A_850, %and3A_121] : memref<512x32xf32, #tpu.memory_space<vmem>>[vector<16xi32>, vector<16xi32>], vector<16xf32>,
          %add3A_917 = vector.broadcast %add3A_859 : i32 to vector<16xi32>
          %add3A_918 = arith.addi %add3A_472, %add3A_917 : vector<16xi32>
          tpu.vector_store_idx %arg10[%add3A_918], %gather3A_916 : memref<16384xf32, #tpu.memory_space<vmem>>[vector<16xi32>], vector<16xf32>,
          %gather3A_919 = tpu.vector_load_idx %arg8[%add3A_850, %and3A_127] : memref<512x32xf32, #tpu.memory_space<vmem>>[vector<16xi32>, vector<16xi32>], vector<16xf32>,
          %add3A_920 = vector.broadcast %add3A_859 : i32 to vector<16xi32>
          %add3A_921 = arith.addi %add3A_486, %add3A_920 : vector<16xi32>
          tpu.vector_store_idx %arg10[%add3A_921], %gather3A_919 : memref<16384xf32, #tpu.memory_space<vmem>>[vector<16xi32>], vector<16xf32>,
          %gather3A_922 = tpu.vector_load_idx %arg8[%add3A_850, %and3A_133] : memref<512x32xf32, #tpu.memory_space<vmem>>[vector<16xi32>, vector<16xi32>], vector<16xf32>,
          %add3A_923 = vector.broadcast %add3A_859 : i32 to vector<16xi32>
          %add3A_924 = arith.addi %add3A_500, %add3A_923 : vector<16xi32>
          tpu.vector_store_idx %arg10[%add3A_924], %gather3A_922 : memref<16384xf32, #tpu.memory_space<vmem>>[vector<16xi32>], vector<16xf32>,
          %gather3A_925 = tpu.vector_load_idx %arg8[%add3A_850, %and3A_139] : memref<512x32xf32, #tpu.memory_space<vmem>>[vector<16xi32>, vector<16xi32>], vector<16xf32>,
          %add3A_926 = vector.broadcast %add3A_859 : i32 to vector<16xi32>
          %add3A_927 = arith.addi %add3A_514, %add3A_926 : vector<16xi32>
          tpu.vector_store_idx %arg10[%add3A_927], %gather3A_925 : memref<16384xf32, #tpu.memory_space<vmem>>[vector<16xi32>], vector<16xf32>,
          %gather3A_928 = tpu.vector_load_idx %arg8[%add3A_850, %and3A_145] : memref<512x32xf32, #tpu.memory_space<vmem>>[vector<16xi32>, vector<16xi32>], vector<16xf32>,
          %add3A_929 = vector.broadcast %add3A_859 : i32 to vector<16xi32>
          %add3A_930 = arith.addi %add3A_528, %add3A_929 : vector<16xi32>
          tpu.vector_store_idx %arg10[%add3A_930], %gather3A_928 : memref<16384xf32, #tpu.memory_space<vmem>>[vector<16xi32>], vector<16xf32>,
          %gather3A_931 = tpu.vector_load_idx %arg8[%add3A_850, %and3A_151] : memref<512x32xf32, #tpu.memory_space<vmem>>[vector<16xi32>, vector<16xi32>], vector<16xf32>,
          %add3A_932 = vector.broadcast %add3A_859 : i32 to vector<16xi32>
          %add3A_933 = arith.addi %add3A_542, %add3A_932 : vector<16xi32>
          tpu.vector_store_idx %arg10[%add3A_933], %gather3A_931 : memref<16384xf32, #tpu.memory_space<vmem>>[vector<16xi32>], vector<16xf32>,
          %gather3A_934 = tpu.vector_load_idx %arg8[%add3A_850, %and3A_157] : memref<512x32xf32, #tpu.memory_space<vmem>>[vector<16xi32>, vector<16xi32>], vector<16xf32>,
          %add3A_935 = vector.broadcast %add3A_859 : i32 to vector<16xi32>
          %add3A_936 = arith.addi %add3A_556, %add3A_935 : vector<16xi32>
          tpu.vector_store_idx %arg10[%add3A_936], %gather3A_934 : memref<16384xf32, #tpu.memory_space<vmem>>[vector<16xi32>], vector<16xf32>,
          %gather3A_937 = tpu.vector_load_idx %arg8[%add3A_850, %and3A_163] : memref<512x32xf32, #tpu.memory_space<vmem>>[vector<16xi32>, vector<16xi32>], vector<16xf32>,
          %add3A_938 = vector.broadcast %add3A_859 : i32 to vector<16xi32>
          %add3A_939 = arith.addi %add3A_570, %add3A_938 : vector<16xi32>
          tpu.vector_store_idx %arg10[%add3A_939], %gather3A_937 : memref<16384xf32, #tpu.memory_space<vmem>>[vector<16xi32>], vector<16xf32>,
          %gather3A_940 = tpu.vector_load_idx %arg8[%add3A_850, %and3A_169] : memref<512x32xf32, #tpu.memory_space<vmem>>[vector<16xi32>, vector<16xi32>], vector<16xf32>,
          %add3A_941 = vector.broadcast %add3A_859 : i32 to vector<16xi32>
          %add3A_942 = arith.addi %add3A_584, %add3A_941 : vector<16xi32>
          tpu.vector_store_idx %arg10[%add3A_942], %gather3A_940 : memref<16384xf32, #tpu.memory_space<vmem>>[vector<16xi32>], vector<16xf32>,
          %gather3A_943 = tpu.vector_load_idx %arg8[%add3A_850, %and3A_175] : memref<512x32xf32, #tpu.memory_space<vmem>>[vector<16xi32>, vector<16xi32>], vector<16xf32>,
          %add3A_944 = vector.broadcast %add3A_859 : i32 to vector<16xi32>
          %add3A_945 = arith.addi %add3A_598, %add3A_944 : vector<16xi32>
          tpu.vector_store_idx %arg10[%add3A_945], %gather3A_943 : memref<16384xf32, #tpu.memory_space<vmem>>[vector<16xi32>], vector<16xf32>,
          %gather3A_946 = tpu.vector_load_idx %arg8[%add3A_850, %and3A_181] : memref<512x32xf32, #tpu.memory_space<vmem>>[vector<16xi32>, vector<16xi32>], vector<16xf32>,
          %add3A_947 = vector.broadcast %add3A_859 : i32 to vector<16xi32>
          %add3A_948 = arith.addi %add3A_612, %add3A_947 : vector<16xi32>
          tpu.vector_store_idx %arg10[%add3A_948], %gather3A_946 : memref<16384xf32, #tpu.memory_space<vmem>>[vector<16xi32>], vector<16xf32>,
          %gather3A_949 = tpu.vector_load_idx %arg8[%add3A_850, %and3A_187] : memref<512x32xf32, #tpu.memory_space<vmem>>[vector<16xi32>, vector<16xi32>], vector<16xf32>,
          %add3A_950 = vector.broadcast %add3A_859 : i32 to vector<16xi32>
          %add3A_951 = arith.addi %add3A_626, %add3A_950 : vector<16xi32>
          tpu.vector_store_idx %arg10[%add3A_951], %gather3A_949 : memref<16384xf32, #tpu.memory_space<vmem>>[vector<16xi32>], vector<16xf32>,
          %gather3A_952 = tpu.vector_load_idx %arg8[%add3A_850, %and3A_193] : memref<512x32xf32, #tpu.memory_space<vmem>>[vector<16xi32>, vector<16xi32>], vector<16xf32>,
          %add3A_953 = vector.broadcast %add3A_859 : i32 to vector<16xi32>
          %add3A_954 = arith.addi %add3A_640, %add3A_953 : vector<16xi32>
          tpu.vector_store_idx %arg10[%add3A_954], %gather3A_952 : memref<16384xf32, #tpu.memory_space<vmem>>[vector<16xi32>], vector<16xf32>,
        }
        %scan3A_800 = arith.constant 32 : i32
        %sub3A = arith.constant 1 : i32
        %sub3A_801 = arith.subi %add3A_754, %sub3A : i32
        %mul3A_802 = arith.constant 4096 : i32
        %mul3A_803 = arith.muli %add3A, %mul3A_802 : i32
        %dma_start3A_804 = arith.constant 0 : i32
        %dma_start3A_805 = arith.constant 0 : i32
        %dma_start3A_806 = tpu.memref_slice %arg10[%dma_start3A_805] : memref<16384xf32, #tpu.memory_space<vmem>> -> memref<4096xf32, #tpu.memory_space<vmem>>
        %dma_start3A_807 = tpu.memref_slice %arg4[%sub3A_801, %dma_start3A_804, %mul3A_803] : memref<200x4x131072xf32, #tpu.memory_space<hbm>> -> memref<1x1x4096xf32, #tpu.memory_space<hbm>>
        %dma_start3A_808 = tpu.memref_squeeze %dma_start3A_807 : memref<1x1x4096xf32, #tpu.memory_space<hbm>> -> memref<4096xf32, #tpu.memory_space<hbm>>
        %dma_start3A_809 = tpu.memref_slice %arg4[%sub3A_801, %dma_start3A_804, %mul3A_803] : memref<200x4x131072xf32, #tpu.memory_space<hbm>> -> memref<1x1x4096xf32, #tpu.memory_space<hbm>>
        %dma_start3A_810 = tpu.memref_squeeze %dma_start3A_809 : memref<1x1x4096xf32, #tpu.memory_space<hbm>> -> memref<4096xf32, #tpu.memory_space<hbm>>
        %dma_start3A_811 = arith.constant 0 : i32
        %dma_start3A_812 = tpu.memref_slice %arg10[%dma_start3A_811] : memref<16384xf32, #tpu.memory_space<vmem>> -> memref<4096xf32, #tpu.memory_space<vmem>>
        tpu.enqueue_dma source(%dma_start3A_812 : memref<4096xf32, #tpu.memory_space<vmem>>) target(%dma_start3A_810 : memref<4096xf32, #tpu.memory_space<hbm>>) target_semaphore(%arg16 : memref<!tpu.dma_semaphore, #tpu.memory_space<semaphore_mem>>)
        %mul3A_813 = arith.constant 4096 : i32
        %mul3A_814 = arith.muli %add3A, %mul3A_813 : i32
        %dma_start3A_815 = arith.constant 1 : i32
        %dma_start3A_816 = arith.constant 4096 : i32
        %dma_start3A_817 = tpu.memref_slice %arg10[%dma_start3A_816] : memref<16384xf32, #tpu.memory_space<vmem>> -> memref<4096xf32, #tpu.memory_space<vmem>>
        %dma_start3A_818 = tpu.memref_slice %arg4[%sub3A_801, %dma_start3A_815, %mul3A_814] : memref<200x4x131072xf32, #tpu.memory_space<hbm>> -> memref<1x1x4096xf32, #tpu.memory_space<hbm>>
        %dma_start3A_819 = tpu.memref_squeeze %dma_start3A_818 : memref<1x1x4096xf32, #tpu.memory_space<hbm>> -> memref<4096xf32, #tpu.memory_space<hbm>>
        %dma_start3A_820 = tpu.memref_slice %arg4[%sub3A_801, %dma_start3A_815, %mul3A_814] : memref<200x4x131072xf32, #tpu.memory_space<hbm>> -> memref<1x1x4096xf32, #tpu.memory_space<hbm>>
        %dma_start3A_821 = tpu.memref_squeeze %dma_start3A_820 : memref<1x1x4096xf32, #tpu.memory_space<hbm>> -> memref<4096xf32, #tpu.memory_space<hbm>>
        %dma_start3A_822 = arith.constant 4096 : i32
        %dma_start3A_823 = tpu.memref_slice %arg10[%dma_start3A_822] : memref<16384xf32, #tpu.memory_space<vmem>> -> memref<4096xf32, #tpu.memory_space<vmem>>
        tpu.enqueue_dma source(%dma_start3A_823 : memref<4096xf32, #tpu.memory_space<vmem>>) target(%dma_start3A_821 : memref<4096xf32, #tpu.memory_space<hbm>>) target_semaphore(%arg16 : memref<!tpu.dma_semaphore, #tpu.memory_space<semaphore_mem>>)
        %mul3A_824 = arith.constant 4096 : i32
        %mul3A_825 = arith.muli %add3A, %mul3A_824 : i32
        %dma_start3A_826 = arith.constant 2 : i32
        %dma_start3A_827 = arith.constant 8192 : i32
        %dma_start3A_828 = tpu.memref_slice %arg10[%dma_start3A_827] : memref<16384xf32, #tpu.memory_space<vmem>> -> memref<4096xf32, #tpu.memory_space<vmem>>
        %dma_start3A_829 = tpu.memref_slice %arg4[%sub3A_801, %dma_start3A_826, %mul3A_825] : memref<200x4x131072xf32, #tpu.memory_space<hbm>> -> memref<1x1x4096xf32, #tpu.memory_space<hbm>>
        %dma_start3A_830 = tpu.memref_squeeze %dma_start3A_829 : memref<1x1x4096xf32, #tpu.memory_space<hbm>> -> memref<4096xf32, #tpu.memory_space<hbm>>
        %dma_start3A_831 = tpu.memref_slice %arg4[%sub3A_801, %dma_start3A_826, %mul3A_825] : memref<200x4x131072xf32, #tpu.memory_space<hbm>> -> memref<1x1x4096xf32, #tpu.memory_space<hbm>>
        %dma_start3A_832 = tpu.memref_squeeze %dma_start3A_831 : memref<1x1x4096xf32, #tpu.memory_space<hbm>> -> memref<4096xf32, #tpu.memory_space<hbm>>
        %dma_start3A_833 = arith.constant 8192 : i32
        %dma_start3A_834 = tpu.memref_slice %arg10[%dma_start3A_833] : memref<16384xf32, #tpu.memory_space<vmem>> -> memref<4096xf32, #tpu.memory_space<vmem>>
        tpu.enqueue_dma source(%dma_start3A_834 : memref<4096xf32, #tpu.memory_space<vmem>>) target(%dma_start3A_832 : memref<4096xf32, #tpu.memory_space<hbm>>) target_semaphore(%arg16 : memref<!tpu.dma_semaphore, #tpu.memory_space<semaphore_mem>>)
        %mul3A_835 = arith.constant 4096 : i32
        %mul3A_836 = arith.muli %add3A, %mul3A_835 : i32
        %dma_start3A_837 = arith.constant 3 : i32
        %dma_start3A_838 = arith.constant 12288 : i32
        %dma_start3A_839 = tpu.memref_slice %arg10[%dma_start3A_838] : memref<16384xf32, #tpu.memory_space<vmem>> -> memref<4096xf32, #tpu.memory_space<vmem>>
        %dma_start3A_840 = tpu.memref_slice %arg4[%sub3A_801, %dma_start3A_837, %mul3A_836] : memref<200x4x131072xf32, #tpu.memory_space<hbm>> -> memref<1x1x4096xf32, #tpu.memory_space<hbm>>
        %dma_start3A_841 = tpu.memref_squeeze %dma_start3A_840 : memref<1x1x4096xf32, #tpu.memory_space<hbm>> -> memref<4096xf32, #tpu.memory_space<hbm>>
        %dma_start3A_842 = tpu.memref_slice %arg4[%sub3A_801, %dma_start3A_837, %mul3A_836] : memref<200x4x131072xf32, #tpu.memory_space<hbm>> -> memref<1x1x4096xf32, #tpu.memory_space<hbm>>
        %dma_start3A_843 = tpu.memref_squeeze %dma_start3A_842 : memref<1x1x4096xf32, #tpu.memory_space<hbm>> -> memref<4096xf32, #tpu.memory_space<hbm>>
        %dma_start3A_844 = arith.constant 12288 : i32
        %dma_start3A_845 = tpu.memref_slice %arg10[%dma_start3A_844] : memref<16384xf32, #tpu.memory_space<vmem>> -> memref<4096xf32, #tpu.memory_space<vmem>>
        tpu.enqueue_dma source(%dma_start3A_845 : memref<4096xf32, #tpu.memory_space<vmem>>) target(%dma_start3A_843 : memref<4096xf32, #tpu.memory_space<hbm>>) target_semaphore(%arg16 : memref<!tpu.dma_semaphore, #tpu.memory_space<semaphore_mem>>)
      } else {
      }
      %mul3A_763 = arith.constant 2 : i32
      %mul3A_764 = arith.muli %mul3A_763, %scan3A_750 : i32
      %add3A_765 = arith.constant 1 : i32
      %add3A_766 = arith.addi %mul3A_764, %add3A_765 : i32
      %lt3A_767 = arith.constant 200 : i32
      %lt3A_768 = arith.cmpi slt, %add3A_766, %lt3A_767 : i32
      %convert_element_type3A_769 = arith.extui %lt3A_768 : i1 to i32
      %cond3A_770 = arith.constant 0 : i32
      %cond3A_771 = arith.cmpi ne, %convert_element_type3A_769, %cond3A_770 : i32
      scf.if %cond3A_771 {
        %dma_wait3A_780 = tpu.memref_slice %arg2[%add3A_766, %mul3A_2] : memref<200x16384xi32, #tpu.memory_space<hbm>> -> memref<1x512xi32, #tpu.memory_space<hbm>>
        %dma_wait3A_781 = tpu.memref_squeeze %dma_wait3A_780 : memref<1x512xi32, #tpu.memory_space<hbm>> -> memref<512xi32, #tpu.memory_space<hbm>>
        %dma_wait3A_782 = tpu.memref_slice %arg2[%add3A_766, %mul3A_2] : memref<200x16384xi32, #tpu.memory_space<hbm>> -> memref<1x512xi32, #tpu.memory_space<hbm>>
        %dma_wait3A_783 = tpu.memref_squeeze %dma_wait3A_782 : memref<1x512xi32, #tpu.memory_space<hbm>> -> memref<512xi32, #tpu.memory_space<hbm>>
        tpu.wait_dma2 semaphore(%arg12 : memref<!tpu.dma_semaphore, #tpu.memory_space<semaphore_mem>>) src(%dma_wait3A_783 : memref<512xi32, #tpu.memory_space<hbm>>) dst(%arg6 : memref<512xi32, #tpu.memory_space<vmem>>)
        %dma_start3A_784 = arith.constant 0 : i32
        %dma_start3A_785 = arith.constant 0 : i32
        %dma_start3A_786 = tpu.memref_slice %arg3[%dma_start3A_784, %dma_start3A_785] : memref<1000000x32xf32, #tpu.memory_space<hbm>> -> memref<1000000x32xf32, #tpu.memory_space<hbm>>
        tpu.enqueue_indirect_dma source(%dma_start3A_786 : memref<1000000x32xf32, #tpu.memory_space<hbm>>) target(%arg8 : memref<512x32xf32, #tpu.memory_space<vmem>>) offsets(%arg6 : memref<512xi32, #tpu.memory_space<vmem>>) semaphore(%arg14 : memref<!tpu.dma_semaphore, #tpu.memory_space<semaphore_mem>>)
      } else {
      }
      %ge3A_772 = arith.constant 1 : i32
      %ge3A_773 = arith.cmpi sge, %add3A_766, %ge3A_772 : i32
      %le3A_774 = arith.constant 200 : i32
      %le3A_775 = arith.cmpi sle, %add3A_766, %le3A_774 : i32
      %and3A_776 = arith.andi %ge3A_773, %le3A_775 : i1
      %convert_element_type3A_777 = arith.extui %and3A_776 : i1 to i32
      %cond3A_778 = arith.constant 0 : i32
      %cond3A_779 = arith.cmpi ne, %convert_element_type3A_777, %cond3A_778 : i32
      scf.if %cond3A_779 {
        %dma_wait3A_780 = arith.constant 0 : i32
        %dma_wait3A_781 = arith.constant 0 : i32
        %dma_wait3A_782 = tpu.memref_slice %arg3[%dma_wait3A_780, %dma_wait3A_781] : memref<1000000x32xf32, #tpu.memory_space<hbm>> -> memref<1000000x32xf32, #tpu.memory_space<hbm>>
        tpu.wait_indirect_dma semaphore(%arg13 : memref<!tpu.dma_semaphore, #tpu.memory_space<semaphore_mem>>) src(%dma_wait3A_782 : memref<1000000x32xf32, #tpu.memory_space<hbm>>) dst(%arg7 : memref<512x32xf32, #tpu.memory_space<vmem>>)
        %add3A_783 = arith.constant 1 : i32
        %add3A_784 = arith.addi %add3A_766, %add3A_783 : i32
        %lt3A_785 = arith.constant 200 : i32
        %lt3A_786 = arith.cmpi slt, %add3A_784, %lt3A_785 : i32
        %convert_element_type3A_787 = arith.extui %lt3A_786 : i1 to i32
        %cond3A_788 = arith.constant 0 : i32
        %cond3A_789 = arith.cmpi ne, %convert_element_type3A_787, %cond3A_788 : i32
        scf.if %cond3A_789 {
          %add3A_846 = arith.constant 1 : i32
          %add3A_847 = arith.addi %add3A_766, %add3A_846 : i32
          %dma_start3A_848 = tpu.memref_slice %arg2[%add3A_847, %mul3A_2] : memref<200x16384xi32, #tpu.memory_space<hbm>> -> memref<1x512xi32, #tpu.memory_space<hbm>>
          %dma_start3A_849 = tpu.memref_squeeze %dma_start3A_848 : memref<1x512xi32, #tpu.memory_space<hbm>> -> memref<512xi32, #tpu.memory_space<hbm>>
          %dma_start3A_850 = tpu.memref_slice %arg2[%add3A_847, %mul3A_2] : memref<200x16384xi32, #tpu.memory_space<hbm>> -> memref<1x512xi32, #tpu.memory_space<hbm>>
          %dma_start3A_851 = tpu.memref_squeeze %dma_start3A_850 : memref<1x512xi32, #tpu.memory_space<hbm>> -> memref<512xi32, #tpu.memory_space<hbm>>
          tpu.enqueue_dma source(%dma_start3A_851 : memref<512xi32, #tpu.memory_space<hbm>>) target(%arg5 : memref<512xi32, #tpu.memory_space<vmem>>) target_semaphore(%arg11 : memref<!tpu.dma_semaphore, #tpu.memory_space<semaphore_mem>>)
        } else {
        }
        %ge3A_790 = arith.constant 3 : i32
        %ge3A_791 = arith.cmpi sge, %add3A_766, %ge3A_790 : i32
        %convert_element_type3A_792 = arith.extui %ge3A_791 : i1 to i32
        %cond3A_793 = arith.constant 0 : i32
        %cond3A_794 = arith.cmpi ne, %convert_element_type3A_792, %cond3A_793 : i32
        scf.if %cond3A_794 {
          %sub3A_846 = arith.constant 3 : i32
          %sub3A_847 = arith.subi %add3A_766, %sub3A_846 : i32
          %mul3A_848 = arith.constant 4096 : i32
          %mul3A_849 = arith.muli %add3A, %mul3A_848 : i32
          %dma_wait3A_850 = arith.constant 0 : i32
          %dma_wait3A_851 = arith.constant 0 : i32
          %dma_wait3A_852 = tpu.memref_slice %arg9[%dma_wait3A_851] : memref<16384xf32, #tpu.memory_space<vmem>> -> memref<4096xf32, #tpu.memory_space<vmem>>
          %dma_wait3A_853 = tpu.memref_slice %arg4[%sub3A_847, %dma_wait3A_850, %mul3A_849] : memref<200x4x131072xf32, #tpu.memory_space<hbm>> -> memref<1x1x4096xf32, #tpu.memory_space<hbm>>
          %dma_wait3A_854 = tpu.memref_squeeze %dma_wait3A_853 : memref<1x1x4096xf32, #tpu.memory_space<hbm>> -> memref<4096xf32, #tpu.memory_space<hbm>>
          %dma_wait3A_855 = tpu.memref_slice %arg4[%sub3A_847, %dma_wait3A_850, %mul3A_849] : memref<200x4x131072xf32, #tpu.memory_space<hbm>> -> memref<1x1x4096xf32, #tpu.memory_space<hbm>>
          %dma_wait3A_856 = tpu.memref_squeeze %dma_wait3A_855 : memref<1x1x4096xf32, #tpu.memory_space<hbm>> -> memref<4096xf32, #tpu.memory_space<hbm>>
          %dma_wait3A_857 = arith.constant 0 : i32
          %dma_wait3A_858 = tpu.memref_slice %arg9[%dma_wait3A_857] : memref<16384xf32, #tpu.memory_space<vmem>> -> memref<4096xf32, #tpu.memory_space<vmem>>
          tpu.wait_dma2 semaphore(%arg15 : memref<!tpu.dma_semaphore, #tpu.memory_space<semaphore_mem>>) src(%dma_wait3A_858 : memref<4096xf32, #tpu.memory_space<vmem>>) dst(%dma_wait3A_856 : memref<4096xf32, #tpu.memory_space<hbm>>)
          %mul3A_859 = arith.constant 4096 : i32
          %mul3A_860 = arith.muli %add3A, %mul3A_859 : i32
          %dma_wait3A_861 = arith.constant 1 : i32
          %dma_wait3A_862 = arith.constant 4096 : i32
          %dma_wait3A_863 = tpu.memref_slice %arg9[%dma_wait3A_862] : memref<16384xf32, #tpu.memory_space<vmem>> -> memref<4096xf32, #tpu.memory_space<vmem>>
          %dma_wait3A_864 = tpu.memref_slice %arg4[%sub3A_847, %dma_wait3A_861, %mul3A_860] : memref<200x4x131072xf32, #tpu.memory_space<hbm>> -> memref<1x1x4096xf32, #tpu.memory_space<hbm>>
          %dma_wait3A_865 = tpu.memref_squeeze %dma_wait3A_864 : memref<1x1x4096xf32, #tpu.memory_space<hbm>> -> memref<4096xf32, #tpu.memory_space<hbm>>
          %dma_wait3A_866 = tpu.memref_slice %arg4[%sub3A_847, %dma_wait3A_861, %mul3A_860] : memref<200x4x131072xf32, #tpu.memory_space<hbm>> -> memref<1x1x4096xf32, #tpu.memory_space<hbm>>
          %dma_wait3A_867 = tpu.memref_squeeze %dma_wait3A_866 : memref<1x1x4096xf32, #tpu.memory_space<hbm>> -> memref<4096xf32, #tpu.memory_space<hbm>>
          %dma_wait3A_868 = arith.constant 4096 : i32
          %dma_wait3A_869 = tpu.memref_slice %arg9[%dma_wait3A_868] : memref<16384xf32, #tpu.memory_space<vmem>> -> memref<4096xf32, #tpu.memory_space<vmem>>
          tpu.wait_dma2 semaphore(%arg15 : memref<!tpu.dma_semaphore, #tpu.memory_space<semaphore_mem>>) src(%dma_wait3A_869 : memref<4096xf32, #tpu.memory_space<vmem>>) dst(%dma_wait3A_867 : memref<4096xf32, #tpu.memory_space<hbm>>)
          %mul3A_870 = arith.constant 4096 : i32
          %mul3A_871 = arith.muli %add3A, %mul3A_870 : i32
          %dma_wait3A_872 = arith.constant 2 : i32
          %dma_wait3A_873 = arith.constant 8192 : i32
          %dma_wait3A_874 = tpu.memref_slice %arg9[%dma_wait3A_873] : memref<16384xf32, #tpu.memory_space<vmem>> -> memref<4096xf32, #tpu.memory_space<vmem>>
          %dma_wait3A_875 = tpu.memref_slice %arg4[%sub3A_847, %dma_wait3A_872, %mul3A_871] : memref<200x4x131072xf32, #tpu.memory_space<hbm>> -> memref<1x1x4096xf32, #tpu.memory_space<hbm>>
          %dma_wait3A_876 = tpu.memref_squeeze %dma_wait3A_875 : memref<1x1x4096xf32, #tpu.memory_space<hbm>> -> memref<4096xf32, #tpu.memory_space<hbm>>
          %dma_wait3A_877 = tpu.memref_slice %arg4[%sub3A_847, %dma_wait3A_872, %mul3A_871] : memref<200x4x131072xf32, #tpu.memory_space<hbm>> -> memref<1x1x4096xf32, #tpu.memory_space<hbm>>
          %dma_wait3A_878 = tpu.memref_squeeze %dma_wait3A_877 : memref<1x1x4096xf32, #tpu.memory_space<hbm>> -> memref<4096xf32, #tpu.memory_space<hbm>>
          %dma_wait3A_879 = arith.constant 8192 : i32
          %dma_wait3A_880 = tpu.memref_slice %arg9[%dma_wait3A_879] : memref<16384xf32, #tpu.memory_space<vmem>> -> memref<4096xf32, #tpu.memory_space<vmem>>
          tpu.wait_dma2 semaphore(%arg15 : memref<!tpu.dma_semaphore, #tpu.memory_space<semaphore_mem>>) src(%dma_wait3A_880 : memref<4096xf32, #tpu.memory_space<vmem>>) dst(%dma_wait3A_878 : memref<4096xf32, #tpu.memory_space<hbm>>)
          %mul3A_881 = arith.constant 4096 : i32
          %mul3A_882 = arith.muli %add3A, %mul3A_881 : i32
          %dma_wait3A_883 = arith.constant 3 : i32
          %dma_wait3A_884 = arith.constant 12288 : i32
          %dma_wait3A_885 = tpu.memref_slice %arg9[%dma_wait3A_884] : memref<16384xf32, #tpu.memory_space<vmem>> -> memref<4096xf32, #tpu.memory_space<vmem>>
          %dma_wait3A_886 = tpu.memref_slice %arg4[%sub3A_847, %dma_wait3A_883, %mul3A_882] : memref<200x4x131072xf32, #tpu.memory_space<hbm>> -> memref<1x1x4096xf32, #tpu.memory_space<hbm>>
          %dma_wait3A_887 = tpu.memref_squeeze %dma_wait3A_886 : memref<1x1x4096xf32, #tpu.memory_space<hbm>> -> memref<4096xf32, #tpu.memory_space<hbm>>
          %dma_wait3A_888 = tpu.memref_slice %arg4[%sub3A_847, %dma_wait3A_883, %mul3A_882] : memref<200x4x131072xf32, #tpu.memory_space<hbm>> -> memref<1x1x4096xf32, #tpu.memory_space<hbm>>
          %dma_wait3A_889 = tpu.memref_squeeze %dma_wait3A_888 : memref<1x1x4096xf32, #tpu.memory_space<hbm>> -> memref<4096xf32, #tpu.memory_space<hbm>>
          %dma_wait3A_890 = arith.constant 12288 : i32
          %dma_wait3A_891 = tpu.memref_slice %arg9[%dma_wait3A_890] : memref<16384xf32, #tpu.memory_space<vmem>> -> memref<4096xf32, #tpu.memory_space<vmem>>
          tpu.wait_dma2 semaphore(%arg15 : memref<!tpu.dma_semaphore, #tpu.memory_space<semaphore_mem>>) src(%dma_wait3A_891 : memref<4096xf32, #tpu.memory_space<vmem>>) dst(%dma_wait3A_889 : memref<4096xf32, #tpu.memory_space<hbm>>)
        } else {
        }
        %scan3A_795 = arith.constant 0 : i32
        %scan3A_796 = arith.constant 0 : i32
        %scan3A_797 = arith.constant 32 : i32
        %scan3A_798 = arith.addi %scan3A_796, %scan3A_797 : i32
        %scan3A_799 = arith.constant 1 : i32
        scf.for %scan3A_846 = %scan3A_796 to %scan3A_798 step %scan3A_799  : i32 {
          %mul3A_847 = arith.constant 16 : i32
          %mul3A_848 = arith.muli %scan3A_846, %mul3A_847 : i32
          %add3A_849 = vector.broadcast %mul3A_848 : i32 to vector<16xi32>
          %add3A_850 = arith.addi %add3A_849, %iota3A : vector<16xi32>
          %shift_right_logical3A_851 = arith.constant 3 : i32
          %shift_right_logical3A_852 = arith.shrui %scan3A_846, %shift_right_logical3A_851 : i32
          %mul3A_853 = arith.constant 1024 : i32
          %mul3A_854 = arith.muli %shift_right_logical3A_852, %mul3A_853 : i32
          %and3A_855 = arith.constant 7 : i32
          %and3A_856 = arith.andi %scan3A_846, %and3A_855 : i32
          %mul3A_857 = arith.constant 16 : i32
          %mul3A_858 = arith.muli %and3A_856, %mul3A_857 : i32
          %add3A_859 = arith.addi %mul3A_854, %mul3A_858 : i32
          %gather3A = tpu.vector_load_idx %arg7[%add3A_850, %and3A_7] : memref<512x32xf32, #tpu.memory_space<vmem>>[vector<16xi32>, vector<16xi32>], vector<16xf32>,
          %add3A_860 = vector.broadcast %add3A_859 : i32 to vector<16xi32>
          %add3A_861 = arith.addi %add3A_206, %add3A_860 : vector<16xi32>
          tpu.vector_store_idx %arg9[%add3A_861], %gather3A : memref<16384xf32, #tpu.memory_space<vmem>>[vector<16xi32>], vector<16xf32>,
          %gather3A_862 = tpu.vector_load_idx %arg7[%add3A_850, %and3A_13] : memref<512x32xf32, #tpu.memory_space<vmem>>[vector<16xi32>, vector<16xi32>], vector<16xf32>,
          %add3A_863 = vector.broadcast %add3A_859 : i32 to vector<16xi32>
          %add3A_864 = arith.addi %add3A_220, %add3A_863 : vector<16xi32>
          tpu.vector_store_idx %arg9[%add3A_864], %gather3A_862 : memref<16384xf32, #tpu.memory_space<vmem>>[vector<16xi32>], vector<16xf32>,
          %gather3A_865 = tpu.vector_load_idx %arg7[%add3A_850, %and3A_19] : memref<512x32xf32, #tpu.memory_space<vmem>>[vector<16xi32>, vector<16xi32>], vector<16xf32>,
          %add3A_866 = vector.broadcast %add3A_859 : i32 to vector<16xi32>
          %add3A_867 = arith.addi %add3A_234, %add3A_866 : vector<16xi32>
          tpu.vector_store_idx %arg9[%add3A_867], %gather3A_865 : memref<16384xf32, #tpu.memory_space<vmem>>[vector<16xi32>], vector<16xf32>,
          %gather3A_868 = tpu.vector_load_idx %arg7[%add3A_850, %and3A_25] : memref<512x32xf32, #tpu.memory_space<vmem>>[vector<16xi32>, vector<16xi32>], vector<16xf32>,
          %add3A_869 = vector.broadcast %add3A_859 : i32 to vector<16xi32>
          %add3A_870 = arith.addi %add3A_248, %add3A_869 : vector<16xi32>
          tpu.vector_store_idx %arg9[%add3A_870], %gather3A_868 : memref<16384xf32, #tpu.memory_space<vmem>>[vector<16xi32>], vector<16xf32>,
          %gather3A_871 = tpu.vector_load_idx %arg7[%add3A_850, %and3A_31] : memref<512x32xf32, #tpu.memory_space<vmem>>[vector<16xi32>, vector<16xi32>], vector<16xf32>,
          %add3A_872 = vector.broadcast %add3A_859 : i32 to vector<16xi32>
          %add3A_873 = arith.addi %add3A_262, %add3A_872 : vector<16xi32>
          tpu.vector_store_idx %arg9[%add3A_873], %gather3A_871 : memref<16384xf32, #tpu.memory_space<vmem>>[vector<16xi32>], vector<16xf32>,
          %gather3A_874 = tpu.vector_load_idx %arg7[%add3A_850, %and3A_37] : memref<512x32xf32, #tpu.memory_space<vmem>>[vector<16xi32>, vector<16xi32>], vector<16xf32>,
          %add3A_875 = vector.broadcast %add3A_859 : i32 to vector<16xi32>
          %add3A_876 = arith.addi %add3A_276, %add3A_875 : vector<16xi32>
          tpu.vector_store_idx %arg9[%add3A_876], %gather3A_874 : memref<16384xf32, #tpu.memory_space<vmem>>[vector<16xi32>], vector<16xf32>,
          %gather3A_877 = tpu.vector_load_idx %arg7[%add3A_850, %and3A_43] : memref<512x32xf32, #tpu.memory_space<vmem>>[vector<16xi32>, vector<16xi32>], vector<16xf32>,
          %add3A_878 = vector.broadcast %add3A_859 : i32 to vector<16xi32>
          %add3A_879 = arith.addi %add3A_290, %add3A_878 : vector<16xi32>
          tpu.vector_store_idx %arg9[%add3A_879], %gather3A_877 : memref<16384xf32, #tpu.memory_space<vmem>>[vector<16xi32>], vector<16xf32>,
          %gather3A_880 = tpu.vector_load_idx %arg7[%add3A_850, %and3A_49] : memref<512x32xf32, #tpu.memory_space<vmem>>[vector<16xi32>, vector<16xi32>], vector<16xf32>,
          %add3A_881 = vector.broadcast %add3A_859 : i32 to vector<16xi32>
          %add3A_882 = arith.addi %add3A_304, %add3A_881 : vector<16xi32>
          tpu.vector_store_idx %arg9[%add3A_882], %gather3A_880 : memref<16384xf32, #tpu.memory_space<vmem>>[vector<16xi32>], vector<16xf32>,
          %gather3A_883 = tpu.vector_load_idx %arg7[%add3A_850, %and3A_55] : memref<512x32xf32, #tpu.memory_space<vmem>>[vector<16xi32>, vector<16xi32>], vector<16xf32>,
          %add3A_884 = vector.broadcast %add3A_859 : i32 to vector<16xi32>
          %add3A_885 = arith.addi %add3A_318, %add3A_884 : vector<16xi32>
          tpu.vector_store_idx %arg9[%add3A_885], %gather3A_883 : memref<16384xf32, #tpu.memory_space<vmem>>[vector<16xi32>], vector<16xf32>,
          %gather3A_886 = tpu.vector_load_idx %arg7[%add3A_850, %and3A_61] : memref<512x32xf32, #tpu.memory_space<vmem>>[vector<16xi32>, vector<16xi32>], vector<16xf32>,
          %add3A_887 = vector.broadcast %add3A_859 : i32 to vector<16xi32>
          %add3A_888 = arith.addi %add3A_332, %add3A_887 : vector<16xi32>
          tpu.vector_store_idx %arg9[%add3A_888], %gather3A_886 : memref<16384xf32, #tpu.memory_space<vmem>>[vector<16xi32>], vector<16xf32>,
          %gather3A_889 = tpu.vector_load_idx %arg7[%add3A_850, %and3A_67] : memref<512x32xf32, #tpu.memory_space<vmem>>[vector<16xi32>, vector<16xi32>], vector<16xf32>,
          %add3A_890 = vector.broadcast %add3A_859 : i32 to vector<16xi32>
          %add3A_891 = arith.addi %add3A_346, %add3A_890 : vector<16xi32>
          tpu.vector_store_idx %arg9[%add3A_891], %gather3A_889 : memref<16384xf32, #tpu.memory_space<vmem>>[vector<16xi32>], vector<16xf32>,
          %gather3A_892 = tpu.vector_load_idx %arg7[%add3A_850, %and3A_73] : memref<512x32xf32, #tpu.memory_space<vmem>>[vector<16xi32>, vector<16xi32>], vector<16xf32>,
          %add3A_893 = vector.broadcast %add3A_859 : i32 to vector<16xi32>
          %add3A_894 = arith.addi %add3A_360, %add3A_893 : vector<16xi32>
          tpu.vector_store_idx %arg9[%add3A_894], %gather3A_892 : memref<16384xf32, #tpu.memory_space<vmem>>[vector<16xi32>], vector<16xf32>,
          %gather3A_895 = tpu.vector_load_idx %arg7[%add3A_850, %and3A_79] : memref<512x32xf32, #tpu.memory_space<vmem>>[vector<16xi32>, vector<16xi32>], vector<16xf32>,
          %add3A_896 = vector.broadcast %add3A_859 : i32 to vector<16xi32>
          %add3A_897 = arith.addi %add3A_374, %add3A_896 : vector<16xi32>
          tpu.vector_store_idx %arg9[%add3A_897], %gather3A_895 : memref<16384xf32, #tpu.memory_space<vmem>>[vector<16xi32>], vector<16xf32>,
          %gather3A_898 = tpu.vector_load_idx %arg7[%add3A_850, %and3A_85] : memref<512x32xf32, #tpu.memory_space<vmem>>[vector<16xi32>, vector<16xi32>], vector<16xf32>,
          %add3A_899 = vector.broadcast %add3A_859 : i32 to vector<16xi32>
          %add3A_900 = arith.addi %add3A_388, %add3A_899 : vector<16xi32>
          tpu.vector_store_idx %arg9[%add3A_900], %gather3A_898 : memref<16384xf32, #tpu.memory_space<vmem>>[vector<16xi32>], vector<16xf32>,
          %gather3A_901 = tpu.vector_load_idx %arg7[%add3A_850, %and3A_91] : memref<512x32xf32, #tpu.memory_space<vmem>>[vector<16xi32>, vector<16xi32>], vector<16xf32>,
          %add3A_902 = vector.broadcast %add3A_859 : i32 to vector<16xi32>
          %add3A_903 = arith.addi %add3A_402, %add3A_902 : vector<16xi32>
          tpu.vector_store_idx %arg9[%add3A_903], %gather3A_901 : memref<16384xf32, #tpu.memory_space<vmem>>[vector<16xi32>], vector<16xf32>,
          %gather3A_904 = tpu.vector_load_idx %arg7[%add3A_850, %and3A_97] : memref<512x32xf32, #tpu.memory_space<vmem>>[vector<16xi32>, vector<16xi32>], vector<16xf32>,
          %add3A_905 = vector.broadcast %add3A_859 : i32 to vector<16xi32>
          %add3A_906 = arith.addi %add3A_416, %add3A_905 : vector<16xi32>
          tpu.vector_store_idx %arg9[%add3A_906], %gather3A_904 : memref<16384xf32, #tpu.memory_space<vmem>>[vector<16xi32>], vector<16xf32>,
          %gather3A_907 = tpu.vector_load_idx %arg7[%add3A_850, %and3A_103] : memref<512x32xf32, #tpu.memory_space<vmem>>[vector<16xi32>, vector<16xi32>], vector<16xf32>,
          %add3A_908 = vector.broadcast %add3A_859 : i32 to vector<16xi32>
          %add3A_909 = arith.addi %add3A_430, %add3A_908 : vector<16xi32>
          tpu.vector_store_idx %arg9[%add3A_909], %gather3A_907 : memref<16384xf32, #tpu.memory_space<vmem>>[vector<16xi32>], vector<16xf32>,
          %gather3A_910 = tpu.vector_load_idx %arg7[%add3A_850, %and3A_109] : memref<512x32xf32, #tpu.memory_space<vmem>>[vector<16xi32>, vector<16xi32>], vector<16xf32>,
          %add3A_911 = vector.broadcast %add3A_859 : i32 to vector<16xi32>
          %add3A_912 = arith.addi %add3A_444, %add3A_911 : vector<16xi32>
          tpu.vector_store_idx %arg9[%add3A_912], %gather3A_910 : memref<16384xf32, #tpu.memory_space<vmem>>[vector<16xi32>], vector<16xf32>,
          %gather3A_913 = tpu.vector_load_idx %arg7[%add3A_850, %and3A_115] : memref<512x32xf32, #tpu.memory_space<vmem>>[vector<16xi32>, vector<16xi32>], vector<16xf32>,
          %add3A_914 = vector.broadcast %add3A_859 : i32 to vector<16xi32>
          %add3A_915 = arith.addi %add3A_458, %add3A_914 : vector<16xi32>
          tpu.vector_store_idx %arg9[%add3A_915], %gather3A_913 : memref<16384xf32, #tpu.memory_space<vmem>>[vector<16xi32>], vector<16xf32>,
          %gather3A_916 = tpu.vector_load_idx %arg7[%add3A_850, %and3A_121] : memref<512x32xf32, #tpu.memory_space<vmem>>[vector<16xi32>, vector<16xi32>], vector<16xf32>,
          %add3A_917 = vector.broadcast %add3A_859 : i32 to vector<16xi32>
          %add3A_918 = arith.addi %add3A_472, %add3A_917 : vector<16xi32>
          tpu.vector_store_idx %arg9[%add3A_918], %gather3A_916 : memref<16384xf32, #tpu.memory_space<vmem>>[vector<16xi32>], vector<16xf32>,
          %gather3A_919 = tpu.vector_load_idx %arg7[%add3A_850, %and3A_127] : memref<512x32xf32, #tpu.memory_space<vmem>>[vector<16xi32>, vector<16xi32>], vector<16xf32>,
          %add3A_920 = vector.broadcast %add3A_859 : i32 to vector<16xi32>
          %add3A_921 = arith.addi %add3A_486, %add3A_920 : vector<16xi32>
          tpu.vector_store_idx %arg9[%add3A_921], %gather3A_919 : memref<16384xf32, #tpu.memory_space<vmem>>[vector<16xi32>], vector<16xf32>,
          %gather3A_922 = tpu.vector_load_idx %arg7[%add3A_850, %and3A_133] : memref<512x32xf32, #tpu.memory_space<vmem>>[vector<16xi32>, vector<16xi32>], vector<16xf32>,
          %add3A_923 = vector.broadcast %add3A_859 : i32 to vector<16xi32>
          %add3A_924 = arith.addi %add3A_500, %add3A_923 : vector<16xi32>
          tpu.vector_store_idx %arg9[%add3A_924], %gather3A_922 : memref<16384xf32, #tpu.memory_space<vmem>>[vector<16xi32>], vector<16xf32>,
          %gather3A_925 = tpu.vector_load_idx %arg7[%add3A_850, %and3A_139] : memref<512x32xf32, #tpu.memory_space<vmem>>[vector<16xi32>, vector<16xi32>], vector<16xf32>,
          %add3A_926 = vector.broadcast %add3A_859 : i32 to vector<16xi32>
          %add3A_927 = arith.addi %add3A_514, %add3A_926 : vector<16xi32>
          tpu.vector_store_idx %arg9[%add3A_927], %gather3A_925 : memref<16384xf32, #tpu.memory_space<vmem>>[vector<16xi32>], vector<16xf32>,
          %gather3A_928 = tpu.vector_load_idx %arg7[%add3A_850, %and3A_145] : memref<512x32xf32, #tpu.memory_space<vmem>>[vector<16xi32>, vector<16xi32>], vector<16xf32>,
          %add3A_929 = vector.broadcast %add3A_859 : i32 to vector<16xi32>
          %add3A_930 = arith.addi %add3A_528, %add3A_929 : vector<16xi32>
          tpu.vector_store_idx %arg9[%add3A_930], %gather3A_928 : memref<16384xf32, #tpu.memory_space<vmem>>[vector<16xi32>], vector<16xf32>,
          %gather3A_931 = tpu.vector_load_idx %arg7[%add3A_850, %and3A_151] : memref<512x32xf32, #tpu.memory_space<vmem>>[vector<16xi32>, vector<16xi32>], vector<16xf32>,
          %add3A_932 = vector.broadcast %add3A_859 : i32 to vector<16xi32>
          %add3A_933 = arith.addi %add3A_542, %add3A_932 : vector<16xi32>
          tpu.vector_store_idx %arg9[%add3A_933], %gather3A_931 : memref<16384xf32, #tpu.memory_space<vmem>>[vector<16xi32>], vector<16xf32>,
          %gather3A_934 = tpu.vector_load_idx %arg7[%add3A_850, %and3A_157] : memref<512x32xf32, #tpu.memory_space<vmem>>[vector<16xi32>, vector<16xi32>], vector<16xf32>,
          %add3A_935 = vector.broadcast %add3A_859 : i32 to vector<16xi32>
          %add3A_936 = arith.addi %add3A_556, %add3A_935 : vector<16xi32>
          tpu.vector_store_idx %arg9[%add3A_936], %gather3A_934 : memref<16384xf32, #tpu.memory_space<vmem>>[vector<16xi32>], vector<16xf32>,
          %gather3A_937 = tpu.vector_load_idx %arg7[%add3A_850, %and3A_163] : memref<512x32xf32, #tpu.memory_space<vmem>>[vector<16xi32>, vector<16xi32>], vector<16xf32>,
          %add3A_938 = vector.broadcast %add3A_859 : i32 to vector<16xi32>
          %add3A_939 = arith.addi %add3A_570, %add3A_938 : vector<16xi32>
          tpu.vector_store_idx %arg9[%add3A_939], %gather3A_937 : memref<16384xf32, #tpu.memory_space<vmem>>[vector<16xi32>], vector<16xf32>,
          %gather3A_940 = tpu.vector_load_idx %arg7[%add3A_850, %and3A_169] : memref<512x32xf32, #tpu.memory_space<vmem>>[vector<16xi32>, vector<16xi32>], vector<16xf32>,
          %add3A_941 = vector.broadcast %add3A_859 : i32 to vector<16xi32>
          %add3A_942 = arith.addi %add3A_584, %add3A_941 : vector<16xi32>
          tpu.vector_store_idx %arg9[%add3A_942], %gather3A_940 : memref<16384xf32, #tpu.memory_space<vmem>>[vector<16xi32>], vector<16xf32>,
          %gather3A_943 = tpu.vector_load_idx %arg7[%add3A_850, %and3A_175] : memref<512x32xf32, #tpu.memory_space<vmem>>[vector<16xi32>, vector<16xi32>], vector<16xf32>,
          %add3A_944 = vector.broadcast %add3A_859 : i32 to vector<16xi32>
          %add3A_945 = arith.addi %add3A_598, %add3A_944 : vector<16xi32>
          tpu.vector_store_idx %arg9[%add3A_945], %gather3A_943 : memref<16384xf32, #tpu.memory_space<vmem>>[vector<16xi32>], vector<16xf32>,
          %gather3A_946 = tpu.vector_load_idx %arg7[%add3A_850, %and3A_181] : memref<512x32xf32, #tpu.memory_space<vmem>>[vector<16xi32>, vector<16xi32>], vector<16xf32>,
          %add3A_947 = vector.broadcast %add3A_859 : i32 to vector<16xi32>
          %add3A_948 = arith.addi %add3A_612, %add3A_947 : vector<16xi32>
          tpu.vector_store_idx %arg9[%add3A_948], %gather3A_946 : memref<16384xf32, #tpu.memory_space<vmem>>[vector<16xi32>], vector<16xf32>,
          %gather3A_949 = tpu.vector_load_idx %arg7[%add3A_850, %and3A_187] : memref<512x32xf32, #tpu.memory_space<vmem>>[vector<16xi32>, vector<16xi32>], vector<16xf32>,
          %add3A_950 = vector.broadcast %add3A_859 : i32 to vector<16xi32>
          %add3A_951 = arith.addi %add3A_626, %add3A_950 : vector<16xi32>
          tpu.vector_store_idx %arg9[%add3A_951], %gather3A_949 : memref<16384xf32, #tpu.memory_space<vmem>>[vector<16xi32>], vector<16xf32>,
          %gather3A_952 = tpu.vector_load_idx %arg7[%add3A_850, %and3A_193] : memref<512x32xf32, #tpu.memory_space<vmem>>[vector<16xi32>, vector<16xi32>], vector<16xf32>,
          %add3A_953 = vector.broadcast %add3A_859 : i32 to vector<16xi32>
          %add3A_954 = arith.addi %add3A_640, %add3A_953 : vector<16xi32>
          tpu.vector_store_idx %arg9[%add3A_954], %gather3A_952 : memref<16384xf32, #tpu.memory_space<vmem>>[vector<16xi32>], vector<16xf32>,
        }
        %scan3A_800 = arith.constant 32 : i32
        %sub3A = arith.constant 1 : i32
        %sub3A_801 = arith.subi %add3A_766, %sub3A : i32
        %mul3A_802 = arith.constant 4096 : i32
        %mul3A_803 = arith.muli %add3A, %mul3A_802 : i32
        %dma_start3A_804 = arith.constant 0 : i32
        %dma_start3A_805 = arith.constant 0 : i32
        %dma_start3A_806 = tpu.memref_slice %arg9[%dma_start3A_805] : memref<16384xf32, #tpu.memory_space<vmem>> -> memref<4096xf32, #tpu.memory_space<vmem>>
        %dma_start3A_807 = tpu.memref_slice %arg4[%sub3A_801, %dma_start3A_804, %mul3A_803] : memref<200x4x131072xf32, #tpu.memory_space<hbm>> -> memref<1x1x4096xf32, #tpu.memory_space<hbm>>
        %dma_start3A_808 = tpu.memref_squeeze %dma_start3A_807 : memref<1x1x4096xf32, #tpu.memory_space<hbm>> -> memref<4096xf32, #tpu.memory_space<hbm>>
        %dma_start3A_809 = tpu.memref_slice %arg4[%sub3A_801, %dma_start3A_804, %mul3A_803] : memref<200x4x131072xf32, #tpu.memory_space<hbm>> -> memref<1x1x4096xf32, #tpu.memory_space<hbm>>
        %dma_start3A_810 = tpu.memref_squeeze %dma_start3A_809 : memref<1x1x4096xf32, #tpu.memory_space<hbm>> -> memref<4096xf32, #tpu.memory_space<hbm>>
        %dma_start3A_811 = arith.constant 0 : i32
        %dma_start3A_812 = tpu.memref_slice %arg9[%dma_start3A_811] : memref<16384xf32, #tpu.memory_space<vmem>> -> memref<4096xf32, #tpu.memory_space<vmem>>
        tpu.enqueue_dma source(%dma_start3A_812 : memref<4096xf32, #tpu.memory_space<vmem>>) target(%dma_start3A_810 : memref<4096xf32, #tpu.memory_space<hbm>>) target_semaphore(%arg15 : memref<!tpu.dma_semaphore, #tpu.memory_space<semaphore_mem>>)
        %mul3A_813 = arith.constant 4096 : i32
        %mul3A_814 = arith.muli %add3A, %mul3A_813 : i32
        %dma_start3A_815 = arith.constant 1 : i32
        %dma_start3A_816 = arith.constant 4096 : i32
        %dma_start3A_817 = tpu.memref_slice %arg9[%dma_start3A_816] : memref<16384xf32, #tpu.memory_space<vmem>> -> memref<4096xf32, #tpu.memory_space<vmem>>
        %dma_start3A_818 = tpu.memref_slice %arg4[%sub3A_801, %dma_start3A_815, %mul3A_814] : memref<200x4x131072xf32, #tpu.memory_space<hbm>> -> memref<1x1x4096xf32, #tpu.memory_space<hbm>>
        %dma_start3A_819 = tpu.memref_squeeze %dma_start3A_818 : memref<1x1x4096xf32, #tpu.memory_space<hbm>> -> memref<4096xf32, #tpu.memory_space<hbm>>
        %dma_start3A_820 = tpu.memref_slice %arg4[%sub3A_801, %dma_start3A_815, %mul3A_814] : memref<200x4x131072xf32, #tpu.memory_space<hbm>> -> memref<1x1x4096xf32, #tpu.memory_space<hbm>>
        %dma_start3A_821 = tpu.memref_squeeze %dma_start3A_820 : memref<1x1x4096xf32, #tpu.memory_space<hbm>> -> memref<4096xf32, #tpu.memory_space<hbm>>
        %dma_start3A_822 = arith.constant 4096 : i32
        %dma_start3A_823 = tpu.memref_slice %arg9[%dma_start3A_822] : memref<16384xf32, #tpu.memory_space<vmem>> -> memref<4096xf32, #tpu.memory_space<vmem>>
        tpu.enqueue_dma source(%dma_start3A_823 : memref<4096xf32, #tpu.memory_space<vmem>>) target(%dma_start3A_821 : memref<4096xf32, #tpu.memory_space<hbm>>) target_semaphore(%arg15 : memref<!tpu.dma_semaphore, #tpu.memory_space<semaphore_mem>>)
        %mul3A_824 = arith.constant 4096 : i32
        %mul3A_825 = arith.muli %add3A, %mul3A_824 : i32
        %dma_start3A_826 = arith.constant 2 : i32
        %dma_start3A_827 = arith.constant 8192 : i32
        %dma_start3A_828 = tpu.memref_slice %arg9[%dma_start3A_827] : memref<16384xf32, #tpu.memory_space<vmem>> -> memref<4096xf32, #tpu.memory_space<vmem>>
        %dma_start3A_829 = tpu.memref_slice %arg4[%sub3A_801, %dma_start3A_826, %mul3A_825] : memref<200x4x131072xf32, #tpu.memory_space<hbm>> -> memref<1x1x4096xf32, #tpu.memory_space<hbm>>
        %dma_start3A_830 = tpu.memref_squeeze %dma_start3A_829 : memref<1x1x4096xf32, #tpu.memory_space<hbm>> -> memref<4096xf32, #tpu.memory_space<hbm>>
        %dma_start3A_831 = tpu.memref_slice %arg4[%sub3A_801, %dma_start3A_826, %mul3A_825] : memref<200x4x131072xf32, #tpu.memory_space<hbm>> -> memref<1x1x4096xf32, #tpu.memory_space<hbm>>
        %dma_start3A_832 = tpu.memref_squeeze %dma_start3A_831 : memref<1x1x4096xf32, #tpu.memory_space<hbm>> -> memref<4096xf32, #tpu.memory_space<hbm>>
        %dma_start3A_833 = arith.constant 8192 : i32
        %dma_start3A_834 = tpu.memref_slice %arg9[%dma_start3A_833] : memref<16384xf32, #tpu.memory_space<vmem>> -> memref<4096xf32, #tpu.memory_space<vmem>>
        tpu.enqueue_dma source(%dma_start3A_834 : memref<4096xf32, #tpu.memory_space<vmem>>) target(%dma_start3A_832 : memref<4096xf32, #tpu.memory_space<hbm>>) target_semaphore(%arg15 : memref<!tpu.dma_semaphore, #tpu.memory_space<semaphore_mem>>)
        %mul3A_835 = arith.constant 4096 : i32
        %mul3A_836 = arith.muli %add3A, %mul3A_835 : i32
        %dma_start3A_837 = arith.constant 3 : i32
        %dma_start3A_838 = arith.constant 12288 : i32
        %dma_start3A_839 = tpu.memref_slice %arg9[%dma_start3A_838] : memref<16384xf32, #tpu.memory_space<vmem>> -> memref<4096xf32, #tpu.memory_space<vmem>>
        %dma_start3A_840 = tpu.memref_slice %arg4[%sub3A_801, %dma_start3A_837, %mul3A_836] : memref<200x4x131072xf32, #tpu.memory_space<hbm>> -> memref<1x1x4096xf32, #tpu.memory_space<hbm>>
        %dma_start3A_841 = tpu.memref_squeeze %dma_start3A_840 : memref<1x1x4096xf32, #tpu.memory_space<hbm>> -> memref<4096xf32, #tpu.memory_space<hbm>>
        %dma_start3A_842 = tpu.memref_slice %arg4[%sub3A_801, %dma_start3A_837, %mul3A_836] : memref<200x4x131072xf32, #tpu.memory_space<hbm>> -> memref<1x1x4096xf32, #tpu.memory_space<hbm>>
        %dma_start3A_843 = tpu.memref_squeeze %dma_start3A_842 : memref<1x1x4096xf32, #tpu.memory_space<hbm>> -> memref<4096xf32, #tpu.memory_space<hbm>>
        %dma_start3A_844 = arith.constant 12288 : i32
        %dma_start3A_845 = tpu.memref_slice %arg9[%dma_start3A_844] : memref<16384xf32, #tpu.memory_space<vmem>> -> memref<4096xf32, #tpu.memory_space<vmem>>
        tpu.enqueue_dma source(%dma_start3A_845 : memref<4096xf32, #tpu.memory_space<vmem>>) target(%dma_start3A_843 : memref<4096xf32, #tpu.memory_space<hbm>>) target_semaphore(%arg15 : memref<!tpu.dma_semaphore, #tpu.memory_space<semaphore_mem>>)
      } else {
      }
    }
    %scan3A_654 = arith.constant 101 : i32
    %mul3A_655 = arith.constant 4096 : i32
    %mul3A_656 = arith.muli %add3A, %mul3A_655 : i32
    %dma_wait3A = arith.constant 198 : i32
    %dma_wait3A_657 = arith.constant 0 : i32
    %dma_wait3A_658 = arith.constant 0 : i32
    %dma_wait3A_659 = tpu.memref_slice %arg9[%dma_wait3A_658] : memref<16384xf32, #tpu.memory_space<vmem>> -> memref<4096xf32, #tpu.memory_space<vmem>>
    %dma_wait3A_660 = tpu.memref_slice %arg4[%dma_wait3A, %dma_wait3A_657, %mul3A_656] : memref<200x4x131072xf32, #tpu.memory_space<hbm>> -> memref<1x1x4096xf32, #tpu.memory_space<hbm>>
    %dma_wait3A_661 = tpu.memref_squeeze %dma_wait3A_660 : memref<1x1x4096xf32, #tpu.memory_space<hbm>> -> memref<4096xf32, #tpu.memory_space<hbm>>
    %dma_wait3A_662 = tpu.memref_slice %arg4[%dma_wait3A, %dma_wait3A_657, %mul3A_656] : memref<200x4x131072xf32, #tpu.memory_space<hbm>> -> memref<1x1x4096xf32, #tpu.memory_space<hbm>>
    %dma_wait3A_663 = tpu.memref_squeeze %dma_wait3A_662 : memref<1x1x4096xf32, #tpu.memory_space<hbm>> -> memref<4096xf32, #tpu.memory_space<hbm>>
    %dma_wait3A_664 = arith.constant 0 : i32
    %dma_wait3A_665 = tpu.memref_slice %arg9[%dma_wait3A_664] : memref<16384xf32, #tpu.memory_space<vmem>> -> memref<4096xf32, #tpu.memory_space<vmem>>
    tpu.wait_dma2 semaphore(%arg15 : memref<!tpu.dma_semaphore, #tpu.memory_space<semaphore_mem>>) src(%dma_wait3A_665 : memref<4096xf32, #tpu.memory_space<vmem>>) dst(%dma_wait3A_663 : memref<4096xf32, #tpu.memory_space<hbm>>)
    %mul3A_666 = arith.constant 4096 : i32
    %mul3A_667 = arith.muli %add3A, %mul3A_666 : i32
    %dma_wait3A_668 = arith.constant 198 : i32
    %dma_wait3A_669 = arith.constant 1 : i32
    %dma_wait3A_670 = arith.constant 4096 : i32
    %dma_wait3A_671 = tpu.memref_slice %arg9[%dma_wait3A_670] : memref<16384xf32, #tpu.memory_space<vmem>> -> memref<4096xf32, #tpu.memory_space<vmem>>
    %dma_wait3A_672 = tpu.memref_slice %arg4[%dma_wait3A_668, %dma_wait3A_669, %mul3A_667] : memref<200x4x131072xf32, #tpu.memory_space<hbm>> -> memref<1x1x4096xf32, #tpu.memory_space<hbm>>
    %dma_wait3A_673 = tpu.memref_squeeze %dma_wait3A_672 : memref<1x1x4096xf32, #tpu.memory_space<hbm>> -> memref<4096xf32, #tpu.memory_space<hbm>>
    %dma_wait3A_674 = tpu.memref_slice %arg4[%dma_wait3A_668, %dma_wait3A_669, %mul3A_667] : memref<200x4x131072xf32, #tpu.memory_space<hbm>> -> memref<1x1x4096xf32, #tpu.memory_space<hbm>>
    %dma_wait3A_675 = tpu.memref_squeeze %dma_wait3A_674 : memref<1x1x4096xf32, #tpu.memory_space<hbm>> -> memref<4096xf32, #tpu.memory_space<hbm>>
    %dma_wait3A_676 = arith.constant 4096 : i32
    %dma_wait3A_677 = tpu.memref_slice %arg9[%dma_wait3A_676] : memref<16384xf32, #tpu.memory_space<vmem>> -> memref<4096xf32, #tpu.memory_space<vmem>>
    tpu.wait_dma2 semaphore(%arg15 : memref<!tpu.dma_semaphore, #tpu.memory_space<semaphore_mem>>) src(%dma_wait3A_677 : memref<4096xf32, #tpu.memory_space<vmem>>) dst(%dma_wait3A_675 : memref<4096xf32, #tpu.memory_space<hbm>>)
    %mul3A_678 = arith.constant 4096 : i32
    %mul3A_679 = arith.muli %add3A, %mul3A_678 : i32
    %dma_wait3A_680 = arith.constant 198 : i32
    %dma_wait3A_681 = arith.constant 2 : i32
    %dma_wait3A_682 = arith.constant 8192 : i32
    %dma_wait3A_683 = tpu.memref_slice %arg9[%dma_wait3A_682] : memref<16384xf32, #tpu.memory_space<vmem>> -> memref<4096xf32, #tpu.memory_space<vmem>>
    %dma_wait3A_684 = tpu.memref_slice %arg4[%dma_wait3A_680, %dma_wait3A_681, %mul3A_679] : memref<200x4x131072xf32, #tpu.memory_space<hbm>> -> memref<1x1x4096xf32, #tpu.memory_space<hbm>>
    %dma_wait3A_685 = tpu.memref_squeeze %dma_wait3A_684 : memref<1x1x4096xf32, #tpu.memory_space<hbm>> -> memref<4096xf32, #tpu.memory_space<hbm>>
    %dma_wait3A_686 = tpu.memref_slice %arg4[%dma_wait3A_680, %dma_wait3A_681, %mul3A_679] : memref<200x4x131072xf32, #tpu.memory_space<hbm>> -> memref<1x1x4096xf32, #tpu.memory_space<hbm>>
    %dma_wait3A_687 = tpu.memref_squeeze %dma_wait3A_686 : memref<1x1x4096xf32, #tpu.memory_space<hbm>> -> memref<4096xf32, #tpu.memory_space<hbm>>
    %dma_wait3A_688 = arith.constant 8192 : i32
    %dma_wait3A_689 = tpu.memref_slice %arg9[%dma_wait3A_688] : memref<16384xf32, #tpu.memory_space<vmem>> -> memref<4096xf32, #tpu.memory_space<vmem>>
    tpu.wait_dma2 semaphore(%arg15 : memref<!tpu.dma_semaphore, #tpu.memory_space<semaphore_mem>>) src(%dma_wait3A_689 : memref<4096xf32, #tpu.memory_space<vmem>>) dst(%dma_wait3A_687 : memref<4096xf32, #tpu.memory_space<hbm>>)
    %mul3A_690 = arith.constant 4096 : i32
    %mul3A_691 = arith.muli %add3A, %mul3A_690 : i32
    %dma_wait3A_692 = arith.constant 198 : i32
    %dma_wait3A_693 = arith.constant 3 : i32
    %dma_wait3A_694 = arith.constant 12288 : i32
    %dma_wait3A_695 = tpu.memref_slice %arg9[%dma_wait3A_694] : memref<16384xf32, #tpu.memory_space<vmem>> -> memref<4096xf32, #tpu.memory_space<vmem>>
    %dma_wait3A_696 = tpu.memref_slice %arg4[%dma_wait3A_692, %dma_wait3A_693, %mul3A_691] : memref<200x4x131072xf32, #tpu.memory_space<hbm>> -> memref<1x1x4096xf32, #tpu.memory_space<hbm>>
    %dma_wait3A_697 = tpu.memref_squeeze %dma_wait3A_696 : memref<1x1x4096xf32, #tpu.memory_space<hbm>> -> memref<4096xf32, #tpu.memory_space<hbm>>
    %dma_wait3A_698 = tpu.memref_slice %arg4[%dma_wait3A_692, %dma_wait3A_693, %mul3A_691] : memref<200x4x131072xf32, #tpu.memory_space<hbm>> -> memref<1x1x4096xf32, #tpu.memory_space<hbm>>
    %dma_wait3A_699 = tpu.memref_squeeze %dma_wait3A_698 : memref<1x1x4096xf32, #tpu.memory_space<hbm>> -> memref<4096xf32, #tpu.memory_space<hbm>>
    %dma_wait3A_700 = arith.constant 12288 : i32
    %dma_wait3A_701 = tpu.memref_slice %arg9[%dma_wait3A_700] : memref<16384xf32, #tpu.memory_space<vmem>> -> memref<4096xf32, #tpu.memory_space<vmem>>
    tpu.wait_dma2 semaphore(%arg15 : memref<!tpu.dma_semaphore, #tpu.memory_space<semaphore_mem>>) src(%dma_wait3A_701 : memref<4096xf32, #tpu.memory_space<vmem>>) dst(%dma_wait3A_699 : memref<4096xf32, #tpu.memory_space<hbm>>)
    %mul3A_702 = arith.constant 4096 : i32
    %mul3A_703 = arith.muli %add3A, %mul3A_702 : i32
    %dma_wait3A_704 = arith.constant 199 : i32
    %dma_wait3A_705 = arith.constant 0 : i32
    %dma_wait3A_706 = arith.constant 0 : i32
    %dma_wait3A_707 = tpu.memref_slice %arg10[%dma_wait3A_706] : memref<16384xf32, #tpu.memory_space<vmem>> -> memref<4096xf32, #tpu.memory_space<vmem>>
    %dma_wait3A_708 = tpu.memref_slice %arg4[%dma_wait3A_704, %dma_wait3A_705, %mul3A_703] : memref<200x4x131072xf32, #tpu.memory_space<hbm>> -> memref<1x1x4096xf32, #tpu.memory_space<hbm>>
    %dma_wait3A_709 = tpu.memref_squeeze %dma_wait3A_708 : memref<1x1x4096xf32, #tpu.memory_space<hbm>> -> memref<4096xf32, #tpu.memory_space<hbm>>
    %dma_wait3A_710 = tpu.memref_slice %arg4[%dma_wait3A_704, %dma_wait3A_705, %mul3A_703] : memref<200x4x131072xf32, #tpu.memory_space<hbm>> -> memref<1x1x4096xf32, #tpu.memory_space<hbm>>
    %dma_wait3A_711 = tpu.memref_squeeze %dma_wait3A_710 : memref<1x1x4096xf32, #tpu.memory_space<hbm>> -> memref<4096xf32, #tpu.memory_space<hbm>>
    %dma_wait3A_712 = arith.constant 0 : i32
    %dma_wait3A_713 = tpu.memref_slice %arg10[%dma_wait3A_712] : memref<16384xf32, #tpu.memory_space<vmem>> -> memref<4096xf32, #tpu.memory_space<vmem>>
    tpu.wait_dma2 semaphore(%arg16 : memref<!tpu.dma_semaphore, #tpu.memory_space<semaphore_mem>>) src(%dma_wait3A_713 : memref<4096xf32, #tpu.memory_space<vmem>>) dst(%dma_wait3A_711 : memref<4096xf32, #tpu.memory_space<hbm>>)
    %mul3A_714 = arith.constant 4096 : i32
    %mul3A_715 = arith.muli %add3A, %mul3A_714 : i32
    %dma_wait3A_716 = arith.constant 199 : i32
    %dma_wait3A_717 = arith.constant 1 : i32
    %dma_wait3A_718 = arith.constant 4096 : i32
    %dma_wait3A_719 = tpu.memref_slice %arg10[%dma_wait3A_718] : memref<16384xf32, #tpu.memory_space<vmem>> -> memref<4096xf32, #tpu.memory_space<vmem>>
    %dma_wait3A_720 = tpu.memref_slice %arg4[%dma_wait3A_716, %dma_wait3A_717, %mul3A_715] : memref<200x4x131072xf32, #tpu.memory_space<hbm>> -> memref<1x1x4096xf32, #tpu.memory_space<hbm>>
    %dma_wait3A_721 = tpu.memref_squeeze %dma_wait3A_720 : memref<1x1x4096xf32, #tpu.memory_space<hbm>> -> memref<4096xf32, #tpu.memory_space<hbm>>
    %dma_wait3A_722 = tpu.memref_slice %arg4[%dma_wait3A_716, %dma_wait3A_717, %mul3A_715] : memref<200x4x131072xf32, #tpu.memory_space<hbm>> -> memref<1x1x4096xf32, #tpu.memory_space<hbm>>
    %dma_wait3A_723 = tpu.memref_squeeze %dma_wait3A_722 : memref<1x1x4096xf32, #tpu.memory_space<hbm>> -> memref<4096xf32, #tpu.memory_space<hbm>>
    %dma_wait3A_724 = arith.constant 4096 : i32
    %dma_wait3A_725 = tpu.memref_slice %arg10[%dma_wait3A_724] : memref<16384xf32, #tpu.memory_space<vmem>> -> memref<4096xf32, #tpu.memory_space<vmem>>
    tpu.wait_dma2 semaphore(%arg16 : memref<!tpu.dma_semaphore, #tpu.memory_space<semaphore_mem>>) src(%dma_wait3A_725 : memref<4096xf32, #tpu.memory_space<vmem>>) dst(%dma_wait3A_723 : memref<4096xf32, #tpu.memory_space<hbm>>)
    %mul3A_726 = arith.constant 4096 : i32
    %mul3A_727 = arith.muli %add3A, %mul3A_726 : i32
    %dma_wait3A_728 = arith.constant 199 : i32
    %dma_wait3A_729 = arith.constant 2 : i32
    %dma_wait3A_730 = arith.constant 8192 : i32
    %dma_wait3A_731 = tpu.memref_slice %arg10[%dma_wait3A_730] : memref<16384xf32, #tpu.memory_space<vmem>> -> memref<4096xf32, #tpu.memory_space<vmem>>
    %dma_wait3A_732 = tpu.memref_slice %arg4[%dma_wait3A_728, %dma_wait3A_729, %mul3A_727] : memref<200x4x131072xf32, #tpu.memory_space<hbm>> -> memref<1x1x4096xf32, #tpu.memory_space<hbm>>
    %dma_wait3A_733 = tpu.memref_squeeze %dma_wait3A_732 : memref<1x1x4096xf32, #tpu.memory_space<hbm>> -> memref<4096xf32, #tpu.memory_space<hbm>>
    %dma_wait3A_734 = tpu.memref_slice %arg4[%dma_wait3A_728, %dma_wait3A_729, %mul3A_727] : memref<200x4x131072xf32, #tpu.memory_space<hbm>> -> memref<1x1x4096xf32, #tpu.memory_space<hbm>>
    %dma_wait3A_735 = tpu.memref_squeeze %dma_wait3A_734 : memref<1x1x4096xf32, #tpu.memory_space<hbm>> -> memref<4096xf32, #tpu.memory_space<hbm>>
    %dma_wait3A_736 = arith.constant 8192 : i32
    %dma_wait3A_737 = tpu.memref_slice %arg10[%dma_wait3A_736] : memref<16384xf32, #tpu.memory_space<vmem>> -> memref<4096xf32, #tpu.memory_space<vmem>>
    tpu.wait_dma2 semaphore(%arg16 : memref<!tpu.dma_semaphore, #tpu.memory_space<semaphore_mem>>) src(%dma_wait3A_737 : memref<4096xf32, #tpu.memory_space<vmem>>) dst(%dma_wait3A_735 : memref<4096xf32, #tpu.memory_space<hbm>>)
    %mul3A_738 = arith.constant 4096 : i32
    %mul3A_739 = arith.muli %add3A, %mul3A_738 : i32
    %dma_wait3A_740 = arith.constant 199 : i32
    %dma_wait3A_741 = arith.constant 3 : i32
    %dma_wait3A_742 = arith.constant 12288 : i32
    %dma_wait3A_743 = tpu.memref_slice %arg10[%dma_wait3A_742] : memref<16384xf32, #tpu.memory_space<vmem>> -> memref<4096xf32, #tpu.memory_space<vmem>>
    %dma_wait3A_744 = tpu.memref_slice %arg4[%dma_wait3A_740, %dma_wait3A_741, %mul3A_739] : memref<200x4x131072xf32, #tpu.memory_space<hbm>> -> memref<1x1x4096xf32, #tpu.memory_space<hbm>>
    %dma_wait3A_745 = tpu.memref_squeeze %dma_wait3A_744 : memref<1x1x4096xf32, #tpu.memory_space<hbm>> -> memref<4096xf32, #tpu.memory_space<hbm>>
    %dma_wait3A_746 = tpu.memref_slice %arg4[%dma_wait3A_740, %dma_wait3A_741, %mul3A_739] : memref<200x4x131072xf32, #tpu.memory_space<hbm>> -> memref<1x1x4096xf32, #tpu.memory_space<hbm>>
    %dma_wait3A_747 = tpu.memref_squeeze %dma_wait3A_746 : memref<1x1x4096xf32, #tpu.memory_space<hbm>> -> memref<4096xf32, #tpu.memory_space<hbm>>
    %dma_wait3A_748 = arith.constant 12288 : i32
    %dma_wait3A_749 = tpu.memref_slice %arg10[%dma_wait3A_748] : memref<16384xf32, #tpu.memory_space<vmem>> -> memref<4096xf32, #tpu.memory_space<vmem>>
    tpu.wait_dma2 semaphore(%arg16 : memref<!tpu.dma_semaphore, #tpu.memory_space<semaphore_mem>>) src(%dma_wait3A_749 : memref<4096xf32, #tpu.memory_space<vmem>>) dst(%dma_wait3A_747 : memref<4096xf32, #tpu.memory_space<hbm>>)
    return
  }
}

</mosaic_0001>

<sc_bundles>
// kernel: kernel.3.cloned.1.call-start
scs
__scs_entry_jumppad:
0x0: {  	(pc) =	sbr.rel $0x88, $3  }
0x1: {  	(tag) =	ssettag $0x0;
	lr =	simm.s32 $0x1  }
0x2: {  	[smem:$0x3F9F] =	sst lr;
	_ =	strace $0xD0000000  }
0x3: {  	_ = 	snop  }
0x4: {  	_ = 	snop  }
0x5: {  	_ = 	snop  }
0x6: {  	_ = 	snop  }
0x7: {  	_ = 	snop  }
__scs_overlays_trampoline_lowered:
0x8: {  	[smem:$0x3FAE] =	sst s0  }
0x9: {  	[smem:$0x3FAF] =	sst s1  }
0xa: {  	[smem:$0x3FB0] =	sst s2  }
0xb: {  	[smem:$0x3FB1] =	sst s3  }
0xc: {  	[smem:$0x3FB2] =	sst s4  }
0xd: {  	[smem:$0x3FB3] =	sst s5  }
0xe: {  	[smem:$0x3FB4] =	sst s6  }
0xf: {  	[smem:$0x3FB5] =	sst s7  }
0x10: {  	[smem:$0x3FB6] =	sst s8  }
0x11: {  	[smem:$0x3FB7] =	sst s9;
	s0 =	simm.s32 @!p0 $0x0  }
0x12: {  	s1 =	sld [smem:$0x3F9D];
	s0 =	simm.s32 @p0 $0x1  }
0x13: {  	[smem:$0x3FB8] =	sst s0;
	s0 =	simm.s32 @!p1 $0x0  }
0x14: {  	s2 =	sld [smem:$0x3F9C];
	s0 =	simm.s32 @p1 $0x1  }
0x15: {  	[smem:$0x3FB9] =	sst s0;
	s0 =	simm.s32 @!p2 $0x0  }
0x16: {  	s3 =	sld [smem:$0x3FDB];
	s0 =	simm.s32 @p2 $0x1  }
0x17: {  	s4 =	simm.s32 $0x1BF5;
	[smem:$0x3FBB] =	sst s0  }
0x18: {  	s0 =	sld [smem:$0x3F9E];
	_ =	swait.ge [sflag:s4], $0x0  }
0x19: {  	s7 =	sld [smem:$0x3F9F]  }
0x1a: {  	s8 =	sadd.s32 $0xFFFFE003, lr  }
0x1b: {  	s9 =	sadd.s32 $0xFFFFFEF7, lr;
	s5 =	simm.s32 $0xFFFFFFFF;
	p2 =	slt.u32 s8, $0xFFFFF086  }
0x1c: {  	p1 =	slt.u32 s9, $0xF7A;
	s5 =	simm.s32 @!p2 $0x0  }
0x1d: {  	s5 =	simm.s32 @p1 $0x1;
	p0 =	seq.s32 s7, s2  }
0x1e: {  	s7 =	smul.u32 @!p0 $0xF7A, s2;
	p2 =	seq.s32 @!p0 s5, $0x0  }
0x1f: {  	s9 =	smul.u32 $0xF7A, s1;
	s8 =	simm.s32 @!p0 $0x1BF5;
	p2 =	por !p2, p0  }
0x20: {  	[sflag:s8] =	ssyncset.s32 @!p0 $0xFFFFF086;
	s6 =	sadd.s32 @!p0 s3, s7;
	s7 =	simm.s32 @!p0 $0x108  }
0x21: {  	s3 =	sadd.s32 s3, s9;
	s6 =	sadd.s32 @!p0 $0x88, s6;
	s7 =	simm.s32 @p2 $0x1082  }
0x22: {  	[simem:s7], [sflag:s8] =	dma.local @!p0 [hbm:s6], $0xF7A  }
0x23: {  	s9 =	sor.u32 $0xD0000000, s2;
	s6 =	simm.s32 $0x108;
	_ =	swait.ge @!p0 [sflag:s8], $0x0  }
0x24: {  	s3 =	sadd.s32 $0x88, s3;
	s6 =	simm.s32 @!p1 $0x1082;
	[sflag:s4] =	ssyncset.s32 $0xFFFFF086  }
0x25: {  	[simem:s6], [sflag:s4] =	dma.local [hbm:s3], $0xF7A  }
0x26: {  	[smem:$0x3F9F] =	sst s1;
	(tag) =	ssettag s2;
	_ =	strace s9  }
0x27: {  	s1 =	sld [smem:$0x3FAF]  }
0x28: {  	s2 =	sld [smem:$0x3FB0]  }
0x29: {  	s4 =	sld [smem:$0x3FB2]  }
0x2a: {  	p0 =	seq.s32 s5, $0x0;
	s5 =	sld [smem:$0x3FB3]  }
0x2b: {  	s6 =	sld [smem:$0x3FB4]  }
0x2c: {  	s7 =	sld [smem:$0x3FB5]  }
0x2d: {  	s3 =	simm.s32 $0x108;
	s8 =	sld [smem:$0x3FB6]  }
0x2e: {  	s3 =	simm.s32 @!p0 $0x1082;
	s9 =	sld [smem:$0x3FB7]  }
0x2f: {  	lr =	sadd.s32 s0, s3;
	s0 =	sld [smem:$0x3FAE]  }
0x30: {  	s3 =	sld [smem:$0x3FB1]  }
0x31: {  	[smem:$0x3FBA] =	sst s10  }
0x32: {  	s10 =	sld [smem:$0x3FB8];
	_ =	sdelay $0x3  }
0x33: {  	p0 =	seq.s32 s10, $0x1;
	s10 =	sld [smem:$0x3FBA];
	_ =	sdelay $0x3  }
0x34: {  	[smem:$0x3FBA] =	sst s10  }
0x35: {  	s10 =	sld [smem:$0x3FB9];
	_ =	sdelay $0x3  }
0x36: {  	p1 =	seq.s32 s10, $0x1;
	s10 =	sld [smem:$0x3FBA];
	_ =	sdelay $0x3  }
0x37: {  	[smem:$0x3FBA] =	sst s10  }
0x38: {  	s10 =	sld [smem:$0x3FBB]  }
0x39: {  	_ = 	snop;
	(pc) =	sbr.ind lr, $3  }
0x3a: {  	_ = 	snop  }
0x3b: {  	_ = 	snop  }
0x3c: {  	p2 =	seq.s32 s10, $0x1;
	s10 =	sld [smem:$0x3FBA]  }
0x3d: {  	_ =	shalt  }
0x3e: {  	_ =	shalt  }
0x3f: {  	_ =	shalt  }
0x40: {  	_ =	shalt  }
0x41: {  	_ =	shalt  }
0x42: {  	_ =	shalt  }
0x43: {  	_ =	shalt  }
0x44: {  	_ =	shalt  }
0x45: {  	_ =	shalt  }
0x46: {  	_ =	shalt  }
0x47: {  	_ =	shalt  }
0x48: {  	_ =	shalt  }
0x49: {  	_ =	shalt  }
0x4a: {  	_ =	shalt  }
0x4b: {  	_ =	shalt  }
0x4c: {  	_ =	shalt  }
0x4d: {  	_ =	shalt  }
0x4e: {  	_ =	shalt  }
0x4f: {  	_ =	shalt  }
0x50: {  	_ =	shalt  }
0x51: {  	_ =	shalt  }
0x52: {  	_ =	shalt  }
0x53: {  	_ =	shalt  }
0x54: {  	_ =	shalt  }
0x55: {  	_ =	shalt  }
0x56: {  	_ =	shalt  }
0x57: {  	_ =	shalt  }
0x58: {  	_ =	shalt  }
0x59: {  	_ =	shalt  }
0x5a: {  	_ =	shalt  }
0x5b: {  	_ =	shalt  }
0x5c: {  	_ =	shalt  }
0x5d: {  	_ =	shalt  }
0x5e: {  	_ =	shalt  }
0x5f: {  	_ =	shalt  }
0x60: {  	_ =	shalt  }
0x61: {  	_ =	shalt  }
0x62: {  	_ =	shalt  }
0x63: {  	_ =	shalt  }
0x64: {  	_ =	shalt  }
0x65: {  	_ =	shalt  }
0x66: {  	_ =	shalt  }
0x67: {  	_ =	shalt  }
0x68: {  	_ =	shalt  }
0x69: {  	_ =	shalt  }
0x6a: {  	_ =	shalt  }
0x6b: {  	_ =	shalt  }
0x6c: {  	_ =	shalt  }
0x6d: {  	_ =	shalt  }
0x6e: {  	_ =	shalt  }
0x6f: {  	_ =	shalt  }
0x70: {  	_ =	shalt  }
0x71: {  	_ =	shalt  }
0x72: {  	_ =	shalt  }
0x73: {  	_ =	shalt  }
0x74: {  	_ =	shalt  }
0x75: {  	_ =	shalt  }
0x76: {  	_ =	shalt  }
0x77: {  	_ =	shalt  }
0x78: {  	_ =	shalt  }
0x79: {  	_ =	shalt  }
0x7a: {  	_ =	shalt  }
0x7b: {  	_ =	shalt  }
0x7c: {  	_ =	shalt  }
0x7d: {  	_ =	shalt  }
0x7e: {  	_ =	shalt  }
0x7f: {  	_ =	shalt  }
0x80: {  	_ =	shalt  }
0x81: {  	_ =	shalt  }
0x82: {  	_ =	shalt  }
0x83: {  	_ =	shalt  }
0x84: {  	_ =	shalt  }
0x85: {  	_ =	shalt  }
0x86: {  	_ =	shalt  }
0x87: {  	_ =	shalt  }
.Lfunc_end0:
.L_simem_size_0:
called_computation_lowered:
.L_overlay_start_0:
0x88: {  	s2 =	sld [smem:$0x3FD9]  }
0x89: {  	s3 =	sld [smem:$0x3FFE];
	_ =	sdelay $0x1  }
0x8a: {  	s1 =	srdreg.scid  }
0x8b: {  	s0 =	sand.u32 $0x1, s1  }
0x8c: {  	s17 =	sshll.u32 s0, $0xA;
	s2 =	sadd.s32 s3, s2  }
0x8d: {  	s2 =	sadd.s32 s2, s17  }
0x8e: {  	[smem:$0x3FC6] =	sst s2  }
0x8f: {  	_ = 	snop  }
0x90: {  	s2 =	sld [smem:$0x3FD0];
	(tm) =	ssettm $0x1  }
0x91: {  	s18 =	sld [smem:$0x3FFB];
	_ =	sdelay $0x3  }
0x92: {  	_ =	strace s18  }
0x93: {  	s3 =	sld [smem:$0x3FFC];
	_ =	sdelay $0x3  }
0x94: {  	_ =	strace s3  }
0x95: {  	s3 =	sld [smem:$0x3FFD];
	_ =	sdelay $0x3  }
0x96: {  	_ =	strace s3  }
0x97: {  	_ =	strace $0x8FFFFFFF  }
0x98: {  	s19 =	sld [smem:$0x3FDB];
	_ =	sdelay $0x1  }
0x99: {  	s4 =	simm.s32 $_scs_section_size  }
0x9a: {  	s5 =	simm.s32 $_size__tile_overlayer_lowered;
	s6 =	simm.s32 $_tile_overlayer_lowered  }
0x9b: {  	s22 =	simm.s32 $0x1BFF;
	s21 =	sshll.u32 s6, $0x1;
	s3 =	sadd.s32 s4, s19  }
0x9c: {  	s7 =	simm.s32 $0x0;
	s20 =	sshll.u32 s5, $0x1;
	s5 =	sadd.s32 s21, s3  }
0x9d: {  	[timem:s7], [sflag:s22] =	dma.local [hbm:s5], s20  }
0x9e: {  	_ =	swait.ge [sflag:s22], s20  }
0x9f: {  	s4 =	ssub.s32 $0x0, s20;
	[sflag:s22] =	ssyncset.done $0x0  }
0xa0: {  	[sflag:s22] =	ssyncadd.s32 s4;
	_ =	sdelay $0x1  }
0xa1: {  	s23 =	simm.s32 $0x1B8B  }
0xa2: {  	_ =	swait.ge [sflag:s23], $0x1  }
0xa3: {  	[sflag:s23] =	ssyncset.done $0x0  }
0xa4: {  	s25 =	simm.s32 $0x1B8E;
	s24 =	sld [smem:$0x3FFE];
	[sflag:s23] =	ssyncadd.s32 $0xFFFFFFFF  }
0xa5: {  	s26 =	simm.s32 $execute0_lowered;
	[smem:$0x3FD2] =	sst s25  }
0xa6: {  	s5 =	sshll.u32 s26, $0x1;
	_ =	strace $0x80000046;
	[dreg:$0x1] =	wrdreg $0xFFFFFFFF  }
0xa7: {  	s28 =	simm.s32 $_size_execute0_lowered;
	s3 =	sadd.s32 s3, s5;
	[dreg:$0x0] =	wrdreg $0x0  }
0xa8: {  	s5 =	sshll.u32 s28, $0x1;
	[dreg:$0x2] =	wrdreg s3  }
0xa9: {  	[dreg:$0x3] =	wrdreg s5  }
0xaa: {  	[dreg:$0x4] =	wrdreg $0xC0  }
0xab: {  	_ =	task [dreg:s7], $0x5FFFF  }
0xac: {  	[dreg:$0x1] =	wrdreg $0xFFFFFFFF  }
0xad: {  	[dreg:$0x0] =	wrdreg $0x60  }
0xae: {  	[dreg:$0x2] =	wrdreg s24  }
0xaf: {  	[dreg:$0x3] =	wrdreg s2  }
0xb0: {  	[dreg:$0x4] =	wrdreg $0x9  }
0xb1: {  	_ =	task.clear_ibuf [dreg:s7], $0x5FFFF;
	_ =	strace $0x90000046  }
0xb2: {  	s29 =	simm.s32 $0x9;
	_ =	strace $0x80000048  }
0xb3: {  	_ =	swait.ge [sflag:s29], $0x1  }
0xb4: {  	[sflag:s29] =	ssyncadd.s32 $0xFFFFFFFF  }
0xb5: {  	_ =	strace $0x90000048  }
0xb6: {  	_ =	sfence  }
0xb7: {  	s30 =	sld [smem:$0x0];
	_ =	sdelay $0x2  }
0xb8: {  	s31 =	sshll.u32 s1, $0xD;
	s1 =	sshrl.u32 s1, $0x2  }
0xb9: {  	s3 =	sand.u32 $0x4000, s31;
	s1 =	sadd.s32 s1, s30  }
0xba: {  	s0 =	sor.u32 s3, s0;
	s1 =	sshll.u32 s1, $0x11  }
0xbb: {  	s0 =	sor.u32 s1, s0  }
0xbc: {  	s0 =	sadd.s32 $0x8F2B, s0  }
0xbd: {  	[sflag:s0] =	ssyncadd.remote.s32 $0x1  }
0xbe: {  	_ =	sfence.sel $0xFFFF  }
0xbf: {  	[dreg:$0x0] =	wrdreg $0xFFFFFFFF;
	(pc) =	sbr.abs _section_cstart, $3  }
0xc0: {  	[dreg:$0x1] =	wrdreg $0xFFFFFFFF  }
0xc1: {  	_ =	task.clear_ibuf [dreg:s7], $0x2FFFF;
	_ =	strace $0x9FFFFFFF  }
0xc2: {  	(tm) =	ssettm $0x7FFFFFFF  }
0xc3: {  	_ =	shalt  }
tec
execute0_lowered:
.L_overlay_start_1:
0x0: {  	(tag) =	ssettag $0x1  }
0x1: {  	v0 =	vimm.s32 $0x14131211;
	v1 =	vimm.s32 $0x18171615;
	vm0 =	vcmask $0x1F10  }
0x2: {  	v2 =	vimm.s32 $0x1C1B1A19;
	v3 =	vimm.s32 $0x1F1E1D;
	v4 =	vimm.s32 $0x15141312  }
0x3: {  	v5 =	vimm.s32 $0x19181716;
	v6 =	vimm.s32 $0x1D1C1B1A;
	v7 =	vimm.s32 $0x1001F1E  }
0x4: {  	v8 =	vimm.s32 $0x138F;
	v9 =	vimm.s32 $0x1A191817;
	v10 =	vimm.s32 $0x1E1D1C1B  }
0x5: {  	v11 =	vimm.s32 $0x201001F;
	v12 =	vimm.s32 $0x3020100;
	v13 =	vimm.s32 $0x1F1E1D1C  }
0x6: {  	v14 =	vimm.s32 $0x17161514;
	v15 =	vimm.s32 $0x1B1A1918;
	v16 =	vimm.s32 $0x4030201  }
0x7: {  	vm11 =	vcmask $0x2F10;
	vm12 =	vcmask $0x3F30;
	vm13 =	vcmask $0x300  }
0x8: {  	v17 =	vimm.s32 $0x328F;
	v18 =	vimm.s32 $0x330F;
	v19 =	vimm.s32 $0x338F  }
0x9: {  	v20 =	vimm.s32 $0xF;
	v21 =	vimm.s32 $0x8F;
	v22 =	vimm.s32 $0x10F  }
0xa: {  	v23 =	vimm.s32 $0x18F;
	v24 =	vimm.s32 $0x20F;
	v25 =	vimm.s32 $0x28F  }
0xb: {  	v26 =	vimm.s32 $0x30F;
	v27 =	vimm.s32 $0x38F;
	v28 =	vimm.s32 $0x100F  }
0xc: {  	v29 =	vimm.s32 $0x108F;
	v30 =	vimm.s32 $0x110F;
	v31 =	vimm.s32 $0x118F  }
0xd: {  	v32 =	vimm.s32 $0x120F;
	v33 =	vimm.s32 $0x128F;
	v34 =	vimm.s32 $0x130F  }
0xe: {  	vm14 =	vcmask $0x704;
	vm15 =	vcmask $0xB08;
	vm4 =	vcmask $0xF0C  }
0xf: {  	vm5 =	vcmask $0x1310;
	vm6 =	vcmask $0x1714;
	vm7 =	vcmask $0x1B18  }
0x10: {  	vm8 =	vcmask $0x1F1C;
	vm9 =	vcmask $0x2320;
	vm10 =	vcmask $0x2724  }
0x11: {  	v0 =	vunpack.c.0.s8.s32 v0;
	v1 =	vunpack.c.0.s8.s32 v1;
	v2 =	vunpack.c.0.s8.s32 v2  }
0x12: {  	v3 =	vunpack.c.0.s8.s32 v3;
	v4 =	vunpack.c.0.s8.s32 v4;
	v5 =	vunpack.c.0.s8.s32 v5  }
0x13: {  	v6 =	vunpack.c.0.s8.s32 v6;
	v7 =	vunpack.c.0.s8.s32 v7;
	v9 =	vunpack.c.0.s8.s32 v9  }
0x14: {  	v10 =	vunpack.c.0.s8.s32 v10;
	v11 =	vunpack.c.0.s8.s32 v11;
	v12 =	vunpack.c.0.s8.s32 v12  }
0x15: {  	v13 =	vunpack.c.0.s8.s32 v13;
	v14 =	vunpack.c.0.s8.s32 v14;
	v15 =	vunpack.c.0.s8.s32 v15  }
0x16: {  	v16 =	vunpack.c.0.s8.s32 v16;
	v17 =	vsel vm13, $0x1300, v17;
	v18 =	vsel vm13, $0x1380, v18  }
0x17: {  	v19 =	vsel vm13, $0x2000, v19;
	v20 =	vsel vm13, $0x2080, v20;
	v21 =	vsel vm13, $0x2100, v21  }
0x18: {  	v22 =	vsel vm13, $0x2180, v22;
	v23 =	vsel vm13, $0x2200, v23;
	v24 =	vsel vm13, $0x2280, v24  }
0x19: {  	v25 =	vsel vm13, $0x2300, v25;
	v26 =	vsel vm13, $0x2380, v26;
	v27 =	vsel vm13, $0x3000, v27  }
0x1a: {  	v28 =	vsel vm13, $0x3080, v28;
	v29 =	vsel vm13, $0x3100, v29;
	v30 =	vsel vm13, $0x3180, v30  }
0x1b: {  	v31 =	vsel vm13, $0x3200, v31;
	v32 =	vsel vm13, $0x3280, v32;
	v33 =	vsel vm13, $0x3300, v33  }
0x1c: {  	v34 =	vsel vm13, $0x3380, v34;
	v17 =	vsel vm14, $0x1381, v17;
	v18 =	vsel vm14, $0x2001, v18  }
0x1d: {  	v19 =	vsel vm14, $0x2081, v19;
	v20 =	vsel vm14, $0x2101, v20;
	v21 =	vsel vm14, $0x2181, v21  }
0x1e: {  	v22 =	vsel vm14, $0x2201, v22;
	v23 =	vsel vm14, $0x2281, v23;
	v24 =	vsel vm14, $0x2301, v24  }
0x1f: {  	v25 =	vsel vm14, $0x2381, v25;
	v26 =	vsel vm14, $0x3001, v26;
	v27 =	vsel vm14, $0x3081, v27  }
0x20: {  	v28 =	vsel vm14, $0x3101, v28;
	v29 =	vsel vm14, $0x3181, v29;
	v30 =	vsel vm14, $0x3201, v30  }
0x21: {  	v31 =	vsel vm14, $0x3281, v31;
	v32 =	vsel vm14, $0x3301, v32;
	v33 =	vsel vm14, $0x3381, v33  }
0x22: {  	v34 =	vsel vm14, $0x1, v34;
	v0 =	vsel vm0, v1, v0;
	v43 =	vsel vm0, v3, v2  }
0x23: {  	v17 =	vsel vm15, $0x2002, v17;
	v18 =	vsel vm15, $0x2082, v18;
	v19 =	vsel vm15, $0x2102, v19  }
0x24: {  	v20 =	vsel vm15, $0x2182, v20;
	v21 =	vsel vm15, $0x2202, v21;
	v22 =	vsel vm15, $0x2282, v22  }
0x25: {  	v23 =	vsel vm15, $0x2302, v23;
	v24 =	vsel vm15, $0x2382, v24;
	v25 =	vsel vm15, $0x3002, v25  }
0x26: {  	v26 =	vsel vm15, $0x3082, v26;
	v27 =	vsel vm15, $0x3102, v27;
	v28 =	vsel vm15, $0x3182, v28  }
0x27: {  	v29 =	vsel vm15, $0x3202, v29;
	v30 =	vsel vm15, $0x3282, v30;
	v31 =	vsel vm15, $0x3302, v31  }
0x28: {  	v32 =	vsel vm15, $0x3382, v32;
	v33 =	vsel vm15, $0x2, v33;
	v34 =	vsel vm15, $0x82, v34  }
0x29: {  	[tilespmem:$0x1FC30] =	vst v0;
	v0 =	vsel vm0, v5, v4;
	v4 =	vimm.s32 $0x16151413;
	v17 =	vsel vm4, $0x2083, v17  }
0x2a: {  	v18 =	vsel vm4, $0x2103, v18;
	v19 =	vsel vm4, $0x2183, v19;
	v20 =	vsel vm4, $0x2203, v20  }
0x2b: {  	v21 =	vsel vm4, $0x2283, v21;
	v22 =	vsel vm4, $0x2303, v22;
	v23 =	vsel vm4, $0x2383, v23  }
0x2c: {  	v24 =	vsel vm4, $0x3003, v24;
	v25 =	vsel vm4, $0x3083, v25;
	v26 =	vsel vm4, $0x3103, v26  }
0x2d: {  	v27 =	vsel vm4, $0x3183, v27;
	v28 =	vsel vm4, $0x3203, v28;
	v29 =	vsel vm4, $0x3283, v29  }
0x2e: {  	v30 =	vsel vm4, $0x3303, v30;
	v31 =	vsel vm4, $0x3383, v31;
	v32 =	vsel vm4, $0x3, v32  }
0x2f: {  	v33 =	vsel vm4, $0x83, v33;
	v34 =	vsel vm4, $0x103, v34;
	[tilespmem:$0x1FC50] =	vst v0;
	v0 =	vsel vm0, v7, v6  }
0x30: {  	v4 =	vunpack.c.0.s8.s32 v4;
	v17 =	vsel vm5, $0x2104, v17;
	v18 =	vsel vm5, $0x2184, v18  }
0x31: {  	v19 =	vsel vm5, $0x2204, v19;
	v20 =	vsel vm5, $0x2284, v20;
	v21 =	vsel vm5, $0x2304, v21  }
0x32: {  	v22 =	vsel vm5, $0x2384, v22;
	v23 =	vsel vm5, $0x3004, v23;
	v24 =	vsel vm5, $0x3084, v24  }
0x33: {  	v25 =	vsel vm5, $0x3104, v25;
	v26 =	vsel vm5, $0x3184, v26;
	v27 =	vsel vm5, $0x3204, v27  }
0x34: {  	v28 =	vsel vm5, $0x3284, v28;
	v29 =	vsel vm5, $0x3304, v29;
	v30 =	vsel vm5, $0x3384, v30  }
0x35: {  	v31 =	vsel vm5, $0x4, v31;
	v32 =	vsel vm5, $0x84, v32;
	v33 =	vsel vm5, $0x104, v33  }
0x36: {  	v34 =	vsel vm5, $0x184, v34;
	v17 =	vsel vm6, $0x2185, v17;
	v18 =	vsel vm6, $0x2205, v18  }
0x37: {  	v19 =	vsel vm6, $0x2285, v19;
	v20 =	vsel vm6, $0x2305, v20;
	v21 =	vsel vm6, $0x2385, v21  }
0x38: {  	v22 =	vsel vm6, $0x3005, v22;
	v23 =	vsel vm6, $0x3085, v23;
	v24 =	vsel vm6, $0x3105, v24  }
0x39: {  	v25 =	vsel vm6, $0x3185, v25;
	v26 =	vsel vm6, $0x3205, v26;
	v27 =	vsel vm6, $0x3285, v27  }
0x3a: {  	v28 =	vsel vm6, $0x3305, v28;
	v29 =	vsel vm6, $0x3385, v29;
	v30 =	vsel vm6, $0x5, v30  }
0x3b: {  	v31 =	vsel vm6, $0x85, v31;
	v32 =	vsel vm6, $0x105, v32;
	v33 =	vsel vm6, $0x185, v33  }
0x3c: {  	[tilespmem:$0x1FC40] =	vst v0;
	v34 =	vsel vm6, $0x205, v34;
	v0 =	vsel vm0, v9, v4;
	v4 =	vimm.s32 $0x5040302  }
0x3d: {  	v17 =	vsel vm7, $0x2206, v17;
	v18 =	vsel vm7, $0x2286, v18;
	v19 =	vsel vm7, $0x2306, v19  }
0x3e: {  	v20 =	vsel vm7, $0x2386, v20;
	v21 =	vsel vm7, $0x3006, v21;
	v22 =	vsel vm7, $0x3086, v22  }
0x3f: {  	v23 =	vsel vm7, $0x3106, v23;
	v24 =	vsel vm7, $0x3186, v24;
	v25 =	vsel vm7, $0x3206, v25  }
0x40: {  	v26 =	vsel vm7, $0x3286, v26;
	v27 =	vsel vm7, $0x3306, v27;
	v28 =	vsel vm7, $0x3386, v28  }
0x41: {  	v29 =	vsel vm7, $0x6, v29;
	v30 =	vsel vm7, $0x86, v30;
	v31 =	vsel vm7, $0x106, v31  }
0x42: {  	v32 =	vsel vm7, $0x186, v32;
	v33 =	vsel vm7, $0x206, v33;
	v34 =	vsel vm7, $0x286, v34  }
0x43: {  	[tilespmem:$0x1FC70] =	vst v0;
	v0 =	vsel vm0, v11, v10;
	v4 =	vunpack.c.0.s8.s32 v4;
	v17 =	vsel vm8, $0x2287, v17  }
0x44: {  	v18 =	vsel vm8, $0x2307, v18;
	v19 =	vsel vm8, $0x2387, v19;
	v20 =	vsel vm8, $0x3007, v20  }
0x45: {  	v21 =	vsel vm8, $0x3087, v21;
	v22 =	vsel vm8, $0x3107, v22;
	v23 =	vsel vm8, $0x3187, v23  }
0x46: {  	v24 =	vsel vm8, $0x3207, v24;
	v25 =	vsel vm8, $0x3287, v25;
	v26 =	vsel vm8, $0x3307, v26  }
0x47: {  	v27 =	vsel vm8, $0x3387, v27;
	v28 =	vsel vm8, $0x7, v28;
	v29 =	vsel vm8, $0x87, v29  }
0x48: {  	v30 =	vsel vm8, $0x107, v30;
	v31 =	vsel vm8, $0x187, v31;
	v32 =	vsel vm8, $0x207, v32  }
0x49: {  	v33 =	vsel vm8, $0x287, v33;
	v34 =	vsel vm8, $0x307, v34;
	[tilespmem:$0x1FC60] =	vst v0;
	v0 =	vsel vm0, v12, v13  }
0x4a: {  	v12 =	vimm.s32 $0x6050403;
	v17 =	vsel vm9, $0x2308, v17;
	v18 =	vsel vm9, $0x2388, v18  }
0x4b: {  	v19 =	vsel vm9, $0x3008, v19;
	v20 =	vsel vm9, $0x3088, v20;
	v21 =	vsel vm9, $0x3108, v21  }
0x4c: {  	v22 =	vsel vm9, $0x3188, v22;
	v23 =	vsel vm9, $0x3208, v23;
	v24 =	vsel vm9, $0x3288, v24  }
0x4d: {  	v25 =	vsel vm9, $0x3308, v25;
	v26 =	vsel vm9, $0x3388, v26;
	v27 =	vsel vm9, $0x8, v27  }
0x4e: {  	v28 =	vsel vm9, $0x88, v28;
	v29 =	vsel vm9, $0x108, v29;
	v30 =	vsel vm9, $0x188, v30  }
0x4f: {  	v31 =	vsel vm9, $0x208, v31;
	v32 =	vsel vm9, $0x288, v32;
	v33 =	vsel vm9, $0x308, v33  }
0x50: {  	v34 =	vsel vm9, $0x388, v34;
	[tilespmem:$0x1FBA0] =	vst v0;
	v0 =	vsel vm0, v15, v14;
	v14 =	vimm.s32 $0x32107654  }
0x51: {  	v17 =	vsel vm10, $0x2389, v17;
	v18 =	vsel vm10, $0x3009, v18;
	v19 =	vsel vm10, $0x3089, v19  }
0x52: {  	v20 =	vsel vm10, $0x3109, v20;
	v21 =	vsel vm10, $0x3189, v21;
	v22 =	vsel vm10, $0x3209, v22  }
0x53: {  	v23 =	vsel vm10, $0x3289, v23;
	v24 =	vsel vm10, $0x3309, v24;
	v25 =	vsel vm10, $0x3389, v25  }
0x54: {  	v26 =	vsel vm10, $0x9, v26;
	v27 =	vsel vm10, $0x89, v27;
	v28 =	vsel vm10, $0x109, v28  }
0x55: {  	v29 =	vsel vm10, $0x189, v29;
	v30 =	vsel vm10, $0x209, v30;
	v31 =	vsel vm10, $0x289, v31  }
0x56: {  	v32 =	vsel vm10, $0x309, v32;
	v33 =	vsel vm10, $0x389, v33;
	[tilespmem:$0x1FBB0] =	vst v0;
	v0 =	vsel vm0, v16, v3  }
0x57: {  	v34 =	vsel vm10, $0x1009, v34;
	v16 =	vimm.s32 $0x320F;
	[tilespmem:$0x1FBC0] =	vst v0;
	v0 =	vsel vm0, v2, v1  }
0x58: {  	v1 =	vunpack.c.0.s8.s32 v12;
	v2 =	vunpack.c.l.s4.s8 v14;
	v12 =	vimm.s32 $0x300F  }
0x59: {  	v14 =	vimm.s32 $0x310F;
	v16 =	vsel vm13, $0x1280, v16;
	[tilespmem:$0x1FBD0] =	vst v0;
	v0 =	vsel vm0, v4, v7  }
0x5a: {  	v4 =	vimm.s32 $0x43218765;
	v12 =	vsel vm13, $0x1080, v12;
	v14 =	vsel vm13, $0x1180, v14  }
0x5b: {  	v16 =	vsel vm14, $0x1301, v16;
	[tilespmem:$0x1FBE0] =	vst v0;
	v0 =	vsel vm0, v6, v5;
	v5 =	vimm.s32 $0xB0A0908  }
0x5c: {  	v6 =	vimm.s32 $0x6543A987;
	v12 =	vsel vm14, $0x1101, v12;
	v14 =	vsel vm14, $0x1201, v14  }
0x5d: {  	v16 =	vsel vm15, $0x1382, v16;
	[tilespmem:$0x1FBF0] =	vst v0;
	v0 =	vsel vm0, v1, v11;
	v1 =	vunpack.c.0.s8.s32 v2  }
0x5e: {  	v2 =	vunpack.c.l.s4.s8 v4;
	v4 =	vimm.s32 $0x54329876;
	v6 =	vunpack.c.l.s4.s8 v6  }
0x5f: {  	v5 =	vunpack.c.0.s8.s32 v5;
	v12 =	vsel vm15, $0x1182, v12;
	v14 =	vsel vm15, $0x1282, v14  }
0x60: {  	v16 =	vsel vm4, $0x2003, v16;
	[tilespmem:$0x1FC00] =	vst v0;
	v0 =	vsel vm0, v10, v9;
	v4 =	vunpack.c.l.s4.s8 v4  }
0x61: {  	v9 =	vimm.s32 $0xE0D0C0B;
	v10 =	vimm.s32 $0x230F;
	v12 =	vsel vm4, $0x1203, v12  }
0x62: {  	v14 =	vsel vm4, $0x1303, v14;
	v16 =	vsel vm5, $0x2084, v16;
	[tilespmem:$0x1FC10] =	vst v0;
	v0 =	vsel vm0, v13, v15  }
0x63: {  	v1 =	vand.u32 $0xF, v1;
	v2 =	vunpack.c.0.s8.s32 v2;
	v6 =	vunpack.c.0.s8.s32 v6  }
0x64: {  	v9 =	vunpack.c.0.s8.s32 v9;
	v10 =	vsel vm13, $0x380, v10;
	v15 =	vimm.s32 $0x318F  }
0x65: {  	v12 =	vsel vm5, $0x1284, v12;
	v14 =	vsel vm5, $0x1384, v14;
	v16 =	vsel vm6, $0x2105, v16  }
0x66: {  	v4 =	vunpack.c.0.s8.s32 v4;
	v1 =	vsel vm11, v1, v13;
	v13 =	vimm.s32 $0x308F  }
0x67: {  	v15 =	vsel vm13, $0x1200, v15;
	v10 =	vsel vm14, $0x1001, v10;
	v12 =	vsel vm6, $0x1305, v12  }
0x68: {  	v14 =	vsel vm6, $0x2005, v14;
	v16 =	vsel vm7, $0x2186, v16;
	v2 =	vand.u32 $0xF, v2  }
0x69: {  	[tilespmem:$0x1FC20] =	vst v0;
	v6 =	vand.u32 $0xF, v6;
	v0 =	vsel vm12, v5, v1;
	v5 =	vimm.s32 $0x208F  }
0x6a: {  	v13 =	vsel vm13, $0x1100, v13;
	v15 =	vsel vm14, $0x1281, v15;
	v10 =	vsel vm15, $0x1082, v10  }
0x6b: {  	v12 =	vsel vm7, $0x1386, v12;
	v14 =	vsel vm7, $0x2086, v14;
	v16 =	vsel vm8, $0x2207, v16  }
0x6c: {  	v2 =	vsel vm11, v2, v3;
	v3 =	vimm.s32 $0xC0B0A09;
	v4 =	vand.u32 $0xF, v4  }
0x6d: {  	v6 =	vsel vm11, v6, v11;
	v5 =	vsel vm13, $0x100, v5;
	v11 =	vimm.s32 $0x238F  }
0x6e: {  	v13 =	vsel vm14, $0x1181, v13;
	v15 =	vsel vm15, $0x1302, v15;
	v10 =	vsel vm4, $0x1103, v10  }
0x6f: {  	v12 =	vsel vm8, $0x2007, v12;
	v14 =	vsel vm8, $0x2107, v14;
	v16 =	vsel vm9, $0x2288, v16  }
0x70: {  	v3 =	vunpack.c.0.s8.s32 v3;
	v4 =	vsel vm11, v4, v7;
	v7 =	vimm.s32 $0xD0C0B0A  }
0x71: {  	v1 =	vsel vm12, v9, v6;
	v6 =	vimm.s32 $0x210F;
	v9 =	vimm.s32 $0x228F  }
0x72: {  	v11 =	vsel vm13, $0x1000, v11;
	v5 =	vsel vm14, $0x181, v5;
	v13 =	vsel vm15, $0x1202, v13  }
0x73: {  	v15 =	vsel vm4, $0x1383, v15;
	v10 =	vsel vm5, $0x1184, v10;
	v12 =	vsel vm9, $0x2088, v12  }
0x74: {  	v14 =	vsel vm9, $0x2188, v14;
	v16 =	vsel vm10, $0x2309, v16;
	vm11 =	vcmask $0x2B28  }
0x75: {  	v7 =	vunpack.c.0.s8.s32 v7;
	[tilespmem:$0x1FB70] =	vst v1;
	v1 =	vimm.s32 $0x200F;
	v6 =	vsel vm13, $0x180, v6  }
0x76: {  	v9 =	vsel vm13, $0x300, v9;
	v11 =	vsel vm14, $0x1081, v11;
	v5 =	vsel vm15, $0x202, v5  }
0x77: {  	v13 =	vsel vm4, $0x1283, v13;
	v15 =	vsel vm5, $0x2004, v15;
	v10 =	vsel vm6, $0x1205, v10  }
0x78: {  	v12 =	vsel vm10, $0x2109, v12;
	v14 =	vsel vm10, $0x2209, v14;
	v16 =	vsel vm11, $0x238A, v16  }
0x79: {  	v17 =	vsel vm11, $0x300A, v17;
	v18 =	vsel vm11, $0x308A, v18;
	v19 =	vsel vm11, $0x310A, v19  }
0x7a: {  	v20 =	vsel vm11, $0x318A, v20;
	v21 =	vsel vm11, $0x320A, v21;
	v22 =	vsel vm11, $0x328A, v22  }
0x7b: {  	v23 =	vsel vm11, $0x330A, v23;
	v24 =	vsel vm11, $0x338A, v24;
	v25 =	vsel vm11, $0xA, v25  }
0x7c: {  	v26 =	vsel vm11, $0x8A, v26;
	v27 =	vsel vm11, $0x10A, v27;
	v28 =	vsel vm11, $0x18A, v28  }
0x7d: {  	v29 =	vsel vm11, $0x20A, v29;
	v30 =	vsel vm11, $0x28A, v30;
	v31 =	vsel vm11, $0x30A, v31  }
0x7e: {  	v32 =	vsel vm11, $0x38A, v32;
	v33 =	vsel vm11, $0x100A, v33;
	v34 =	vsel vm11, $0x108A, v34  }
0x7f: {  	[tilespmem:$0x1FB40] =	vst v0;
	v0 =	vsel vm12, v3, v2;
	v2 =	vsel vm13, $0x0, v8;
	v1 =	vsel vm13, $0x80, v1  }
0x80: {  	v8 =	vimm.s32 $0x220F;
	v6 =	vsel vm14, $0x201, v6;
	v9 =	vsel vm14, $0x381, v9  }
0x81: {  	v11 =	vsel vm15, $0x1102, v11;
	v5 =	vsel vm4, $0x283, v5;
	v13 =	vsel vm5, $0x1304, v13  }
0x82: {  	v15 =	vsel vm6, $0x2085, v15;
	v10 =	vsel vm7, $0x1286, v10;
	v12 =	vsel vm11, $0x218A, v12  }
0x83: {  	v14 =	vsel vm11, $0x228A, v14;
	[tilespmem:$0x1FB50] =	vst v0;
	v0 =	vsel vm12, v7, v4;
	v7 =	vimm.s32 $0x218F  }
0x84: {  	v8 =	vsel vm13, $0x280, v8;
	v2 =	vsel vm14, $0x81, v2;
	v1 =	vsel vm14, $0x101, v1  }
0x85: {  	v6 =	vsel vm15, $0x282, v6;
	v9 =	vsel vm15, $0x1002, v9;
	v11 =	vsel vm4, $0x1183, v11  }
0x86: {  	v5 =	vsel vm5, $0x304, v5;
	v13 =	vsel vm6, $0x1385, v13;
	v15 =	vsel vm7, $0x2106, v15  }
0x87: {  	v10 =	vsel vm8, $0x1307, v10;
	vm12 =	vcmask $0x2F2C;
	v7 =	vsel vm13, $0x200, v7  }
0x88: {  	v8 =	vsel vm14, $0x301, v8;
	v2 =	vsel vm15, $0x102, v2;
	v1 =	vsel vm15, $0x182, v1  }
0x89: {  	v6 =	vsel vm4, $0x303, v6;
	v9 =	vsel vm4, $0x1083, v9;
	v11 =	vsel vm5, $0x1204, v11  }
0x8a: {  	v5 =	vsel vm6, $0x385, v5;
	v13 =	vsel vm7, $0x2006, v13;
	v15 =	vsel vm8, $0x2187, v15  }
0x8b: {  	v10 =	vsel vm9, $0x1388, v10;
	v12 =	vsel vm12, $0x220B, v12;
	v14 =	vsel vm12, $0x230B, v14  }
0x8c: {  	v16 =	vsel vm12, $0x300B, v16;
	v17 =	vsel vm12, $0x308B, v17;
	v18 =	vsel vm12, $0x310B, v18  }
0x8d: {  	v19 =	vsel vm12, $0x318B, v19;
	v20 =	vsel vm12, $0x320B, v20;
	v21 =	vsel vm12, $0x328B, v21  }
0x8e: {  	v22 =	vsel vm12, $0x330B, v22;
	v23 =	vsel vm12, $0x338B, v23;
	v24 =	vsel vm12, $0xB, v24  }
0x8f: {  	v25 =	vsel vm12, $0x8B, v25;
	v26 =	vsel vm12, $0x10B, v26;
	v27 =	vsel vm12, $0x18B, v27  }
0x90: {  	v28 =	vsel vm12, $0x20B, v28;
	v29 =	vsel vm12, $0x28B, v29;
	v30 =	vsel vm12, $0x30B, v30  }
0x91: {  	v31 =	vsel vm12, $0x38B, v31;
	v32 =	vsel vm12, $0x100B, v32;
	v33 =	vsel vm12, $0x108B, v33  }
0x92: {  	v34 =	vsel vm12, $0x110B, v34;
	vm13 =	vcmask $0x3330;
	v7 =	vsel vm14, $0x281, v7  }
0x93: {  	v8 =	vsel vm15, $0x382, v8;
	v2 =	vsel vm4, $0x183, v2;
	v1 =	vsel vm4, $0x203, v1  }
0x94: {  	v6 =	vsel vm5, $0x384, v6;
	v9 =	vsel vm5, $0x1104, v9;
	v11 =	vsel vm6, $0x1285, v11  }
0x95: {  	v5 =	vsel vm7, $0x1006, v5;
	v13 =	vsel vm8, $0x2087, v13;
	v15 =	vsel vm9, $0x2208, v15  }
0x96: {  	v10 =	vsel vm10, $0x2009, v10;
	v12 =	vsel vm13, $0x228C, v12;
	v14 =	vsel vm13, $0x238C, v14  }
0x97: {  	v16 =	vsel vm13, $0x308C, v16;
	v17 =	vsel vm13, $0x310C, v17;
	v18 =	vsel vm13, $0x318C, v18  }
0x98: {  	v19 =	vsel vm13, $0x320C, v19;
	v20 =	vsel vm13, $0x328C, v20;
	v21 =	vsel vm13, $0x330C, v21  }
0x99: {  	v22 =	vsel vm13, $0x338C, v22;
	v23 =	vsel vm13, $0xC, v23;
	v24 =	vsel vm13, $0x8C, v24  }
0x9a: {  	v25 =	vsel vm13, $0x10C, v25;
	v26 =	vsel vm13, $0x18C, v26;
	v27 =	vsel vm13, $0x20C, v27  }
0x9b: {  	v28 =	vsel vm13, $0x28C, v28;
	v29 =	vsel vm13, $0x30C, v29;
	v30 =	vsel vm13, $0x38C, v30  }
0x9c: {  	v31 =	vsel vm13, $0x100C, v31;
	v32 =	vsel vm13, $0x108C, v32;
	v33 =	vsel vm13, $0x110C, v33  }
0x9d: {  	v34 =	vsel vm13, $0x118C, v34;
	vm14 =	vcmask $0x3734;
	v7 =	vsel vm15, $0x302, v7  }
0x9e: {  	v8 =	vsel vm4, $0x1003, v8;
	v2 =	vsel vm5, $0x204, v2;
	v1 =	vsel vm5, $0x284, v1  }
0x9f: {  	v6 =	vsel vm6, $0x1005, v6;
	v9 =	vsel vm6, $0x1185, v9;
	v11 =	vsel vm7, $0x1306, v11  }
0xa0: {  	v5 =	vsel vm8, $0x1087, v5;
	v13 =	vsel vm9, $0x2108, v13;
	v15 =	vsel vm10, $0x2289, v15  }
0xa1: {  	v10 =	vsel vm11, $0x208A, v10;
	v42 =	vsel vm14, $0x230D, v12;
	v4 =	vsel vm14, $0x300D, v14  }
0xa2: {  	v46 =	vsel vm14, $0x310D, v16;
	v47 =	vsel vm14, $0x318D, v17;
	v60 =	vsel vm14, $0x320D, v18  }
0xa3: {  	[tilespmem:$0x1FB60] =	vst v0;
	v63 =	vsel vm14, $0x328D, v19;
	v0 =	vsel vm14, $0x330D, v20;
	v48 =	vsel vm14, $0x338D, v21  }
0xa4: {  	v49 =	vsel vm14, $0xD, v22;
	v50 =	vsel vm14, $0x8D, v23;
	v51 =	vsel vm14, $0x10D, v24  }
0xa5: {  	v52 =	vsel vm14, $0x18D, v25;
	v53 =	vsel vm14, $0x20D, v26;
	v54 =	vsel vm14, $0x28D, v27  }
0xa6: {  	v55 =	vsel vm14, $0x30D, v28;
	v56 =	vsel vm14, $0x38D, v29;
	v57 =	vsel vm14, $0x100D, v30  }
0xa7: {  	v58 =	vsel vm14, $0x108D, v31;
	v59 =	vsel vm14, $0x110D, v32;
	v61 =	vsel vm14, $0x118D, v33  }
0xa8: {  	vm15 =	vcmask $0x3B38;
	v7 =	vsel vm4, $0x383, v7;
	v8 =	vsel vm5, $0x1084, v8  }
0xa9: {  	v2 =	vsel vm6, $0x285, v2;
	v1 =	vsel vm6, $0x305, v1;
	v6 =	vsel vm7, $0x1086, v6  }
0xaa: {  	v9 =	vsel vm7, $0x1206, v9;
	v11 =	vsel vm8, $0x1387, v11;
	v5 =	vsel vm9, $0x1108, v5  }
0xab: {  	v13 =	vsel vm10, $0x2189, v13;
	v15 =	vsel vm11, $0x230A, v15;
	v10 =	vsel vm12, $0x210B, v10  }
0xac: {  	v24 =	vsel vm15, $0x238E, v42;
	v20 =	vsel vm15, $0x308E, v4;
	v8 =	vsel vm6, $0x1105, v8  }
0xad: {  	v2 =	vsel vm7, $0x306, v2;
	v1 =	vsel vm7, $0x386, v1;
	v9 =	vsel vm8, $0x1287, v9  }
0xae: {  	v11 =	vsel vm9, $0x2008, v11;
	v13 =	vsel vm11, $0x220A, v13;
	v10 =	vsel vm13, $0x218C, v10  }
0xaf: {  	v8 =	vsel vm7, $0x1186, v8;
	v2 =	vsel vm8, $0x387, v2;
	v1 =	vsel vm8, $0x1007, v1  }
0xb0: {  	v9 =	vsel vm9, $0x1308, v9;
	v11 =	vsel vm10, $0x2089, v11;
	v13 =	vsel vm12, $0x228B, v13  }
0xb1: {  	v40 =	vsel vm14, $0x220D, v10;
	v8 =	vsel vm8, $0x1207, v8;
	v2 =	vsel vm9, $0x1008, v2  }
0xb2: {  	v1 =	vsel vm9, $0x1088, v1;
	v9 =	vsel vm10, $0x1389, v9;
	v11 =	vsel vm11, $0x210A, v11  }
0xb3: {  	v8 =	vsel vm9, $0x1288, v8;
	v2 =	vsel vm10, $0x1089, v2;
	v1 =	vsel vm10, $0x1109, v1  }
0xb4: {  	v9 =	vsel vm11, $0x200A, v9;
	v11 =	vsel vm12, $0x218B, v11;
	v2 =	vsel vm11, $0x110A, v2  }
0xb5: {  	v8 =	vsel vm10, $0x1309, v8;
	v1 =	vsel vm11, $0x118A, v1;
	v2 =	vsel vm12, $0x118B, v2  }
0xb6: {  	v9 =	vsel vm12, $0x208B, v9;
	v1 =	vsel vm12, $0x120B, v1;
	v2 =	vsel vm13, $0x120C, v2  }
0xb7: {  	v11 =	vsel vm13, $0x220C, v11;
	v1 =	vsel vm13, $0x128C, v1;
	v2 =	vsel vm14, $0x128D, v2  }
0xb8: {  	v9 =	vsel vm13, $0x210C, v9;
	v1 =	vsel vm14, $0x130D, v1;
	v2 =	vsel vm15, $0x130E, v2  }
0xb9: {  	s0 =	rddreg [dreg:$0x0];
	s2 =	simm.s32 $0x0;
	v8 =	vsel vm11, $0x138A, v8;
	v39 =	vsel vm14, $0x218D, v9;
	v1 =	vsel vm15, $0x138E, v1;
	[tilespmem:$0x1FB80] =	vst v2  }
0xba: {  	[smem:$0x7FF] =	sst s2;
	v41 =	vsel vm14, $0x228D, v11;
	v8 =	vsel vm12, $0x200B, v8;
	v10 =	vsel vm15, $0x220E, v39;
	[tilespmem:$0x1FB90] =	vst v1  }
0xbb: {  	s1 =	rddreg [dreg:$0x1];
	v13 =	vsel vm13, $0x230C, v13;
	v41 =	vsel vm15, $0x230E, v41;
	v8 =	vsel vm13, $0x208C, v8;
	_ =	strace $0x80000047;
	[tilespmem:$0x1FCD0] =	vst v10  }
0xbc: {  	v15 =	vsel vm12, $0x238B, v15;
	v3 =	vsel vm14, $0x238D, v13;
	v38 =	vsel vm14, $0x210D, v8;
	[tilespmem:$0x1FCF0] =	vst v41  }
0xbd: {  	v15 =	vsel vm13, $0x300C, v15;
	v18 =	vsel vm15, $0x218E, v38;
	v38 =	vsel vm15, $0x300E, v3;
	[tilespmem:$0x1FD00] =	vst v24  }
0xbe: {  	v19 =	vsel vm15, $0x318E, v46;
	v14 =	vsel vm15, $0x320E, v47;
	v45 =	vsel vm14, $0x308D, v15;
	[tilespmem:$0x1FD10] =	vst v38  }
0xbf: {  	v23 =	vsel vm15, $0x328E, v60;
	v22 =	vsel vm15, $0x330E, v63;
	v16 =	vsel vm15, $0x310E, v45;
	[tilespmem:$0x1FD20] =	vst v20  }
0xc0: {  	v25 =	vsel vm15, $0x338E, v0;
	v26 =	vsel vm15, $0xE, v48;
	v27 =	vsel vm15, $0x8E, v49;
	[tilespmem:$0x1FD30] =	vst v16  }
0xc1: {  	v28 =	vsel vm15, $0x10E, v50;
	v0 =	vlaneseq.u32;
	v6 =	vsel vm8, $0x1107, v6;
	[tilespmem:$0x1FD40] =	vst v19  }
0xc2: {  	v5 =	vsel vm10, $0x1189, v5;
	v44 =	vadd.s32 $0x1, v0;
	v6 =	vsel vm9, $0x1188, v6;
	[tilespmem:$0x1FD50] =	vst v14  }
0xc3: {  	v4 =	vadd.s32 $0x2, v0;
	v32 =	vadd.s32 $0x4, v0;
	v6 =	vsel vm10, $0x1209, v6;
	[tilespmem:$0x1FD60] =	vst v23  }
0xc4: {  	v46 =	vadd.s32 $0x6, v0;
	v47 =	vadd.s32 $0x7, v0;
	v6 =	vsel vm11, $0x128A, v6;
	[tilespmem:$0x1FD70] =	vst v22  }
0xc5: {  	v48 =	vadd.s32 $0x8, v0;
	v49 =	vadd.s32 $0x9, v0;
	v6 =	vsel vm12, $0x130B, v6;
	[tilespmem:$0x1FD80] =	vst v25  }
0xc6: {  	v50 =	vadd.s32 $0xA, v0;
	v45 =	vadd.s32 $0x5, v0;
	v6 =	vsel vm13, $0x138C, v6;
	[tilespmem:$0x1FD90] =	vst v26  }
0xc7: {  	v36 =	vsel vm14, $0x200D, v6;
	v6 =	vadd.s32 $0x3, v0;
	v3 =	vmul.u32 $0x20, v0;
	[tilespmem:$0x1FDA0] =	vst v27;
	v0 =	vld [tilespmem:$0x1FBA0]  }
0xc8: {  	v29 =	vsel vm15, $0x18E, v51;
	v7 =	vsel vm5, $0x1004, v7;
	v5 =	vsel vm11, $0x120A, v5;
	[tilespmem:$0x1FDB0] =	vst v28;
	v1 =	vld [tilespmem:$0x1FBB0]  }
0xc9: {  	v30 =	vsel vm15, $0x20E, v52;
	v7 =	vsel vm6, $0x1085, v7;
	v5 =	vsel vm12, $0x128B, v5;
	[tilespmem:$0x1FDC0] =	vst v29  }
0xca: {  	v31 =	vsel vm15, $0x28E, v53;
	v7 =	vsel vm7, $0x1106, v7;
	v5 =	vsel vm13, $0x130C, v5;
	[tilespmem:$0x1FDD0] =	vst v30  }
0xcb: {  	v7 =	vsel vm8, $0x1187, v7;
	v35 =	vsel vm14, $0x138D, v5;
	v5 =	vsel vm15, $0x30E, v54;
	[tilespmem:$0x1FDE0] =	vst v31  }
0xcc: {  	v62 =	vsel vm14, $0x120D, v34;
	v33 =	vsel vm15, $0x38E, v55;
	v7 =	vsel vm9, $0x1208, v7;
	[tilespmem:$0x1FDF0] =	vst v5;
	v2 =	vld [tilespmem:$0x1FBD0]  }
0xcd: {  	v34 =	vsel vm15, $0x100E, v56;
	v7 =	vsel vm10, $0x1289, v7;
	[tilespmem:$0x1FE00] =	vst v33;
	v51 =	vcombine.low v1, v0;
	v1 =	vld [tilespmem:$0x1FBC0]  }
0xce: {  	v17 =	vsel vm15, $0x108E, v57;
	v7 =	vsel vm11, $0x130A, v7;
	[tilespmem:$0x1FE10] =	vst v34  }
0xcf: {  	v7 =	vsel vm12, $0x138B, v7;
	v13 =	vsel vm15, $0x208E, v36;
	v36 =	vsel vm15, $0x110E, v58;
	[tilespmem:$0x1FE20] =	vst v17  }
0xd0: {  	v12 =	vsel vm15, $0x200E, v35;
	v35 =	vsel vm15, $0x120E, v61;
	v7 =	vsel vm13, $0x200C, v7;
	[tilespmem:$0x1FE30] =	vst v36  }
0xd1: {  	v39 =	vsel vm15, $0x128E, v62;
	v37 =	vsel vm14, $0x208D, v7;
	[tilespmem:$0x1FE50] =	vst v35;
	v7 =	vld [tilespmem:$0x1FBF0]  }
0xd2: {  	[tilespmem:$0x1FE60] =	vst v39;
	v52 =	vcombine.low v2, v1;
	v2 =	vld [tilespmem:$0x1FBE0]  }
0xd3: {  	[tilespmem:$0x1FE70] =	vst v6  }
0xd4: {  	[tilespmem:$0x1FE80] =	vst v32  }
0xd5: {  	[tilespmem:$0x1FE90] =	vst v45  }
0xd6: {  	[tilespmem:$0x1FEA0] =	vst v46;
	v9 =	vld [tilespmem:$0x1FC10]  }
0xd7: {  	[tilespmem:$0x1FEB0] =	vst v47;
	v53 =	vcombine.low v7, v2;
	v7 =	vld [tilespmem:$0x1FC00]  }
0xd8: {  	[tilespmem:$0x1FEC0] =	vst v48  }
0xd9: {  	v11 =	vlaneseq.u32;
	[tilespmem:$0x1FED0] =	vst v49  }
0xda: {  	v15 =	vsel vm15, $0x228E, v40;
	v40 =	vadd.s32 $0xB, v11;
	[tilespmem:$0x1FEE0] =	vst v50  }
0xdb: {  	v57 =	vadd.s32 $0xC, v11;
	[tilespmem:$0x1FF20] =	vst v40  }
0xdc: {  	v60 =	vadd.s32 $0xD, v11;
	[tilespmem:$0x1FF50] =	vst v57;
	v0 =	vimm.s32 $0x76543210;
	v55 =	vcombine.low v9, v7;
	v7 =	vld [tilespmem:$0x1FC20]  }
0xdd: {  	v63 =	vadd.s32 $0xE, v11;
	[tilespmem:$0x1FF80] =	vst v60;
	v0 =	vunpack.c.l.s4.s8 v0  }
0xde: {  	[tilespmem:$0x1FFB0] =	vst v63;
	v1 =	vimm.s32 $0x87654321  }
0xdf: {  	[tilespmem:$0x1FFE0] =	vst v44;
	v0 =	vunpack.c.0.s8.s32 v0;
	v1 =	vunpack.c.l.s4.s8 v1;
	v2 =	vimm.s32 $0x98765432  }
0xe0: {  	v42 =	vimm.s32 $0xA9876543;
	v21 =	vsel vm15, $0x210E, v37;
	[tilespmem:$0x1FFF0] =	vst v4;
	v54 =	vld [tilespmem:$0x1FC40];
	v2 =	vunpack.c.l.s4.s8 v2  }
0xe1: {  	v37 =	vsel vm15, $0x118E, v59;
	[tilespmem:$0x1FCB0] =	vst v21;
	v1 =	vunpack.c.0.s8.s32 v1;
	v56 =	vcombine.low v7, v0;
	v7 =	vld [tilespmem:$0x1FC30]  }
0xe2: {  	[tilespmem:$0x1FE40] =	vst v37;
	v0 =	vunpack.c.0.s8.s32 v2;
	v2 =	vunpack.c.l.s4.s8 v42  }
0xe3: {  	[tilespmem:$0x1FFD0] =	vst v3;
	v1 =	vand.u32 $0xF, v1  }
0xe4: {  	[tilespmem:$0x1FEF0] =	vst v51;
	v59 =	vcombine.low v43, v1;
	v0 =	vand.u32 $0xF, v0;
	v1 =	vunpack.c.0.s8.s32 v2;
	v2 =	vld [tilespmem:$0x1FC50]  }
0xe5: {  	s3 =	srdreg.scid;
	s5 =	stileid.u32;
	s16 =	simm.s32 $0x200;
	[tilespmem:$0x1FF00] =	vst v52;
	v62 =	vcombine.low v54, v0;
	v0 =	vld [tilespmem:$0x1FC70]  }
0xe6: {  	s17 =	simm.s32 $0x4;
	s18 =	simm.s32 $0x6;
	s19 =	simm.s32 $0x4400;
	[tilespmem:$0x1FF10] =	vst v53;
	v58 =	vcombine.low v7, v43;
	v7 =	vld [tilespmem:$0x1FC60]  }
0xe7: {  	s20 =	simm.s32 $0xC400;
	s21 =	simm.s32 $0xD400;
	s22 =	simm.s32 $0xE400;
	[tilespmem:$0x1FF70] =	vst v59;
	v9 =	vmov v18  }
0xe8: {  	s30 =	simm.s32 $0xB400;
	s31 =	simm.s32 $0x5;
	s3 =	sand.u32 $0x1, s3;
	[tilespmem:$0x1FCC0] =	vst v9  }
0xe9: {  	s4 =	sadd.s32 $0x600, s0;
	s7 =	sshll.u32 s5, $0x1;
	s5 =	sadd.s32 $0xF42A00, s0;
	[tilespmem:$0x1FF30] =	vst v55  }
0xea: {  	s25 =	sadd.s32 $0xE00, s0;
	s12 =	sadd.s32 $0x4000, s1;
	s13 =	sadd.s32 $0x8000, s1;
	[tilespmem:$0x1FF40] =	vst v56;
	v61 =	vcombine.low v2, v54  }
0xeb: {  	s14 =	sadd.s32 $0xC000, s1;
	s0 =	simm.s32 $0x2;
	s6 =	ssub.s32 $0x2, s3;
	[tilespmem:$0x1FFA0] =	vst v62;
	v2 =	vcombine.low v0, v7;
	v0 =	vand.u32 $0xF, v1;
	v1 =	vadd.s32 $0xF, v11  }
0xec: {  	s3 =	sor.u32 s3, s7;
	s7 =	simm.s32 $0x0;
	s8 =	sshrl.u32 s6, $0x1;
	[tilespmem:$0x1FF60] =	vst v58  }
0xed: {  	s24 =	sshll.u32 s3, $0x6;
	s26 =	sshll.u32 s3, $0xC;
	s23 =	ssub.s32 s6, s8;
	[tilespmem:$0x1FF90] =	vst v61  }
.Ltmp0:
0xee: {  	s6 =	sshll.u32 s3, $0x9;
	s9 =	sadd.s32 s4, s24;
	[tilespmem:$0x1FC80] =	vst v1;
	v1 =	vmov v12;
	(pc) =	sbr.rel .LBB2_1-.Ltmp0, $4  }
0xef: {  	s28 =	sadd.s32 s24, s25;
	s11 =	sor.u32 $0xFFF80000, s26;
	[dreg:$0x3] =	wrdreg s9;
	v42 =	vcombine.low v7, v0;
	v0 =	vmov v2;
	[tilespmem:$0x1FC90] =	vst v1  }
0xf0: {  	s24 =	simm.s32 $0x3;
	s26 =	simm.s32 $0x8400;
	[dreg:$0x4] =	wrdreg s25;
	v2 =	vmov v13;
	[tilespmem:$0x1FFC0] =	vst v0  }
0xf1: {  	s10 =	sor.u32 $0x8000, s6;
	s29 =	smax.u32 s23, $0x1;
	[dreg:$0x5] =	wrdreg s28;
	v8 =	vmov v21;
	v21 =	vmov v20;
	v13 =	vmov v15;
	[tilespmem:$0x1FCA0] =	vst v2  }
0xf2: {  	s23 =	simm.s32 $0xF400;
	[dreg:$0x6] =	wrdreg s29;
	s25 =	simm.s32 $0x400;
	v18 =	vmovc v41;
	v43 =	vmovc v38;
	v7 =	vor.u32 $0x10, v11;
	v12 =	vmov v10;
	v15 =	vmov v24;
	[tilespmem:$0x1FCE0] =	vst v13  }
.LBB2_16:
0xf3: {  	_ =	swait.ge [sflag:s31], $0x1000  }
0xf4: {  	[sflag:s31] =	ssyncset.done $0x0  }
0xf5: {  	[sflag:s31] =	ssyncadd.s32 $0xFFFFF000  }
0xf6: {  	_ =	swait.ge [sflag:s31], $0x1000  }
0xf7: {  	[sflag:s31] =	ssyncset.done $0x0  }
0xf8: {  	[sflag:s31] =	ssyncadd.s32 $0xFFFFF000  }
0xf9: {  	_ =	swait.ge [sflag:s31], $0x1000  }
0xfa: {  	[sflag:s31] =	ssyncset.done $0x0  }
0xfb: {  	[sflag:s31] =	ssyncadd.s32 $0xFFFFF000  }
0xfc: {  	_ =	swait.ge [sflag:s31], $0x1000  }
0xfd: {  	[sflag:s31] =	ssyncset.done $0x0  }
0xfe: {  	[sflag:s31] =	ssyncadd.s32 $0xFFFFF000  }
0xff: {  	_ =	swait.ge [sflag:s18], $0x1000  }
0x100: {  	[sflag:s18] =	ssyncset.done $0x0  }
0x101: {  	[sflag:s18] =	ssyncadd.s32 $0xFFFFF000  }
0x102: {  	_ =	swait.ge [sflag:s18], $0x1000  }
0x103: {  	[sflag:s18] =	ssyncset.done $0x0  }
0x104: {  	[sflag:s18] =	ssyncadd.s32 $0xFFFFF000  }
0x105: {  	_ =	swait.ge [sflag:s18], $0x1000  }
0x106: {  	[sflag:s18] =	ssyncset.done $0x0  }
0x107: {  	[sflag:s18] =	ssyncadd.s32 $0xFFFFF000  }
0x108: {  	_ =	swait.ge [sflag:s18], $0x1000  }
0x109: {  	s7 =	rddreg [dreg:$0x7]  }
0x10a: {  	s3 =	rddreg [dreg:$0x6];
	s7 =	sadd.s32 $0x1, s7  }
0x10b: {  	p0 =	sne.s32 s7, s3  }
.Ltmp1:
0x10c: {  	_ = 	snop;
	(pc) =	sbr.rel @!p0 .LBB2_17-.Ltmp1, $3  }
0x10d: {  	_ =	sdelay $0x1  }
0x10e: {  	[sflag:s18] =	ssyncset.done $0x0  }
0x10f: {  	[sflag:s18] =	ssyncadd.s32 $0xFFFFF000  }
.LBB2_1:
.Ltmp2:
0x110: {  	[dreg:$0x7] =	wrdreg s7;
	(pc) =	sbr.rel .LBB2_2-.Ltmp2, $4  }
0x111: {  	s3 =	rddreg [dreg:$0x3]  }
0x112: {  	[tilespmem:s2], [sflag:$0x1] =	stream.linear.gather [hbm4b:s3+s2], $0x200, $0x38;
	[tilespmem:$0x10400] =	vst v63  }
0x113: {  	s29 =	rddreg [dreg:$0x5];
	s7 =	simm.s32 $0x0  }
0x114: {  	[tilespmem:s16], [sflag:$0x2] =	stream.linear.gather [hbm4b:s29+s2], $0x200, $0x38;
	[tilespmem:$0x10400] =	vst v63  }
.LBB2_14:
0x115: {  	_ =	sdelay $0x2  }
0x116: {  	v2 =	vshll.u32 v2, $0x5  }
0x117: {  	v3 =	vld.idx.msk [tilespmem:v1+s25+$0x0], $0xffff;
	v4 =	vlaneseq.u32;
	v1 =	vor.u32 v44, v2;
	v2 =	vor.u32 s3, v20  }
0x118: {  	v4 =	vor.u32 v4, v1;
	_ =	sdelay $0x1  }
0x119: {  	s15 =	sadd.s32 $0x80, s9  }
0x11a: {  	s8 =	sand.u32 $0x70, s8;
	s3 =	sand.u32 $0xC00, s15  }
0x11b: {  	s3 =	sor.u32 s8, s3;
	[tilespmem:v2+s26+$0x0] =	vst.idx.msk $0xffff, v3  }
0x11c: {  	v3 =	vor.u32 s3, v9;
	v2 =	vld.idx.msk [tilespmem:v4+s25+$0x0], $0xffff  }
0x11d: {  	v4 =	vor.u32 v43, v1;
	_ =	sdelay $0x3  }
0x11e: {  	[tilespmem:v3+s26+$0x0] =	vst.idx.msk $0xffff, v2  }
0x11f: {  	v3 =	vor.u32 s3, v37;
	v2 =	vld.idx.msk [tilespmem:v4+s25+$0x0], $0xffff  }
0x120: {  	v4 =	vor.u32 v10, v1;
	_ =	sdelay $0x3  }
0x121: {  	[tilespmem:v3+s26+$0x0] =	vst.idx.msk $0xffff, v2  }
0x122: {  	v3 =	vor.u32 s3, v12;
	v2 =	vld.idx.msk [tilespmem:v4+s25+$0x0], $0xffff  }
0x123: {  	v4 =	vor.u32 v45, v1;
	_ =	sdelay $0x3  }
0x124: {  	[tilespmem:v3+s26+$0x0] =	vst.idx.msk $0xffff, v2  }
0x125: {  	v3 =	vor.u32 s3, v13;
	v2 =	vld.idx.msk [tilespmem:v4+s25+$0x0], $0xffff  }
0x126: {  	v4 =	vor.u32 v15, v1;
	_ =	sdelay $0x3  }
0x127: {  	[tilespmem:v3+s26+$0x0] =	vst.idx.msk $0xffff, v2  }
0x128: {  	v3 =	vor.u32 s3, v8;
	v2 =	vld.idx.msk [tilespmem:v4+s25+$0x0], $0xffff  }
0x129: {  	v4 =	vor.u32 v46, v1;
	_ =	sdelay $0x3  }
0x12a: {  	[tilespmem:v3+s26+$0x0] =	vst.idx.msk $0xffff, v2  }
0x12b: {  	v3 =	vor.u32 s3, v5;
	v2 =	vld.idx.msk [tilespmem:v4+s25+$0x0], $0xffff  }
0x12c: {  	v4 =	vor.u32 v48, v1;
	_ =	sdelay $0x3  }
0x12d: {  	[tilespmem:v3+s26+$0x0] =	vst.idx.msk $0xffff, v2  }
0x12e: {  	v3 =	vor.u32 s3, v6;
	v2 =	vld.idx.msk [tilespmem:v4+s25+$0x0], $0xffff  }
0x12f: {  	v4 =	vor.u32 v47, v1;
	_ =	sdelay $0x3  }
0x130: {  	[tilespmem:v3+s26+$0x0] =	vst.idx.msk $0xffff, v2  }
0x131: {  	v3 =	vor.u32 s3, v14;
	v2 =	vld.idx.msk [tilespmem:v4+s25+$0x0], $0xffff  }
0x132: {  	v4 =	vor.u32 v7, v1;
	_ =	sdelay $0x3  }
0x133: {  	[tilespmem:v3+s26+$0x0] =	vst.idx.msk $0xffff, v2  }
0x134: {  	v3 =	vor.u32 s3, v23;
	v2 =	vld.idx.msk [tilespmem:v4+s25+$0x0], $0xffff  }
0x135: {  	v4 =	vor.u32 v49, v1;
	_ =	sdelay $0x3  }
0x136: {  	[tilespmem:v3+s26+$0x0] =	vst.idx.msk $0xffff, v2  }
0x137: {  	v3 =	vor.u32 s3, v16;
	v2 =	vld.idx.msk [tilespmem:v4+s25+$0x0], $0xffff  }
0x138: {  	v4 =	vor.u32 v50, v1;
	_ =	sdelay $0x3  }
0x139: {  	[tilespmem:v3+s26+$0x0] =	vst.idx.msk $0xffff, v2  }
0x13a: {  	v3 =	vor.u32 s3, v17;
	v2 =	vld.idx.msk [tilespmem:v4+s25+$0x0], $0xffff  }
0x13b: {  	v4 =	vor.u32 v54, v1;
	_ =	sdelay $0x3  }
0x13c: {  	[tilespmem:v3+s26+$0x0] =	vst.idx.msk $0xffff, v2  }
0x13d: {  	v3 =	vor.u32 s3, v18;
	v2 =	vld.idx.msk [tilespmem:v4+s25+$0x0], $0xffff  }
0x13e: {  	v4 =	vor.u32 v57, v1;
	_ =	sdelay $0x3  }
0x13f: {  	[tilespmem:v3+s26+$0x0] =	vst.idx.msk $0xffff, v2  }
0x140: {  	v3 =	vor.u32 s3, v19;
	v2 =	vld.idx.msk [tilespmem:v4+s25+$0x0], $0xffff  }
0x141: {  	v4 =	vor.u32 v60, v1;
	_ =	sdelay $0x3  }
0x142: {  	[tilespmem:v3+s26+$0x0] =	vst.idx.msk $0xffff, v2  }
0x143: {  	v3 =	vor.u32 s3, v21;
	v2 =	vld.idx.msk [tilespmem:v4+s25+$0x0], $0xffff  }
0x144: {  	v4 =	vor.u32 v63, v1;
	_ =	sdelay $0x3  }
0x145: {  	[tilespmem:v3+s26+$0x0] =	vst.idx.msk $0xffff, v2  }
0x146: {  	v3 =	vor.u32 s3, v22;
	v2 =	vld.idx.msk [tilespmem:v4+s25+$0x0], $0xffff  }
0x147: {  	v4 =	vor.u32 v42, v1;
	_ =	sdelay $0x3  }
0x148: {  	[tilespmem:v3+s26+$0x0] =	vst.idx.msk $0xffff, v2  }
0x149: {  	v3 =	vor.u32 s3, v39;
	v2 =	vld.idx.msk [tilespmem:v4+s25+$0x0], $0xffff  }
0x14a: {  	v4 =	vor.u32 v41, v1;
	_ =	sdelay $0x3  }
0x14b: {  	[tilespmem:v3+s26+$0x0] =	vst.idx.msk $0xffff, v2  }
0x14c: {  	v3 =	vor.u32 s3, v24;
	v2 =	vld.idx.msk [tilespmem:v4+s25+$0x0], $0xffff  }
0x14d: {  	v4 =	vor.u32 v58, v1;
	_ =	sdelay $0x3  }
0x14e: {  	[tilespmem:v3+s26+$0x0] =	vst.idx.msk $0xffff, v2  }
0x14f: {  	v3 =	vor.u32 s3, v25;
	v2 =	vld.idx.msk [tilespmem:v4+s25+$0x0], $0xffff  }
0x150: {  	v4 =	vor.u32 v61, v1;
	_ =	sdelay $0x3  }
0x151: {  	[tilespmem:v3+s26+$0x0] =	vst.idx.msk $0xffff, v2  }
0x152: {  	v3 =	vor.u32 s3, v26;
	v2 =	vld.idx.msk [tilespmem:v4+s25+$0x0], $0xffff  }
0x153: {  	v4 =	vor.u32 v0, v1;
	_ =	sdelay $0x3  }
0x154: {  	[tilespmem:v3+s26+$0x0] =	vst.idx.msk $0xffff, v2  }
0x155: {  	v3 =	vor.u32 s3, v27;
	v2 =	vld.idx.msk [tilespmem:v4+s25+$0x0], $0xffff  }
0x156: {  	v4 =	vor.u32 v51, v1;
	_ =	sdelay $0x3  }
0x157: {  	[tilespmem:v3+s26+$0x0] =	vst.idx.msk $0xffff, v2  }
0x158: {  	v3 =	vor.u32 s3, v28;
	v2 =	vld.idx.msk [tilespmem:v4+s25+$0x0], $0xffff  }
0x159: {  	v4 =	vor.u32 v52, v1;
	_ =	sdelay $0x3  }
0x15a: {  	[tilespmem:v3+s26+$0x0] =	vst.idx.msk $0xffff, v2  }
0x15b: {  	v3 =	vor.u32 s3, v29;
	v2 =	vld.idx.msk [tilespmem:v4+s25+$0x0], $0xffff  }
0x15c: {  	v4 =	vor.u32 v53, v1;
	_ =	sdelay $0x3  }
0x15d: {  	[tilespmem:v3+s26+$0x0] =	vst.idx.msk $0xffff, v2  }
0x15e: {  	v3 =	vor.u32 s3, v30;
	v2 =	vld.idx.msk [tilespmem:v4+s25+$0x0], $0xffff  }
0x15f: {  	v4 =	vor.u32 v55, v1;
	_ =	sdelay $0x3  }
0x160: {  	[tilespmem:v3+s26+$0x0] =	vst.idx.msk $0xffff, v2  }
0x161: {  	v3 =	vor.u32 s3, v31;
	v2 =	vld.idx.msk [tilespmem:v4+s25+$0x0], $0xffff  }
0x162: {  	v4 =	vor.u32 v56, v1;
	_ =	sdelay $0x3  }
0x163: {  	[tilespmem:v3+s26+$0x0] =	vst.idx.msk $0xffff, v2  }
0x164: {  	v3 =	vor.u32 s3, v32;
	v2 =	vld.idx.msk [tilespmem:v4+s25+$0x0], $0xffff  }
0x165: {  	v4 =	vor.u32 v59, v1;
	_ =	sdelay $0x3  }
0x166: {  	[tilespmem:v3+s26+$0x0] =	vst.idx.msk $0xffff, v2  }
0x167: {  	v3 =	vor.u32 s3, v33;
	v2 =	vld.idx.msk [tilespmem:v4+s25+$0x0], $0xffff  }
0x168: {  	v4 =	vor.u32 v62, v1;
	_ =	sdelay $0x3  }
0x169: {  	[tilespmem:v3+s26+$0x0] =	vst.idx.msk $0xffff, v2  }
0x16a: {  	v3 =	vor.u32 s3, v34;
	v2 =	vld.idx.msk [tilespmem:v4+s25+$0x0], $0xffff  }
0x16b: {  	v4 =	vor.u32 v40, v1;
	_ =	sdelay $0x3  }
0x16c: {  	[tilespmem:v3+s26+$0x0] =	vst.idx.msk $0xffff, v2  }
0x16d: {  	v3 =	vor.u32 s3, v35;
	v2 =	vld.idx.msk [tilespmem:v4+s25+$0x0], $0xffff  }
0x16e: {  	v4 =	vor.u32 v11, v1;
	_ =	sdelay $0x3  }
0x16f: {  	[tilespmem:v3+s26+$0x0] =	vst.idx.msk $0xffff, v2  }
0x170: {  	v3 =	vor.u32 s3, v38;
	v2 =	vld.idx.msk [tilespmem:v4+s25+$0x0], $0xffff  }
0x171: {  	v4 =	vor.u32 v36, v1;
	_ =	sdelay $0x3  }
0x172: {  	v42 =	vmov v40;
	v40 =	vld [tilespmem:$0x1FE40];
	[tilespmem:v3+s26+$0x0] =	vst.idx.msk $0xffff, v2  }
0x173: {  	v2 =	vld.idx.msk [tilespmem:v4+s25+$0x0], $0xffff  }
0x174: {  	v4 =	vld [tilespmem:$0x1FB60];
	_ =	sdelay $0x3  }
0x175: {  	v3 =	vor.u32 s3, v40  }
0x176: {  	v4 =	vor.u32 v4, v1;
	_ =	sdelay $0x2  }
0x177: {  	v45 =	vmov v46;
	v46 =	vmov v48  }
0x178: {  	v48 =	vmovc v7;
	v7 =	vmovc v41;
	v41 =	vmov v62;
	v62 =	vmov v35;
	v35 =	vmov v38;
	v38 =	vld [tilespmem:$0x1FE50];
	[tilespmem:v3+s26+$0x0] =	vst.idx.msk $0xffff, v2  }
0x179: {  	v2 =	vld.idx.msk [tilespmem:v4+s25+$0x0], $0xffff  }
0x17a: {  	v4 =	vld [tilespmem:$0x1FB70];
	_ =	sdelay $0x3  }
0x17b: {  	v3 =	vor.u32 s3, v38  }
0x17c: {  	v1 =	vor.u32 v4, v1;
	_ =	sdelay $0x3  }
0x17d: {  	[tilespmem:v3+s26+$0x0] =	vst.idx.msk $0xffff, v2  }
0x17e: {  	v2 =	vor.u32 s3, v20;
	v1 =	vld.idx.msk [tilespmem:v1+s25+$0x0], $0xffff;
	_ =	sdelay $0x2  }
0x17f: {  	s28 =	sshll.u32 s7, $0x11  }
0x180: {  	s3 =	sor.u32 s6, s28  }
0x181: {  	s29 =	sadd.s32 s1, s3;
	[tilespmem:v2+s26+$0x0] =	vst.idx.msk $0xffff, v1  }
0x182: {  	v43 =	vmovc v13;
	v13 =	vmovc v14;
	v14 =	vmov v16;
	v16 =	vmov v18;
	v18 =	vmov v19;
	[hbm4b:s29+s2] =	stream.linear.scatter [tilespmem:s26], [sflag:$0x5], $0x1000, $0x38;
	[tilespmem:$0x10400] =	vst v63  }
0x183: {  	s15 =	simm.s32 $0x9400;
	s9 =	sadd.s32 s3, s12  }
0x184: {  	v9 =	vmovc v5;
	v37 =	vmov v22;
	v12 =	vmov v6;
	v6 =	vld [tilespmem:$0x1FE70];
	v22 =	vmov v39;
	[hbm4b:s9+s2] =	stream.linear.scatter [tilespmem:s15], [sflag:$0x5], $0x1000, $0x38  }
0x185: {  	v5 =	vmovc v32;
	v19 =	vmovc v21;
	v21 =	vmov v16;
	v16 =	vmov v18;
	v18 =	vmov v23;
	v32 =	vld [tilespmem:$0x1FE80];
	s28 =	sadd.s32 s3, s13;
	s29 =	simm.s32 $0xA400  }
0x186: {  	v23 =	vmovc v22;
	v39 =	vmovc v24;
	v24 =	vmov v0;
	v11 =	vmov v14;
	v3 =	vmov v44;
	v44 =	vld [tilespmem:$0x1FFE0];
	[hbm4b:s28+s2] =	stream.linear.scatter [tilespmem:s29], [sflag:$0x5], $0x1000, $0x38  }
0x187: {  	v22 =	vmovc v39;
	v0 =	vmovc v24;
	v14 =	vmov v37;
	v15 =	vmov v11;
	v36 =	vmov v35;
	v4 =	vld [tilespmem:$0x1FFF0];
	s3 =	sadd.s32 s3, s14  }
0x188: {  	v40 =	vmovc v54;
	v1 =	vld [tilespmem:$0x1FC90];
	v2 =	vmovc v43;
	v43 =	vmov v17;
	v17 =	vmov v62;
	v62 =	vmov v41;
	[hbm4b:s3+s2] =	stream.linear.scatter [tilespmem:s30], [sflag:$0x5], $0x1000, $0x38  }
.LBB2_15:
0x189: {  	s7 =	sadd.s32 $0x1, s7  }
0x18a: {  	p0 =	sne.s32 s7, $0x65  }
.Ltmp3:
0x18b: {  	_ = 	snop;
	(pc) =	sbr.rel @!p0 .LBB2_16-.Ltmp3, $1  }
0x18c: {  	_ =	sdelay $0x3  }
.LBB2_2:
0x18d: {  	p0 =	sne.s32 s7, $0x64  }
.Ltmp4:
0x18e: {  	_ = 	snop;
	(pc) =	sbr.rel @p0 .LBB2_4-.Ltmp4, $2  }
0x18f: {  	_ =	sdelay $0x2  }
0x190: {  	s9 =	sshll.u32 s7, $0x1  }
0x191: {  	_ =	swait.ge [sflag:s17], $0x4000  }
0x192: {  	[sflag:s17] =	ssyncset.done $0x0  }
0x193: {  	[sflag:s17] =	ssyncadd.s32 $0xFFFFC000  }
.LBB2_6:
0x194: {  	_ =	swait.ge [sflag:s18], $0x1000  }
0x195: {  	[sflag:s18] =	ssyncset.done $0x0  }
0x196: {  	[sflag:s18] =	ssyncadd.s32 $0xFFFFF000  }
0x197: {  	_ =	swait.ge [sflag:s18], $0x1000  }
0x198: {  	[sflag:s18] =	ssyncset.done $0x0  }
0x199: {  	[sflag:s18] =	ssyncadd.s32 $0xFFFFF000  }
0x19a: {  	_ =	swait.ge [sflag:s18], $0x1000  }
0x19b: {  	[sflag:s18] =	ssyncset.done $0x0  }
0x19c: {  	[sflag:s18] =	ssyncadd.s32 $0xFFFFF000  }
0x19d: {  	_ =	swait.ge [sflag:s18], $0x1000  }
0x19e: {  	[sflag:s18] =	ssyncset.done $0x0  }
0x19f: {  	[sflag:s18] =	ssyncadd.s32 $0xFFFFF000  }
.LBB2_7:
0x1a0: {  	s15 =	simm.s32 $0x0  }
0x1a1: {  	v1 =	vmov s15  }
0x1a2: {  	v1 =	vshll.u32 v1, $0x5  }
0x1a3: {  	v2 =	vlaneseq.u32;
	v1 =	vor.u32 v3, v1  }
0x1a4: {  	v8 =	vld [tilespmem:$0x1FB80];
	v2 =	vor.u32 v2, v1;
	_ =	sdelay $0x2  }
0x1a5: {  	s3 =	sand.u32 $0xC00, s15;
	s8 =	sand.u32 $0x70, s15  }
0x1a6: {  	s3 =	sor.u32 s8, s3  }
0x1a7: {  	v0 =	vmov v3;
	v3 =	vld.idx.msk [tilespmem:v2+s19+$0x0], $0xffff;
	v2 =	vor.u32 s3, v8;
	_ =	sdelay $0x4  }
0x1a8: {  	v5 =	vor.u32 v44, v1;
	[tilespmem:v2+s20+$0x0] =	vst.idx.msk $0xffff, v3;
	v2 =	vld [tilespmem:$0x1FB90];
	_ =	sdelay $0x4  }
0x1a9: {  	v3 =	vld.idx.msk [tilespmem:v5+s19+$0x0], $0xffff;
	v5 =	vmov v2;
	v2 =	vor.u32 s3, v2;
	_ =	sdelay $0x4  }
0x1aa: {  	v6 =	vor.u32 v4, v1;
	[tilespmem:v2+s20+$0x0] =	vst.idx.msk $0xffff, v3;
	v2 =	vld [tilespmem:$0x1FC90];
	_ =	sdelay $0x3  }
0x1ab: {  	v3 =	vld [tilespmem:$0x1FE70]  }
0x1ac: {  	v9 =	vld.idx.msk [tilespmem:v6+s19+$0x0], $0xffff;
	v12 =	vmov v2;
	v2 =	vor.u32 s3, v2;
	_ =	sdelay $0x4  }
0x1ad: {  	v6 =	vmov v0;
	v0 =	vor.u32 v3, v1;
	[tilespmem:v2+s20+$0x0] =	vst.idx.msk $0xffff, v9;
	v2 =	vld [tilespmem:$0x1FCA0]  }
0x1ae: {  	v10 =	vmov v3;
	v3 =	vld [tilespmem:$0x1FE80];
	_ =	sdelay $0x3  }
0x1af: {  	v0 =	vld.idx.msk [tilespmem:v0+s19+$0x0], $0xffff;
	v14 =	vmov v2;
	v2 =	vor.u32 s3, v2  }
0x1b0: {  	v45 =	vmov v3;
	v3 =	vor.u32 v3, v1;
	_ =	sdelay $0x3  }
0x1b1: {  	[tilespmem:v2+s20+$0x0] =	vst.idx.msk $0xffff, v0;
	v2 =	vld [tilespmem:$0x1FCB0]  }
0x1b2: {  	v0 =	vld.idx.msk [tilespmem:v3+s19+$0x0], $0xffff  }
0x1b3: {  	v3 =	vld [tilespmem:$0x1FE90];
	_ =	sdelay $0x3  }
0x1b4: {  	v15 =	vmov v2;
	v2 =	vor.u32 s3, v2  }
0x1b5: {  	v46 =	vmov v3;
	v3 =	vor.u32 v3, v1;
	_ =	sdelay $0x3  }
0x1b6: {  	[tilespmem:v2+s20+$0x0] =	vst.idx.msk $0xffff, v0;
	v2 =	vld [tilespmem:$0x1FCC0]  }
0x1b7: {  	v0 =	vld.idx.msk [tilespmem:v3+s19+$0x0], $0xffff  }
0x1b8: {  	v3 =	vld [tilespmem:$0x1FEA0];
	_ =	sdelay $0x3  }
0x1b9: {  	v16 =	vmov v2;
	v2 =	vor.u32 s3, v2  }
0x1ba: {  	v13 =	vmov v3;
	v3 =	vor.u32 v3, v1;
	_ =	sdelay $0x3  }
0x1bb: {  	[tilespmem:v2+s20+$0x0] =	vst.idx.msk $0xffff, v0;
	v2 =	vld [tilespmem:$0x1FCD0]  }
0x1bc: {  	v0 =	vld.idx.msk [tilespmem:v3+s19+$0x0], $0xffff  }
0x1bd: {  	v3 =	vld [tilespmem:$0x1FEB0];
	_ =	sdelay $0x3  }
0x1be: {  	v50 =	vmov v2;
	v2 =	vor.u32 s3, v2  }
0x1bf: {  	v47 =	vmov v3;
	v3 =	vor.u32 v3, v1;
	_ =	sdelay $0x3  }
0x1c0: {  	[tilespmem:v2+s20+$0x0] =	vst.idx.msk $0xffff, v0;
	v2 =	vld [tilespmem:$0x1FCE0]  }
0x1c1: {  	v0 =	vld.idx.msk [tilespmem:v3+s19+$0x0], $0xffff  }
0x1c2: {  	v3 =	vld [tilespmem:$0x1FEC0];
	_ =	sdelay $0x3  }
0x1c3: {  	v17 =	vmov v2;
	v2 =	vor.u32 s3, v2  }
0x1c4: {  	v48 =	vmov v3;
	v3 =	vor.u32 v3, v1;
	_ =	sdelay $0x3  }
0x1c5: {  	[tilespmem:v2+s20+$0x0] =	vst.idx.msk $0xffff, v0;
	v2 =	vld [tilespmem:$0x1FCF0]  }
0x1c6: {  	v0 =	vld.idx.msk [tilespmem:v3+s19+$0x0], $0xffff  }
0x1c7: {  	v3 =	vld [tilespmem:$0x1FED0];
	_ =	sdelay $0x3  }
0x1c8: {  	v54 =	vmov v2;
	v2 =	vor.u32 s3, v2  }
0x1c9: {  	v49 =	vmov v3;
	v3 =	vor.u32 v3, v1;
	_ =	sdelay $0x3  }
0x1ca: {  	[tilespmem:v2+s20+$0x0] =	vst.idx.msk $0xffff, v0;
	v2 =	vld [tilespmem:$0x1FD00]  }
0x1cb: {  	v0 =	vld.idx.msk [tilespmem:v3+s19+$0x0], $0xffff  }
0x1cc: {  	v3 =	vld [tilespmem:$0x1FEE0];
	_ =	sdelay $0x3  }
0x1cd: {  	v21 =	vmov v2;
	v2 =	vor.u32 s3, v2  }
0x1ce: {  	v18 =	vmov v3;
	v3 =	vor.u32 v3, v1;
	_ =	sdelay $0x3  }
0x1cf: {  	[tilespmem:v2+s20+$0x0] =	vst.idx.msk $0xffff, v0;
	v2 =	vld [tilespmem:$0x1FD10]  }
0x1d0: {  	v0 =	vld.idx.msk [tilespmem:v3+s19+$0x0], $0xffff  }
0x1d1: {  	v3 =	vld [tilespmem:$0x1FF20];
	_ =	sdelay $0x2  }
0x1d2: {  	v57 =	vmov v2;
	v2 =	vor.u32 s3, v2;
	_ =	sdelay $0x1  }
0x1d3: {  	v20 =	vmov v3;
	v3 =	vor.u32 v3, v1;
	_ =	sdelay $0x2  }
0x1d4: {  	[tilespmem:v2+s20+$0x0] =	vst.idx.msk $0xffff, v0;
	v2 =	vld [tilespmem:$0x1FD20];
	_ =	sdelay $0x1  }
0x1d5: {  	v0 =	vld.idx.msk [tilespmem:v3+s19+$0x0], $0xffff  }
0x1d6: {  	v3 =	vld [tilespmem:$0x1FF50];
	_ =	sdelay $0x1  }
0x1d7: {  	v19 =	vmov v2;
	v2 =	vor.u32 s3, v2;
	_ =	sdelay $0x2  }
0x1d8: {  	v22 =	vmov v3;
	v3 =	vor.u32 v3, v1;
	_ =	sdelay $0x1  }
0x1d9: {  	[tilespmem:v2+s20+$0x0] =	vst.idx.msk $0xffff, v0;
	v2 =	vld [tilespmem:$0x1FD30];
	_ =	sdelay $0x2  }
0x1da: {  	v0 =	vld.idx.msk [tilespmem:v3+s19+$0x0], $0xffff  }
0x1db: {  	v3 =	vld [tilespmem:$0x1FF80]  }
0x1dc: {  	v24 =	vmov v2;
	v2 =	vor.u32 s3, v2;
	_ =	sdelay $0x3  }
0x1dd: {  	v60 =	vmov v3;
	v3 =	vor.u32 v3, v1  }
0x1de: {  	[tilespmem:v2+s20+$0x0] =	vst.idx.msk $0xffff, v0;
	v2 =	vld [tilespmem:$0x1FD40];
	_ =	sdelay $0x3  }
0x1df: {  	v0 =	vld.idx.msk [tilespmem:v3+s19+$0x0], $0xffff  }
0x1e0: {  	v3 =	vld [tilespmem:$0x1FFB0];
	v23 =	vmov v2;
	v2 =	vor.u32 s3, v2;
	_ =	sdelay $0x4  }
0x1e1: {  	v63 =	vmov v3;
	v3 =	vor.u32 v3, v1;
	[tilespmem:v2+s20+$0x0] =	vst.idx.msk $0xffff, v0;
	v2 =	vld [tilespmem:$0x1FD50];
	_ =	sdelay $0x3  }
0x1e2: {  	v36 =	vld [tilespmem:$0x1FC80]  }
0x1e3: {  	v0 =	vld.idx.msk [tilespmem:v3+s19+$0x0], $0xffff;
	v51 =	vmov v2;
	v2 =	vor.u32 s3, v2;
	_ =	sdelay $0x4  }
0x1e4: {  	v3 =	vor.u32 v36, v1;
	[tilespmem:v2+s20+$0x0] =	vst.idx.msk $0xffff, v0;
	v2 =	vld [tilespmem:$0x1FD60];
	_ =	sdelay $0x4  }
0x1e5: {  	v0 =	vld.idx.msk [tilespmem:v3+s19+$0x0], $0xffff;
	v25 =	vmov v2;
	v2 =	vor.u32 s3, v2  }
0x1e6: {  	v3 =	vor.u32 v7, v1;
	_ =	sdelay $0x3  }
0x1e7: {  	[tilespmem:v2+s20+$0x0] =	vst.idx.msk $0xffff, v0;
	v2 =	vld [tilespmem:$0x1FD70]  }
0x1e8: {  	v0 =	vld.idx.msk [tilespmem:v3+s19+$0x0], $0xffff  }
0x1e9: {  	v3 =	vld [tilespmem:$0x1FF60];
	_ =	sdelay $0x3  }
0x1ea: {  	v41 =	vmov v44;
	v44 =	vmov v2;
	v2 =	vor.u32 s3, v2  }
0x1eb: {  	v58 =	vmov v3;
	v3 =	vor.u32 v3, v1;
	_ =	sdelay $0x3  }
0x1ec: {  	[tilespmem:v2+s20+$0x0] =	vst.idx.msk $0xffff, v0;
	v2 =	vld [tilespmem:$0x1FD80]  }
0x1ed: {  	v0 =	vld.idx.msk [tilespmem:v3+s19+$0x0], $0xffff  }
0x1ee: {  	v3 =	vld [tilespmem:$0x1FF90];
	_ =	sdelay $0x3  }
0x1ef: {  	v27 =	vmov v2;
	v2 =	vor.u32 s3, v2  }
0x1f0: {  	v61 =	vmov v3;
	v3 =	vor.u32 v3, v1;
	_ =	sdelay $0x3  }
0x1f1: {  	[tilespmem:v2+s20+$0x0] =	vst.idx.msk $0xffff, v0;
	v2 =	vld [tilespmem:$0x1FD90]  }
0x1f2: {  	v0 =	vld.idx.msk [tilespmem:v3+s19+$0x0], $0xffff  }
0x1f3: {  	v3 =	vld [tilespmem:$0x1FFC0];
	_ =	sdelay $0x3  }
0x1f4: {  	v28 =	vmov v2;
	v2 =	vor.u32 s3, v2  }
0x1f5: {  	v11 =	vmov v3;
	v3 =	vor.u32 v3, v1;
	_ =	sdelay $0x3  }
0x1f6: {  	[tilespmem:v2+s20+$0x0] =	vst.idx.msk $0xffff, v0;
	v2 =	vld [tilespmem:$0x1FDA0]  }
0x1f7: {  	v0 =	vld.idx.msk [tilespmem:v3+s19+$0x0], $0xffff  }
0x1f8: {  	v3 =	vld [tilespmem:$0x1FEF0];
	_ =	sdelay $0x3  }
0x1f9: {  	v29 =	vmov v2;
	v2 =	vor.u32 s3, v2  }
0x1fa: {  	v26 =	vmov v3;
	v3 =	vor.u32 v3, v1;
	_ =	sdelay $0x3  }
0x1fb: {  	[tilespmem:v2+s20+$0x0] =	vst.idx.msk $0xffff, v0;
	v2 =	vld [tilespmem:$0x1FDB0]  }
0x1fc: {  	v0 =	vld.idx.msk [tilespmem:v3+s19+$0x0], $0xffff  }
0x1fd: {  	v3 =	vld [tilespmem:$0x1FF00];
	_ =	sdelay $0x3  }
0x1fe: {  	v30 =	vmov v2;
	v2 =	vor.u32 s3, v2  }
0x1ff: {  	v52 =	vmov v3;
	v3 =	vor.u32 v3, v1;
	_ =	sdelay $0x3  }
0x200: {  	[tilespmem:v2+s20+$0x0] =	vst.idx.msk $0xffff, v0;
	v2 =	vld [tilespmem:$0x1FDC0]  }
0x201: {  	v0 =	vld.idx.msk [tilespmem:v3+s19+$0x0], $0xffff  }
0x202: {  	v3 =	vld [tilespmem:$0x1FF10];
	_ =	sdelay $0x3  }
0x203: {  	v31 =	vmov v2;
	v2 =	vor.u32 s3, v2  }
0x204: {  	v53 =	vmov v3;
	v3 =	vor.u32 v3, v1;
	_ =	sdelay $0x3  }
0x205: {  	[tilespmem:v2+s20+$0x0] =	vst.idx.msk $0xffff, v0;
	v2 =	vld [tilespmem:$0x1FDD0]  }
0x206: {  	v0 =	vld.idx.msk [tilespmem:v3+s19+$0x0], $0xffff  }
0x207: {  	v3 =	vld [tilespmem:$0x1FF30];
	_ =	sdelay $0x2  }
0x208: {  	v32 =	vmov v2;
	v2 =	vor.u32 s3, v2;
	_ =	sdelay $0x1  }
0x209: {  	v55 =	vmov v3;
	v3 =	vor.u32 v3, v1;
	_ =	sdelay $0x2  }
0x20a: {  	[tilespmem:v2+s20+$0x0] =	vst.idx.msk $0xffff, v0;
	v2 =	vld [tilespmem:$0x1FDE0];
	_ =	sdelay $0x1  }
0x20b: {  	v0 =	vld.idx.msk [tilespmem:v3+s19+$0x0], $0xffff  }
0x20c: {  	v3 =	vld [tilespmem:$0x1FF40];
	_ =	sdelay $0x1  }
0x20d: {  	v33 =	vmov v2;
	v2 =	vor.u32 s3, v2;
	_ =	sdelay $0x2  }
0x20e: {  	v56 =	vmov v3;
	v3 =	vor.u32 v3, v1;
	_ =	sdelay $0x1  }
0x20f: {  	[tilespmem:v2+s20+$0x0] =	vst.idx.msk $0xffff, v0;
	v2 =	vld [tilespmem:$0x1FDF0];
	_ =	sdelay $0x2  }
0x210: {  	v0 =	vld.idx.msk [tilespmem:v3+s19+$0x0], $0xffff  }
0x211: {  	v3 =	vld [tilespmem:$0x1FF70]  }
0x212: {  	v34 =	vmov v2;
	v2 =	vor.u32 s3, v2;
	_ =	sdelay $0x3  }
0x213: {  	v59 =	vmov v3;
	v3 =	vor.u32 v3, v1  }
0x214: {  	[tilespmem:v2+s20+$0x0] =	vst.idx.msk $0xffff, v0;
	v2 =	vld [tilespmem:$0x1FE00];
	_ =	sdelay $0x3  }
0x215: {  	v0 =	vld.idx.msk [tilespmem:v3+s19+$0x0], $0xffff  }
0x216: {  	v3 =	vld [tilespmem:$0x1FFA0];
	v35 =	vmov v2;
	v2 =	vor.u32 s3, v2;
	_ =	sdelay $0x4  }
0x217: {  	v62 =	vmov v3;
	v3 =	vor.u32 v3, v1;
	[tilespmem:v2+s20+$0x0] =	vst.idx.msk $0xffff, v0;
	v2 =	vld [tilespmem:$0x1FE10];
	_ =	sdelay $0x4  }
0x218: {  	v0 =	vld.idx.msk [tilespmem:v3+s19+$0x0], $0xffff;
	v38 =	vmov v2;
	v2 =	vor.u32 s3, v2;
	_ =	sdelay $0x4  }
0x219: {  	v3 =	vor.u32 v42, v1;
	[tilespmem:v2+s20+$0x0] =	vst.idx.msk $0xffff, v0;
	v2 =	vld [tilespmem:$0x1FE20];
	_ =	sdelay $0x3  }
0x21a: {  	v9 =	vld [tilespmem:$0x1FB40]  }
0x21b: {  	v3 =	vld.idx.msk [tilespmem:v3+s19+$0x0], $0xffff;
	v37 =	vmov v2;
	v2 =	vor.u32 s3, v2;
	_ =	sdelay $0x4  }
0x21c: {  	v43 =	vmov v4;
	v4 =	vor.u32 v9, v1;
	[tilespmem:v2+s20+$0x0] =	vst.idx.msk $0xffff, v3;
	v2 =	vld [tilespmem:$0x1FE30];
	_ =	sdelay $0x3  }
0x21d: {  	v40 =	vld [tilespmem:$0x1FB50]  }
0x21e: {  	v3 =	vld.idx.msk [tilespmem:v4+s19+$0x0], $0xffff;
	v2 =	vor.u32 s3, v2;
	_ =	sdelay $0x4  }
0x21f: {  	v4 =	vor.u32 v40, v1;
	[tilespmem:v2+s20+$0x0] =	vst.idx.msk $0xffff, v3;
	v2 =	vld [tilespmem:$0x1FE40];
	_ =	sdelay $0x3  }
0x220: {  	v39 =	vld [tilespmem:$0x1FB60]  }
0x221: {  	v3 =	vld.idx.msk [tilespmem:v4+s19+$0x0], $0xffff;
	v2 =	vor.u32 s3, v2;
	_ =	sdelay $0x4  }
0x222: {  	v4 =	vor.u32 v39, v1;
	[tilespmem:v2+s20+$0x0] =	vst.idx.msk $0xffff, v3;
	v2 =	vld [tilespmem:$0x1FE50];
	_ =	sdelay $0x4  }
0x223: {  	v3 =	vld.idx.msk [tilespmem:v4+s19+$0x0], $0xffff;
	v2 =	vor.u32 s3, v2;
	_ =	sdelay $0x4  }
0x224: {  	[tilespmem:v2+s20+$0x0] =	vst.idx.msk $0xffff, v3;
	v3 =	vld [tilespmem:$0x1FB70];
	_ =	sdelay $0x3  }
0x225: {  	s8 =	simm.s32 $0x10  }
0x226: {  	s28 =	simm.s32 $0x20;
	v0 =	vld [tilespmem:$0x1FE60];
	v2 =	vmov s8;
	v1 =	vor.u32 v3, v1  }
.LBB2_8:
0x227: {  	_ =	sdelay $0x2  }
0x228: {  	v2 =	vshll.u32 v2, $0x5  }
0x229: {  	v3 =	vld.idx.msk [tilespmem:v1+s19+$0x0], $0xffff;
	v4 =	vlaneseq.u32;
	v1 =	vor.u32 v6, v2;
	v2 =	vor.u32 s3, v0  }
0x22a: {  	v4 =	vor.u32 v4, v1;
	_ =	sdelay $0x1  }
0x22b: {  	s15 =	sadd.s32 $0x80, s15  }
0x22c: {  	s29 =	sand.u32 $0x70, s8;
	s3 =	sand.u32 $0xC00, s15  }
0x22d: {  	s3 =	sor.u32 s29, s3;
	[tilespmem:v2+s20+$0x0] =	vst.idx.msk $0xffff, v3  }
0x22e: {  	v3 =	vor.u32 s3, v8;
	v2 =	vld.idx.msk [tilespmem:v4+s19+$0x0], $0xffff  }
0x22f: {  	v4 =	vor.u32 v41, v1;
	_ =	sdelay $0x3  }
0x230: {  	[tilespmem:v3+s20+$0x0] =	vst.idx.msk $0xffff, v2  }
0x231: {  	v3 =	vor.u32 s3, v5;
	v2 =	vld.idx.msk [tilespmem:v4+s19+$0x0], $0xffff  }
0x232: {  	v4 =	vor.u32 v43, v1;
	_ =	sdelay $0x3  }
0x233: {  	[tilespmem:v3+s20+$0x0] =	vst.idx.msk $0xffff, v2  }
0x234: {  	v3 =	vor.u32 s3, v12;
	v2 =	vld.idx.msk [tilespmem:v4+s19+$0x0], $0xffff  }
0x235: {  	v4 =	vor.u32 v10, v1;
	_ =	sdelay $0x3  }
0x236: {  	[tilespmem:v3+s20+$0x0] =	vst.idx.msk $0xffff, v2  }
0x237: {  	v3 =	vor.u32 s3, v14;
	v2 =	vld.idx.msk [tilespmem:v4+s19+$0x0], $0xffff  }
0x238: {  	v4 =	vor.u32 v45, v1;
	_ =	sdelay $0x3  }
0x239: {  	[tilespmem:v3+s20+$0x0] =	vst.idx.msk $0xffff, v2  }
0x23a: {  	v3 =	vor.u32 s3, v15;
	v2 =	vld.idx.msk [tilespmem:v4+s19+$0x0], $0xffff  }
0x23b: {  	v4 =	vor.u32 v46, v1;
	_ =	sdelay $0x3  }
0x23c: {  	[tilespmem:v3+s20+$0x0] =	vst.idx.msk $0xffff, v2  }
0x23d: {  	v3 =	vor.u32 s3, v16;
	v2 =	vld.idx.msk [tilespmem:v4+s19+$0x0], $0xffff  }
0x23e: {  	v4 =	vor.u32 v13, v1;
	_ =	sdelay $0x3  }
0x23f: {  	[tilespmem:v3+s20+$0x0] =	vst.idx.msk $0xffff, v2  }
0x240: {  	v3 =	vor.u32 s3, v50;
	v2 =	vld.idx.msk [tilespmem:v4+s19+$0x0], $0xffff  }
0x241: {  	v4 =	vor.u32 v47, v1;
	_ =	sdelay $0x3  }
0x242: {  	[tilespmem:v3+s20+$0x0] =	vst.idx.msk $0xffff, v2  }
0x243: {  	v3 =	vor.u32 s3, v17;
	v2 =	vld.idx.msk [tilespmem:v4+s19+$0x0], $0xffff  }
0x244: {  	v4 =	vor.u32 v48, v1;
	_ =	sdelay $0x3  }
0x245: {  	[tilespmem:v3+s20+$0x0] =	vst.idx.msk $0xffff, v2  }
0x246: {  	v3 =	vor.u32 s3, v54;
	v2 =	vld.idx.msk [tilespmem:v4+s19+$0x0], $0xffff  }
0x247: {  	v4 =	vor.u32 v49, v1;
	_ =	sdelay $0x3  }
0x248: {  	[tilespmem:v3+s20+$0x0] =	vst.idx.msk $0xffff, v2  }
0x249: {  	v3 =	vor.u32 s3, v21;
	v2 =	vld.idx.msk [tilespmem:v4+s19+$0x0], $0xffff  }
0x24a: {  	v4 =	vor.u32 v18, v1;
	_ =	sdelay $0x3  }
0x24b: {  	[tilespmem:v3+s20+$0x0] =	vst.idx.msk $0xffff, v2  }
0x24c: {  	v3 =	vor.u32 s3, v57;
	v2 =	vld.idx.msk [tilespmem:v4+s19+$0x0], $0xffff  }
0x24d: {  	v4 =	vor.u32 v20, v1;
	_ =	sdelay $0x3  }
0x24e: {  	[tilespmem:v3+s20+$0x0] =	vst.idx.msk $0xffff, v2  }
0x24f: {  	v3 =	vor.u32 s3, v19;
	v2 =	vld.idx.msk [tilespmem:v4+s19+$0x0], $0xffff  }
0x250: {  	v4 =	vor.u32 v22, v1;
	_ =	sdelay $0x3  }
0x251: {  	[tilespmem:v3+s20+$0x0] =	vst.idx.msk $0xffff, v2  }
0x252: {  	v3 =	vor.u32 s3, v24;
	v2 =	vld.idx.msk [tilespmem:v4+s19+$0x0], $0xffff  }
0x253: {  	v4 =	vor.u32 v60, v1;
	_ =	sdelay $0x3  }
0x254: {  	[tilespmem:v3+s20+$0x0] =	vst.idx.msk $0xffff, v2  }
0x255: {  	v3 =	vor.u32 s3, v23;
	v2 =	vld.idx.msk [tilespmem:v4+s19+$0x0], $0xffff  }
0x256: {  	v4 =	vor.u32 v63, v1;
	_ =	sdelay $0x3  }
0x257: {  	[tilespmem:v3+s20+$0x0] =	vst.idx.msk $0xffff, v2  }
0x258: {  	v3 =	vor.u32 s3, v51;
	v2 =	vld.idx.msk [tilespmem:v4+s19+$0x0], $0xffff  }
0x259: {  	v4 =	vor.u32 v36, v1;
	_ =	sdelay $0x3  }
0x25a: {  	[tilespmem:v3+s20+$0x0] =	vst.idx.msk $0xffff, v2  }
0x25b: {  	v3 =	vor.u32 s3, v25;
	v2 =	vld.idx.msk [tilespmem:v4+s19+$0x0], $0xffff  }
0x25c: {  	v4 =	vor.u32 v7, v1;
	_ =	sdelay $0x3  }
0x25d: {  	[tilespmem:v3+s20+$0x0] =	vst.idx.msk $0xffff, v2  }
0x25e: {  	v3 =	vor.u32 s3, v44;
	v2 =	vld.idx.msk [tilespmem:v4+s19+$0x0], $0xffff  }
0x25f: {  	v4 =	vor.u32 v58, v1;
	_ =	sdelay $0x3  }
0x260: {  	[tilespmem:v3+s20+$0x0] =	vst.idx.msk $0xffff, v2  }
0x261: {  	v3 =	vor.u32 s3, v27;
	v2 =	vld.idx.msk [tilespmem:v4+s19+$0x0], $0xffff  }
0x262: {  	v4 =	vor.u32 v61, v1;
	_ =	sdelay $0x3  }
0x263: {  	[tilespmem:v3+s20+$0x0] =	vst.idx.msk $0xffff, v2  }
0x264: {  	v3 =	vor.u32 s3, v28;
	v2 =	vld.idx.msk [tilespmem:v4+s19+$0x0], $0xffff  }
0x265: {  	v4 =	vor.u32 v11, v1;
	_ =	sdelay $0x3  }
0x266: {  	[tilespmem:v3+s20+$0x0] =	vst.idx.msk $0xffff, v2  }
0x267: {  	v3 =	vor.u32 s3, v29;
	v2 =	vld.idx.msk [tilespmem:v4+s19+$0x0], $0xffff  }
0x268: {  	v4 =	vor.u32 v26, v1;
	_ =	sdelay $0x3  }
0x269: {  	[tilespmem:v3+s20+$0x0] =	vst.idx.msk $0xffff, v2  }
0x26a: {  	v3 =	vor.u32 s3, v30;
	v2 =	vld.idx.msk [tilespmem:v4+s19+$0x0], $0xffff  }
0x26b: {  	v4 =	vor.u32 v52, v1;
	_ =	sdelay $0x3  }
0x26c: {  	[tilespmem:v3+s20+$0x0] =	vst.idx.msk $0xffff, v2  }
0x26d: {  	v3 =	vor.u32 s3, v31;
	v2 =	vld.idx.msk [tilespmem:v4+s19+$0x0], $0xffff  }
0x26e: {  	v4 =	vor.u32 v53, v1;
	_ =	sdelay $0x3  }
0x26f: {  	[tilespmem:v3+s20+$0x0] =	vst.idx.msk $0xffff, v2  }
0x270: {  	v3 =	vor.u32 s3, v32;
	v2 =	vld.idx.msk [tilespmem:v4+s19+$0x0], $0xffff  }
0x271: {  	v4 =	vor.u32 v55, v1;
	_ =	sdelay $0x3  }
0x272: {  	[tilespmem:v3+s20+$0x0] =	vst.idx.msk $0xffff, v2  }
0x273: {  	v3 =	vor.u32 s3, v33;
	v2 =	vld.idx.msk [tilespmem:v4+s19+$0x0], $0xffff  }
0x274: {  	v4 =	vor.u32 v56, v1;
	_ =	sdelay $0x3  }
0x275: {  	[tilespmem:v3+s20+$0x0] =	vst.idx.msk $0xffff, v2  }
0x276: {  	v3 =	vor.u32 s3, v34;
	v2 =	vld.idx.msk [tilespmem:v4+s19+$0x0], $0xffff  }
0x277: {  	v4 =	vor.u32 v59, v1;
	_ =	sdelay $0x3  }
0x278: {  	[tilespmem:v3+s20+$0x0] =	vst.idx.msk $0xffff, v2  }
0x279: {  	v3 =	vor.u32 s3, v35;
	v2 =	vld.idx.msk [tilespmem:v4+s19+$0x0], $0xffff  }
0x27a: {  	v4 =	vor.u32 v62, v1;
	_ =	sdelay $0x3  }
0x27b: {  	[tilespmem:v3+s20+$0x0] =	vst.idx.msk $0xffff, v2  }
0x27c: {  	v3 =	vor.u32 s3, v38;
	v2 =	vld.idx.msk [tilespmem:v4+s19+$0x0], $0xffff  }
0x27d: {  	v4 =	vor.u32 v42, v1;
	_ =	sdelay $0x3  }
0x27e: {  	[tilespmem:v3+s20+$0x0] =	vst.idx.msk $0xffff, v2  }
0x27f: {  	v3 =	vor.u32 s3, v37;
	v2 =	vld.idx.msk [tilespmem:v4+s19+$0x0], $0xffff;
	_ =	sdelay $0x4  }
0x280: {  	v4 =	vor.u32 v9, v1;
	[tilespmem:v3+s20+$0x0] =	vst.idx.msk $0xffff, v2;
	v3 =	vld [tilespmem:$0x1FE30];
	_ =	sdelay $0x4  }
0x281: {  	v2 =	vld.idx.msk [tilespmem:v4+s19+$0x0], $0xffff;
	v3 =	vor.u32 s3, v3;
	_ =	sdelay $0x4  }
0x282: {  	v4 =	vor.u32 v40, v1;
	[tilespmem:v3+s20+$0x0] =	vst.idx.msk $0xffff, v2;
	v3 =	vld [tilespmem:$0x1FE40];
	_ =	sdelay $0x4  }
0x283: {  	v2 =	vld.idx.msk [tilespmem:v4+s19+$0x0], $0xffff;
	v3 =	vor.u32 s3, v3;
	_ =	sdelay $0x3  }
0x284: {  	v4 =	vor.u32 v39, v1  }
0x285: {  	[tilespmem:v3+s20+$0x0] =	vst.idx.msk $0xffff, v2;
	v2 =	vld [tilespmem:$0x1FE50];
	_ =	sdelay $0x3  }
0x286: {  	v3 =	vld.idx.msk [tilespmem:v4+s19+$0x0], $0xffff  }
0x287: {  	p0 =	sne.s32 s28, $0x1F0;
	v4 =	vor.u32 s3, v2;
	v2 =	vld [tilespmem:$0x1FB70]  }
.Ltmp5:
0x288: {  	_ = 	snop;
	(pc) =	sbr.rel @p0 .LBB2_8-.Ltmp5, $3  }
0x289: {  	_ =	sdelay $0x1  }
0x28a: {  	s8 =	smov.u32 s28  }
0x28b: {  	s28 =	sadd.s32 $0x10, s28;
	v1 =	vor.u32 v2, v1;
	v2 =	vmov s8;
	[tilespmem:v4+s20+$0x0] =	vst.idx.msk $0xffff, v3  }
0x28c: {  	_ =	sdelay $0x2  }
0x28d: {  	v2 =	vshll.u32 v2, $0x5  }
0x28e: {  	v3 =	vld.idx.msk [tilespmem:v1+s19+$0x0], $0xffff;
	v4 =	vlaneseq.u32;
	v1 =	vor.u32 v6, v2;
	v2 =	vor.u32 s3, v0  }
0x28f: {  	v4 =	vor.u32 v4, v1;
	_ =	sdelay $0x1  }
0x290: {  	s29 =	sadd.s32 $0x80, s15  }
0x291: {  	s8 =	sand.u32 $0x70, s8;
	s3 =	sand.u32 $0xC00, s29  }
0x292: {  	s3 =	sor.u32 s8, s3;
	[tilespmem:v2+s20+$0x0] =	vst.idx.msk $0xffff, v3  }
0x293: {  	v3 =	vor.u32 s3, v8;
	v2 =	vld.idx.msk [tilespmem:v4+s19+$0x0], $0xffff  }
0x294: {  	v4 =	vor.u32 v41, v1;
	_ =	sdelay $0x3  }
0x295: {  	[tilespmem:v3+s20+$0x0] =	vst.idx.msk $0xffff, v2  }
0x296: {  	v3 =	vor.u32 s3, v5;
	v2 =	vld.idx.msk [tilespmem:v4+s19+$0x0], $0xffff  }
0x297: {  	v4 =	vor.u32 v43, v1;
	_ =	sdelay $0x3  }
0x298: {  	[tilespmem:v3+s20+$0x0] =	vst.idx.msk $0xffff, v2  }
0x299: {  	v3 =	vor.u32 s3, v12;
	v2 =	vld.idx.msk [tilespmem:v4+s19+$0x0], $0xffff  }
0x29a: {  	v4 =	vor.u32 v10, v1;
	_ =	sdelay $0x3  }
0x29b: {  	[tilespmem:v3+s20+$0x0] =	vst.idx.msk $0xffff, v2  }
0x29c: {  	v3 =	vor.u32 s3, v14;
	v2 =	vld.idx.msk [tilespmem:v4+s19+$0x0], $0xffff  }
0x29d: {  	v4 =	vor.u32 v45, v1;
	_ =	sdelay $0x3  }
0x29e: {  	[tilespmem:v3+s20+$0x0] =	vst.idx.msk $0xffff, v2  }
0x29f: {  	v3 =	vor.u32 s3, v15;
	v2 =	vld.idx.msk [tilespmem:v4+s19+$0x0], $0xffff  }
0x2a0: {  	v4 =	vor.u32 v46, v1;
	_ =	sdelay $0x3  }
0x2a1: {  	[tilespmem:v3+s20+$0x0] =	vst.idx.msk $0xffff, v2  }
0x2a2: {  	v3 =	vor.u32 s3, v16;
	v2 =	vld.idx.msk [tilespmem:v4+s19+$0x0], $0xffff  }
0x2a3: {  	v4 =	vor.u32 v13, v1;
	_ =	sdelay $0x3  }
0x2a4: {  	[tilespmem:v3+s20+$0x0] =	vst.idx.msk $0xffff, v2  }
0x2a5: {  	v3 =	vor.u32 s3, v50;
	v2 =	vld.idx.msk [tilespmem:v4+s19+$0x0], $0xffff  }
0x2a6: {  	v4 =	vor.u32 v47, v1;
	_ =	sdelay $0x3  }
0x2a7: {  	[tilespmem:v3+s20+$0x0] =	vst.idx.msk $0xffff, v2  }
0x2a8: {  	v3 =	vor.u32 s3, v17;
	v2 =	vld.idx.msk [tilespmem:v4+s19+$0x0], $0xffff  }
0x2a9: {  	v4 =	vor.u32 v48, v1;
	_ =	sdelay $0x3  }
0x2aa: {  	[tilespmem:v3+s20+$0x0] =	vst.idx.msk $0xffff, v2  }
0x2ab: {  	v3 =	vor.u32 s3, v54;
	v2 =	vld.idx.msk [tilespmem:v4+s19+$0x0], $0xffff  }
0x2ac: {  	v4 =	vor.u32 v49, v1;
	_ =	sdelay $0x3  }
0x2ad: {  	[tilespmem:v3+s20+$0x0] =	vst.idx.msk $0xffff, v2  }
0x2ae: {  	v3 =	vor.u32 s3, v21;
	v2 =	vld.idx.msk [tilespmem:v4+s19+$0x0], $0xffff  }
0x2af: {  	v4 =	vor.u32 v18, v1;
	_ =	sdelay $0x3  }
0x2b0: {  	[tilespmem:v3+s20+$0x0] =	vst.idx.msk $0xffff, v2  }
0x2b1: {  	v3 =	vor.u32 s3, v57;
	v2 =	vld.idx.msk [tilespmem:v4+s19+$0x0], $0xffff  }
0x2b2: {  	v4 =	vor.u32 v20, v1;
	_ =	sdelay $0x3  }
0x2b3: {  	[tilespmem:v3+s20+$0x0] =	vst.idx.msk $0xffff, v2  }
0x2b4: {  	v3 =	vor.u32 s3, v19;
	v2 =	vld.idx.msk [tilespmem:v4+s19+$0x0], $0xffff  }
0x2b5: {  	v4 =	vor.u32 v22, v1;
	_ =	sdelay $0x3  }
0x2b6: {  	[tilespmem:v3+s20+$0x0] =	vst.idx.msk $0xffff, v2  }
0x2b7: {  	v3 =	vor.u32 s3, v24;
	v2 =	vld.idx.msk [tilespmem:v4+s19+$0x0], $0xffff  }
0x2b8: {  	v4 =	vor.u32 v60, v1;
	_ =	sdelay $0x3  }
0x2b9: {  	[tilespmem:v3+s20+$0x0] =	vst.idx.msk $0xffff, v2  }
0x2ba: {  	v3 =	vor.u32 s3, v23;
	v2 =	vld.idx.msk [tilespmem:v4+s19+$0x0], $0xffff  }
0x2bb: {  	v4 =	vor.u32 v63, v1;
	_ =	sdelay $0x3  }
0x2bc: {  	[tilespmem:v3+s20+$0x0] =	vst.idx.msk $0xffff, v2  }
0x2bd: {  	v3 =	vor.u32 s3, v51;
	v2 =	vld.idx.msk [tilespmem:v4+s19+$0x0], $0xffff  }
0x2be: {  	v4 =	vor.u32 v36, v1;
	_ =	sdelay $0x3  }
0x2bf: {  	[tilespmem:v3+s20+$0x0] =	vst.idx.msk $0xffff, v2  }
0x2c0: {  	v3 =	vor.u32 s3, v25;
	v2 =	vld.idx.msk [tilespmem:v4+s19+$0x0], $0xffff  }
0x2c1: {  	v4 =	vor.u32 v7, v1;
	_ =	sdelay $0x3  }
0x2c2: {  	[tilespmem:v3+s20+$0x0] =	vst.idx.msk $0xffff, v2  }
0x2c3: {  	v3 =	vor.u32 s3, v44;
	v2 =	vld.idx.msk [tilespmem:v4+s19+$0x0], $0xffff  }
0x2c4: {  	v4 =	vor.u32 v58, v1;
	_ =	sdelay $0x3  }
0x2c5: {  	[tilespmem:v3+s20+$0x0] =	vst.idx.msk $0xffff, v2  }
0x2c6: {  	v3 =	vor.u32 s3, v27;
	v2 =	vld.idx.msk [tilespmem:v4+s19+$0x0], $0xffff  }
0x2c7: {  	v4 =	vor.u32 v61, v1;
	_ =	sdelay $0x3  }
0x2c8: {  	[tilespmem:v3+s20+$0x0] =	vst.idx.msk $0xffff, v2  }
0x2c9: {  	v3 =	vor.u32 s3, v28;
	v2 =	vld.idx.msk [tilespmem:v4+s19+$0x0], $0xffff  }
0x2ca: {  	v4 =	vor.u32 v11, v1;
	_ =	sdelay $0x3  }
0x2cb: {  	[tilespmem:v3+s20+$0x0] =	vst.idx.msk $0xffff, v2  }
0x2cc: {  	v3 =	vor.u32 s3, v29;
	v2 =	vld.idx.msk [tilespmem:v4+s19+$0x0], $0xffff  }
0x2cd: {  	v4 =	vor.u32 v26, v1;
	_ =	sdelay $0x3  }
0x2ce: {  	[tilespmem:v3+s20+$0x0] =	vst.idx.msk $0xffff, v2  }
0x2cf: {  	v3 =	vor.u32 s3, v30;
	v2 =	vld.idx.msk [tilespmem:v4+s19+$0x0], $0xffff  }
0x2d0: {  	v4 =	vor.u32 v52, v1;
	_ =	sdelay $0x3  }
0x2d1: {  	[tilespmem:v3+s20+$0x0] =	vst.idx.msk $0xffff, v2  }
0x2d2: {  	v3 =	vor.u32 s3, v31;
	v2 =	vld.idx.msk [tilespmem:v4+s19+$0x0], $0xffff  }
0x2d3: {  	v4 =	vor.u32 v53, v1;
	_ =	sdelay $0x3  }
0x2d4: {  	[tilespmem:v3+s20+$0x0] =	vst.idx.msk $0xffff, v2  }
0x2d5: {  	v3 =	vor.u32 s3, v32;
	v2 =	vld.idx.msk [tilespmem:v4+s19+$0x0], $0xffff  }
0x2d6: {  	v4 =	vor.u32 v55, v1;
	_ =	sdelay $0x3  }
0x2d7: {  	[tilespmem:v3+s20+$0x0] =	vst.idx.msk $0xffff, v2  }
0x2d8: {  	v3 =	vor.u32 s3, v33;
	v2 =	vld.idx.msk [tilespmem:v4+s19+$0x0], $0xffff  }
0x2d9: {  	v4 =	vor.u32 v56, v1;
	_ =	sdelay $0x3  }
0x2da: {  	[tilespmem:v3+s20+$0x0] =	vst.idx.msk $0xffff, v2  }
0x2db: {  	v3 =	vor.u32 s3, v34;
	v2 =	vld.idx.msk [tilespmem:v4+s19+$0x0], $0xffff  }
0x2dc: {  	v4 =	vor.u32 v59, v1;
	_ =	sdelay $0x3  }
0x2dd: {  	[tilespmem:v3+s20+$0x0] =	vst.idx.msk $0xffff, v2  }
0x2de: {  	v3 =	vor.u32 s3, v35;
	v2 =	vld.idx.msk [tilespmem:v4+s19+$0x0], $0xffff  }
0x2df: {  	v4 =	vor.u32 v62, v1;
	_ =	sdelay $0x3  }
0x2e0: {  	[tilespmem:v3+s20+$0x0] =	vst.idx.msk $0xffff, v2  }
0x2e1: {  	v3 =	vor.u32 s3, v38;
	v2 =	vld.idx.msk [tilespmem:v4+s19+$0x0], $0xffff  }
0x2e2: {  	v4 =	vor.u32 v42, v1;
	_ =	sdelay $0x3  }
0x2e3: {  	[tilespmem:v3+s20+$0x0] =	vst.idx.msk $0xffff, v2  }
0x2e4: {  	v3 =	vor.u32 s3, v37;
	v2 =	vld.idx.msk [tilespmem:v4+s19+$0x0], $0xffff  }
0x2e5: {  	v36 =	vmov v38;
	v38 =	vld [tilespmem:$0x1FE30];
	v4 =	vor.u32 v9, v1;
	_ =	sdelay $0x3  }
0x2e6: {  	[tilespmem:v3+s20+$0x0] =	vst.idx.msk $0xffff, v2  }
0x2e7: {  	v3 =	vor.u32 s3, v38;
	v2 =	vld.idx.msk [tilespmem:v4+s19+$0x0], $0xffff  }
0x2e8: {  	v4 =	vor.u32 v40, v1;
	v40 =	vld [tilespmem:$0x1FE40];
	_ =	sdelay $0x3  }
0x2e9: {  	[tilespmem:v3+s20+$0x0] =	vst.idx.msk $0xffff, v2  }
0x2ea: {  	v3 =	vor.u32 s3, v40;
	v2 =	vld.idx.msk [tilespmem:v4+s19+$0x0], $0xffff  }
0x2eb: {  	v4 =	vor.u32 v39, v1;
	_ =	sdelay $0x3  }
0x2ec: {  	[tilespmem:v3+s20+$0x0] =	vst.idx.msk $0xffff, v2  }
0x2ed: {  	v2 =	vld.idx.msk [tilespmem:v4+s19+$0x0], $0xffff  }
0x2ee: {  	v4 =	vld [tilespmem:$0x1FE50]  }
0x2ef: {  	v5 =	vld [tilespmem:$0x1FB70];
	_ =	sdelay $0x3  }
0x2f0: {  	v3 =	vor.u32 s3, v4  }
0x2f1: {  	v1 =	vor.u32 v5, v1;
	_ =	sdelay $0x3  }
0x2f2: {  	[tilespmem:v3+s20+$0x0] =	vst.idx.msk $0xffff, v2  }
0x2f3: {  	v2 =	vor.u32 s3, v0;
	v1 =	vld.idx.msk [tilespmem:v1+s19+$0x0], $0xffff;
	_ =	sdelay $0x1  }
0x2f4: {  	s8 =	sshll.u32 s7, $0x14  }
0x2f5: {  	s3 =	sadd.s32 s11, s8  }
0x2f6: {  	s3 =	sshrl.u32 s3, $0x3  }
0x2f7: {  	s15 =	sadd.s32 s1, s3;
	[tilespmem:v2+s20+$0x0] =	vst.idx.msk $0xffff, v1  }
0x2f8: {  	v6 =	vmov v41;
	[hbm4b:s15+s2] =	stream.linear.scatter [tilespmem:s20], [sflag:$0x6], $0x1000, $0x38;
	[tilespmem:$0x10400] =	vst v63  }
0x2f9: {  	v8 =	vmovc v15;
	v41 =	vmovc v10;
	v10 =	vmov v45;
	v45 =	vmov v46;
	v15 =	vmov v21;
	s28 =	sadd.s32 s3, s12  }
0x2fa: {  	v46 =	vmovc v13;
	v13 =	vmovc v50;
	v50 =	vmov v18;
	v21 =	vmov v19;
	v18 =	vmov v20;
	[hbm4b:s28+s2] =	stream.linear.scatter [tilespmem:s21], [sflag:$0x6], $0x1000, $0x38;
	[tilespmem:$0x10400] =	vst v63  }
0x2fb: {  	p0 =	seq.s32 s7, $0x64;
	v20 =	vmovc v22;
	v19 =	vmovc v23;
	v22 =	vmov v24;
	v24 =	vmov v51;
	v23 =	vmov v25;
	s29 =	sadd.s32 s3, s13  }
0x2fc: {  	v51 =	vmovc v26;
	v25 =	vmovc v27;
	v27 =	vmov v29;
	v29 =	vmov v31;
	v26 =	vmov v28;
	[hbm4b:s29+s2] =	stream.linear.scatter [tilespmem:s22], [sflag:$0x6], $0x1000, $0x38;
	[tilespmem:$0x10400] =	vst v63  }
.Ltmp6:
0x2fd: {  	v28 =	vmovc v30;
	v30 =	vmovc v32;
	v31 =	vmov v33;
	v32 =	vmov v10;
	v33 =	vmov v35;
	(pc) =	sbr.rel @p0 .LBB2_11-.Ltmp6, $4  }
.Ltmp7:
0x2fe: {  	v9 =	vmovc v16;
	v16 =	vmovc v22;
	v22 =	vmov v44;
	v44 =	vmov v6;
	v6 =	vmov v41;
	(pc) =	sbr.rel @!p0 .LBB2_10-.Ltmp7, $4  }
0x2ff: {  	v40 =	vmovc v18;
	v18 =	vmovc v54;
	v5 =	vmov v34;
	v34 =	vmov v36;
	v36 =	vmov v38;
	s3 =	sadd.s32 s3, s14  }
0x300: {  	v4 =	vmovc v43;
	v43 =	vmovc v57;
	v57 =	vmov v20;
	v0 =	vmov v11;
	v1 =	vmov v12;
	[hbm4b:s3+s2] =	stream.linear.scatter [tilespmem:s23], [sflag:$0x6], $0x1000, $0x38;
	[tilespmem:$0x10400] =	vst v63  }
0x301: {  	v3 =	vld [tilespmem:$0x1FFD0];
	v2 =	vmovc v14;
	v12 =	vmovc v13;
	v13 =	vmov v17;
	v14 =	vmov v24;
	v17 =	vmov v37;
	s3 =	sor.u32 $0x1, s9  }
0x302: {  	_ = 	snop  }
.LBB2_4:
0x303: {  	s8 =	sadd.s32 $0xFFFFFFFE, s9  }
0x304: {  	p0 =	sgt.u32 s8, $0xC7  }
.Ltmp8:
0x305: {  	s3 =	simm.s32 $0x1;
	(pc) =	sbr.rel @p0 .LBB2_10-.Ltmp8, $4  }
0x306: {  	_ =	swait.ge [sflag:s3], $0x200  }
0x307: {  	[sflag:s3] =	ssyncset.done $0x0  }
0x308: {  	[sflag:s3] =	ssyncadd.s32 $0xFFFFFE00  }
0x309: {  	[tilespmem:s25], [sflag:$0x3] =	stream.indirect.gather [hbm4b:s5+s16], $0x20, s2, s16, $0xb8;
	[tilespmem:$0x10400] =	vst v63  }
0x30a: {  	p0 =	slt.u32 s7, $0x2  }
.Ltmp9:
0x30b: {  	s3 =	sshll.u32 s7, $0xF;
	(pc) =	sbr.rel @p0 .LBB2_7-.Ltmp9, $4  }
.Ltmp10:
0x30c: {  	_ =	swait.ge [sflag:s17], $0x4000;
	s3 =	sor.u32 s6, s3;
	(pc) =	sbr.rel @!p0 .LBB2_6-.Ltmp10, $4  }
0x30d: {  	[sflag:s17] =	ssyncset.done $0x0;
	s8 =	rddreg [dreg:$0x4];
	s3 =	sshrl.u32 s3, $0x3  }
0x30e: {  	[sflag:s17] =	ssyncadd.s32 $0xFFFFC000;
	s3 =	sadd.s32 s3, s8  }
0x30f: {  	[tilespmem:s16], [sflag:$0x2] =	stream.linear.gather [hbm4b:s3+s2], $0x200, $0x38;
	[tilespmem:$0x10400] =	vst v63  }
0x310: {  	_ = 	snop  }
.LBB2_10:
0x311: {  	_ =	swait.ge [sflag:s0], $0x200  }
0x312: {  	[sflag:s0] =	ssyncset.done $0x0  }
0x313: {  	[sflag:s0] =	ssyncadd.s32 $0xFFFFFE00  }
0x314: {  	[tilespmem:s19], [sflag:$0x4] =	stream.indirect.gather [hbm4b:s5+s16], $0x20, s16, s16, $0xb8;
	[tilespmem:$0x10400] =	vst v63  }
.LBB2_11:
0x315: {  	p0 =	sgt.u32 s3, $0xC8  }
.Ltmp11:
0x316: {  	_ = 	snop;
	(pc) =	sbr.rel @p0 .LBB2_15-.Ltmp11, $1  }
0x317: {  	_ =	sdelay $0x3  }
0x318: {  	p0 =	sgt.u32 s7, $0x62  }
0x319: {  	s3 =	sshll.u32 @!p0 s7, $0xF  }
0x31a: {  	v11 =	vmov v5;
	v5 =	vmov v9;
	v9 =	vld [tilespmem:$0x1FB80];
	_ =	swait.ge [sflag:s24], $0x4000;
	s3 =	sadd.s32 @!p0 s10, s3  }
0x31b: {  	[sflag:s24] =	ssyncset.done $0x0;
	s8 =	simm.s32 @!p0 $0x0;
	s3 =	sshrl.u32 @!p0 s3, $0x3  }
0x31c: {  	p1 =	seq.s32 @!p0 s7, $0x0;
	[sflag:s24] =	ssyncadd.s32 $0xFFFFC000;
	s3 =	sadd.s32 @!p0 s4, s3  }
0x31d: {  	[tilespmem:s8], [sflag:$0x1] =	stream.linear.gather @!p0 [hbm4b:s3+s8], $0x200, $0x38;
	[tilespmem:$0x10400] =	vst v63  }
0x31e: {  	p0 =	por p0, !p1  }
0x31f: {  	_ =	swait.ge @p0 [sflag:s31], $0x1000  }
0x320: {  	[sflag:s31] =	ssyncset.done @p0 $0x0  }
0x321: {  	[sflag:s31] =	ssyncadd.s32 @p0 $0xFFFFF000  }
0x322: {  	v38 =	vmov v48;
	v48 =	vmov v46;
	s9 =	simm.s32 $0x0;
	_ =	swait.ge @p0 [sflag:s31], $0x1000  }
0x323: {  	v46 =	vmovc v45;
	v45 =	vmovc v6;
	v6 =	vmov v12;
	v12 =	vmov v1;
	v1 =	vmov s9;
	[sflag:s31] =	ssyncset.done @p0 $0x0  }
0x324: {  	v24 =	vmov v22;
	v1 =	vshll.u32 v1, $0x5;
	[sflag:s31] =	ssyncadd.s32 @p0 $0xFFFFF000  }
0x325: {  	v22 =	vmovc v14;
	v14 =	vmovc v13;
	v13 =	vmov v2;
	v2 =	vlaneseq.u32;
	v1 =	vor.u32 v3, v1;
	_ =	swait.ge @p0 [sflag:s31], $0x1000  }
0x326: {  	v2 =	vor.u32 v2, v1;
	[sflag:s31] =	ssyncset.done @p0 $0x0  }
0x327: {  	[sflag:s31] =	ssyncadd.s32 @p0 $0xFFFFF000  }
0x328: {  	_ =	swait.ge @p0 [sflag:s31], $0x1000  }
0x329: {  	s28 =	sand.u32 $0xC00, s9;
	s29 =	sand.u32 $0x70, s9;
	[sflag:s31] =	ssyncset.done @p0 $0x0  }
0x32a: {  	s3 =	sor.u32 s29, s28;
	[sflag:s31] =	ssyncadd.s32 @p0 $0xFFFFF000  }
0x32b: {  	v35 =	vmovc v17;
	v17 =	vmovc v43;
	v43 =	vmov v44;
	v44 =	vmov v3;
	v3 =	vor.u32 s3, v9;
	v2 =	vld.idx.msk [tilespmem:v2+s25+$0x0], $0xffff;
	_ =	sdelay $0x4  }
0x32c: {  	v10 =	vmov v4;
	v4 =	vor.u32 v43, v1;
	[tilespmem:v3+s26+$0x0] =	vst.idx.msk $0xffff, v2;
	v3 =	vld [tilespmem:$0x1FB90];
	_ =	sdelay $0x4  }
0x32d: {  	v2 =	vld.idx.msk [tilespmem:v4+s25+$0x0], $0xffff;
	v37 =	vmov v3;
	v3 =	vor.u32 s3, v3  }
0x32e: {  	v4 =	vor.u32 v10, v1;
	_ =	sdelay $0x3  }
0x32f: {  	[tilespmem:v3+s26+$0x0] =	vst.idx.msk $0xffff, v2  }
0x330: {  	v3 =	vor.u32 s3, v12;
	v2 =	vld.idx.msk [tilespmem:v4+s25+$0x0], $0xffff  }
0x331: {  	v4 =	vor.u32 v45, v1;
	_ =	sdelay $0x3  }
0x332: {  	[tilespmem:v3+s26+$0x0] =	vst.idx.msk $0xffff, v2  }
0x333: {  	v3 =	vor.u32 s3, v13;
	v2 =	vld.idx.msk [tilespmem:v4+s25+$0x0], $0xffff  }
0x334: {  	v4 =	vor.u32 v32, v1;
	_ =	sdelay $0x3  }
0x335: {  	[tilespmem:v3+s26+$0x0] =	vst.idx.msk $0xffff, v2  }
0x336: {  	v3 =	vor.u32 s3, v8;
	v2 =	vld.idx.msk [tilespmem:v4+s25+$0x0], $0xffff  }
0x337: {  	v4 =	vor.u32 v46, v1;
	_ =	sdelay $0x3  }
0x338: {  	[tilespmem:v3+s26+$0x0] =	vst.idx.msk $0xffff, v2  }
0x339: {  	v3 =	vor.u32 s3, v5;
	v2 =	vld.idx.msk [tilespmem:v4+s25+$0x0], $0xffff  }
0x33a: {  	v4 =	vor.u32 v48, v1;
	_ =	sdelay $0x3  }
0x33b: {  	[tilespmem:v3+s26+$0x0] =	vst.idx.msk $0xffff, v2  }
0x33c: {  	v3 =	vor.u32 s3, v6;
	v2 =	vld.idx.msk [tilespmem:v4+s25+$0x0], $0xffff  }
0x33d: {  	v4 =	vor.u32 v47, v1;
	_ =	sdelay $0x3  }
0x33e: {  	[tilespmem:v3+s26+$0x0] =	vst.idx.msk $0xffff, v2  }
0x33f: {  	v3 =	vor.u32 s3, v14;
	v2 =	vld.idx.msk [tilespmem:v4+s25+$0x0], $0xffff  }
0x340: {  	v4 =	vor.u32 v38, v1;
	_ =	sdelay $0x3  }
0x341: {  	v39 =	vmov v23;
	v23 =	vmov v18;
	[tilespmem:v3+s26+$0x0] =	vst.idx.msk $0xffff, v2  }
0x342: {  	v3 =	vor.u32 s3, v23;
	v2 =	vld.idx.msk [tilespmem:v4+s25+$0x0], $0xffff  }
0x343: {  	v4 =	vor.u32 v49, v1;
	_ =	sdelay $0x3  }
0x344: {  	v20 =	vmov v19;
	v19 =	vmov v16;
	v16 =	vmov v15;
	[tilespmem:v3+s26+$0x0] =	vst.idx.msk $0xffff, v2  }
0x345: {  	v3 =	vor.u32 s3, v16;
	v2 =	vld.idx.msk [tilespmem:v4+s25+$0x0], $0xffff  }
0x346: {  	v4 =	vor.u32 v50, v1;
	_ =	sdelay $0x3  }
0x347: {  	[tilespmem:v3+s26+$0x0] =	vst.idx.msk $0xffff, v2  }
0x348: {  	v54 =	vmov v40;
	v3 =	vor.u32 s3, v17;
	v2 =	vld.idx.msk [tilespmem:v4+s25+$0x0], $0xffff  }
0x349: {  	v4 =	vor.u32 v54, v1;
	_ =	sdelay $0x3  }
0x34a: {  	[tilespmem:v3+s26+$0x0] =	vst.idx.msk $0xffff, v2  }
0x34b: {  	v3 =	vor.u32 s3, v21;
	v2 =	vld.idx.msk [tilespmem:v4+s25+$0x0], $0xffff  }
0x34c: {  	v4 =	vor.u32 v57, v1;
	_ =	sdelay $0x3  }
0x34d: {  	[tilespmem:v3+s26+$0x0] =	vst.idx.msk $0xffff, v2  }
0x34e: {  	v3 =	vor.u32 s3, v19;
	v2 =	vld.idx.msk [tilespmem:v4+s25+$0x0], $0xffff  }
0x34f: {  	v4 =	vor.u32 v60, v1;
	_ =	sdelay $0x3  }
0x350: {  	[tilespmem:v3+s26+$0x0] =	vst.idx.msk $0xffff, v2  }
0x351: {  	v3 =	vor.u32 s3, v20;
	v2 =	vld.idx.msk [tilespmem:v4+s25+$0x0], $0xffff  }
0x352: {  	v4 =	vor.u32 v63, v1  }
0x353: {  	v40 =	vmov v42;
	v42 =	vld [tilespmem:$0x1FC80];
	_ =	sdelay $0x2  }
0x354: {  	[tilespmem:v3+s26+$0x0] =	vst.idx.msk $0xffff, v2  }
0x355: {  	v3 =	vor.u32 s3, v22;
	v2 =	vld.idx.msk [tilespmem:v4+s25+$0x0], $0xffff  }
0x356: {  	v4 =	vor.u32 v42, v1;
	_ =	sdelay $0x3  }
0x357: {  	[tilespmem:v3+s26+$0x0] =	vst.idx.msk $0xffff, v2  }
0x358: {  	v41 =	vmov v7;
	v3 =	vor.u32 s3, v39;
	v2 =	vld.idx.msk [tilespmem:v4+s25+$0x0], $0xffff  }
0x359: {  	v4 =	vor.u32 v41, v1;
	_ =	sdelay $0x3  }
0x35a: {  	[tilespmem:v3+s26+$0x0] =	vst.idx.msk $0xffff, v2  }
0x35b: {  	v3 =	vor.u32 s3, v24;
	v2 =	vld.idx.msk [tilespmem:v4+s25+$0x0], $0xffff  }
0x35c: {  	v4 =	vor.u32 v58, v1;
	_ =	sdelay $0x3  }
0x35d: {  	[tilespmem:v3+s26+$0x0] =	vst.idx.msk $0xffff, v2  }
0x35e: {  	v3 =	vor.u32 s3, v25;
	v2 =	vld.idx.msk [tilespmem:v4+s25+$0x0], $0xffff  }
0x35f: {  	v4 =	vor.u32 v61, v1;
	_ =	sdelay $0x3  }
0x360: {  	[tilespmem:v3+s26+$0x0] =	vst.idx.msk $0xffff, v2  }
0x361: {  	v3 =	vor.u32 s3, v26;
	v2 =	vld.idx.msk [tilespmem:v4+s25+$0x0], $0xffff  }
0x362: {  	v4 =	vor.u32 v0, v1;
	_ =	sdelay $0x3  }
0x363: {  	[tilespmem:v3+s26+$0x0] =	vst.idx.msk $0xffff, v2  }
0x364: {  	v3 =	vor.u32 s3, v27;
	v2 =	vld.idx.msk [tilespmem:v4+s25+$0x0], $0xffff  }
0x365: {  	v4 =	vor.u32 v51, v1;
	_ =	sdelay $0x3  }
0x366: {  	[tilespmem:v3+s26+$0x0] =	vst.idx.msk $0xffff, v2  }
0x367: {  	v3 =	vor.u32 s3, v28;
	v2 =	vld.idx.msk [tilespmem:v4+s25+$0x0], $0xffff  }
0x368: {  	v4 =	vor.u32 v52, v1;
	_ =	sdelay $0x3  }
0x369: {  	[tilespmem:v3+s26+$0x0] =	vst.idx.msk $0xffff, v2  }
0x36a: {  	v3 =	vor.u32 s3, v29;
	v2 =	vld.idx.msk [tilespmem:v4+s25+$0x0], $0xffff  }
0x36b: {  	v4 =	vor.u32 v53, v1;
	_ =	sdelay $0x3  }
0x36c: {  	[tilespmem:v3+s26+$0x0] =	vst.idx.msk $0xffff, v2  }
0x36d: {  	v3 =	vor.u32 s3, v30;
	v2 =	vld.idx.msk [tilespmem:v4+s25+$0x0], $0xffff  }
0x36e: {  	v4 =	vor.u32 v55, v1;
	_ =	sdelay $0x3  }
0x36f: {  	[tilespmem:v3+s26+$0x0] =	vst.idx.msk $0xffff, v2  }
0x370: {  	v3 =	vor.u32 s3, v31;
	v2 =	vld.idx.msk [tilespmem:v4+s25+$0x0], $0xffff  }
0x371: {  	v4 =	vor.u32 v56, v1;
	_ =	sdelay $0x3  }
0x372: {  	[tilespmem:v3+s26+$0x0] =	vst.idx.msk $0xffff, v2  }
0x373: {  	v3 =	vor.u32 s3, v11;
	v2 =	vld.idx.msk [tilespmem:v4+s25+$0x0], $0xffff  }
0x374: {  	v4 =	vor.u32 v59, v1;
	_ =	sdelay $0x3  }
0x375: {  	[tilespmem:v3+s26+$0x0] =	vst.idx.msk $0xffff, v2  }
0x376: {  	v3 =	vor.u32 s3, v33;
	v2 =	vld.idx.msk [tilespmem:v4+s25+$0x0], $0xffff  }
0x377: {  	v4 =	vor.u32 v62, v1;
	_ =	sdelay $0x3  }
0x378: {  	[tilespmem:v3+s26+$0x0] =	vst.idx.msk $0xffff, v2  }
0x379: {  	v3 =	vor.u32 s3, v34;
	v2 =	vld.idx.msk [tilespmem:v4+s25+$0x0], $0xffff  }
0x37a: {  	v4 =	vor.u32 v40, v1;
	_ =	sdelay $0x3  }
0x37b: {  	[tilespmem:v3+s26+$0x0] =	vst.idx.msk $0xffff, v2  }
0x37c: {  	v2 =	vld.idx.msk [tilespmem:v4+s25+$0x0], $0xffff  }
0x37d: {  	v4 =	vld [tilespmem:$0x1FB40];
	_ =	sdelay $0x3  }
0x37e: {  	v3 =	vor.u32 s3, v35  }
0x37f: {  	v15 =	vmovc v32;
	v32 =	vmov v11;
	v11 =	vmov v4;
	v4 =	vor.u32 v4, v1;
	_ =	sdelay $0x3  }
0x380: {  	[tilespmem:v3+s26+$0x0] =	vst.idx.msk $0xffff, v2  }
0x381: {  	v2 =	vld.idx.msk [tilespmem:v4+s25+$0x0], $0xffff  }
0x382: {  	v4 =	vld [tilespmem:$0x1FB50]  }
0x383: {  	v3 =	vor.u32 s3, v36;
	_ =	sdelay $0x3  }
0x384: {  	v7 =	vmovc v38;
	v38 =	vmov v36;
	v36 =	vmov v4;
	v4 =	vor.u32 v4, v1  }
0x385: {  	[tilespmem:v3+s26+$0x0] =	vst.idx.msk $0xffff, v2;
	v3 =	vld [tilespmem:$0x1FE40];
	_ =	sdelay $0x3  }
0x386: {  	v2 =	vld.idx.msk [tilespmem:v4+s25+$0x0], $0xffff  }
0x387: {  	v3 =	vor.u32 s3, v3;
	v4 =	vld [tilespmem:$0x1FB60];
	_ =	sdelay $0x4  }
0x388: {  	v4 =	vor.u32 v4, v1;
	[tilespmem:v3+s26+$0x0] =	vst.idx.msk $0xffff, v2;
	v3 =	vld [tilespmem:$0x1FE50];
	_ =	sdelay $0x4  }
0x389: {  	v2 =	vld.idx.msk [tilespmem:v4+s25+$0x0], $0xffff;
	v3 =	vor.u32 s3, v3;
	_ =	sdelay $0x4  }
0x38a: {  	[tilespmem:v3+s26+$0x0] =	vst.idx.msk $0xffff, v2;
	v2 =	vld [tilespmem:$0x1FB70];
	_ =	sdelay $0x4  }
0x38b: {  	v18 =	vmov v21;
	v21 =	vmov v20;
	v20 =	vld [tilespmem:$0x1FE60];
	v1 =	vor.u32 v2, v1;
	_ =	sdelay $0x1  }
0x38c: {  	s8 =	simm.s32 $0x10  }
0x38d: {  	s15 =	simm.s32 $0x20;
	v2 =	vmov s8  }
.LBB2_13:
0x38e: {  	v2 =	vshll.u32 v2, $0x5  }
0x38f: {  	v3 =	vld.idx.msk [tilespmem:v1+s25+$0x0], $0xffff;
	v4 =	vlaneseq.u32;
	v1 =	vor.u32 v44, v2;
	v2 =	vor.u32 s3, v20  }
0x390: {  	v4 =	vor.u32 v4, v1;
	_ =	sdelay $0x1  }
0x391: {  	s9 =	sadd.s32 $0x80, s9  }
0x392: {  	s28 =	sand.u32 $0x70, s8;
	s29 =	sand.u32 $0xC00, s9  }
0x393: {  	s3 =	sor.u32 s28, s29;
	[tilespmem:v2+s26+$0x0] =	vst.idx.msk $0xffff, v3  }
0x394: {  	v3 =	vor.u32 s3, v9;
	v2 =	vld.idx.msk [tilespmem:v4+s25+$0x0], $0xffff  }
0x395: {  	v4 =	vor.u32 v43, v1;
	_ =	sdelay $0x3  }
0x396: {  	[tilespmem:v3+s26+$0x0] =	vst.idx.msk $0xffff, v2  }
0x397: {  	v3 =	vor.u32 s3, v37;
	v2 =	vld.idx.msk [tilespmem:v4+s25+$0x0], $0xffff  }
0x398: {  	v4 =	vor.u32 v10, v1;
	_ =	sdelay $0x3  }
0x399: {  	[tilespmem:v3+s26+$0x0] =	vst.idx.msk $0xffff, v2  }
0x39a: {  	v3 =	vor.u32 s3, v12;
	v2 =	vld.idx.msk [tilespmem:v4+s25+$0x0], $0xffff  }
0x39b: {  	v4 =	vor.u32 v45, v1;
	_ =	sdelay $0x3  }
0x39c: {  	[tilespmem:v3+s26+$0x0] =	vst.idx.msk $0xffff, v2  }
0x39d: {  	v3 =	vor.u32 s3, v13;
	v2 =	vld.idx.msk [tilespmem:v4+s25+$0x0], $0xffff  }
0x39e: {  	v4 =	vor.u32 v15, v1;
	_ =	sdelay $0x3  }
0x39f: {  	[tilespmem:v3+s26+$0x0] =	vst.idx.msk $0xffff, v2  }
0x3a0: {  	v3 =	vor.u32 s3, v8;
	v2 =	vld.idx.msk [tilespmem:v4+s25+$0x0], $0xffff  }
0x3a1: {  	v4 =	vor.u32 v46, v1;
	_ =	sdelay $0x3  }
0x3a2: {  	[tilespmem:v3+s26+$0x0] =	vst.idx.msk $0xffff, v2  }
0x3a3: {  	v3 =	vor.u32 s3, v5;
	v2 =	vld.idx.msk [tilespmem:v4+s25+$0x0], $0xffff  }
0x3a4: {  	v4 =	vor.u32 v48, v1;
	_ =	sdelay $0x3  }
0x3a5: {  	[tilespmem:v3+s26+$0x0] =	vst.idx.msk $0xffff, v2  }
0x3a6: {  	v3 =	vor.u32 s3, v6;
	v2 =	vld.idx.msk [tilespmem:v4+s25+$0x0], $0xffff  }
0x3a7: {  	v4 =	vor.u32 v47, v1;
	_ =	sdelay $0x3  }
0x3a8: {  	[tilespmem:v3+s26+$0x0] =	vst.idx.msk $0xffff, v2  }
0x3a9: {  	v3 =	vor.u32 s3, v14;
	v2 =	vld.idx.msk [tilespmem:v4+s25+$0x0], $0xffff  }
0x3aa: {  	v4 =	vor.u32 v7, v1;
	_ =	sdelay $0x3  }
0x3ab: {  	[tilespmem:v3+s26+$0x0] =	vst.idx.msk $0xffff, v2  }
0x3ac: {  	v3 =	vor.u32 s3, v23;
	v2 =	vld.idx.msk [tilespmem:v4+s25+$0x0], $0xffff  }
0x3ad: {  	v4 =	vor.u32 v49, v1;
	_ =	sdelay $0x3  }
0x3ae: {  	[tilespmem:v3+s26+$0x0] =	vst.idx.msk $0xffff, v2  }
0x3af: {  	v3 =	vor.u32 s3, v16;
	v2 =	vld.idx.msk [tilespmem:v4+s25+$0x0], $0xffff  }
0x3b0: {  	v4 =	vor.u32 v50, v1;
	_ =	sdelay $0x3  }
0x3b1: {  	[tilespmem:v3+s26+$0x0] =	vst.idx.msk $0xffff, v2  }
0x3b2: {  	v3 =	vor.u32 s3, v17;
	v2 =	vld.idx.msk [tilespmem:v4+s25+$0x0], $0xffff  }
0x3b3: {  	v4 =	vor.u32 v54, v1;
	_ =	sdelay $0x3  }
0x3b4: {  	[tilespmem:v3+s26+$0x0] =	vst.idx.msk $0xffff, v2  }
0x3b5: {  	v3 =	vor.u32 s3, v18;
	v2 =	vld.idx.msk [tilespmem:v4+s25+$0x0], $0xffff  }
0x3b6: {  	v4 =	vor.u32 v57, v1;
	_ =	sdelay $0x3  }
0x3b7: {  	[tilespmem:v3+s26+$0x0] =	vst.idx.msk $0xffff, v2  }
0x3b8: {  	v3 =	vor.u32 s3, v19;
	v2 =	vld.idx.msk [tilespmem:v4+s25+$0x0], $0xffff  }
0x3b9: {  	v4 =	vor.u32 v60, v1;
	_ =	sdelay $0x3  }
0x3ba: {  	[tilespmem:v3+s26+$0x0] =	vst.idx.msk $0xffff, v2  }
0x3bb: {  	v3 =	vor.u32 s3, v21;
	v2 =	vld.idx.msk [tilespmem:v4+s25+$0x0], $0xffff  }
0x3bc: {  	v4 =	vor.u32 v63, v1;
	_ =	sdelay $0x3  }
0x3bd: {  	[tilespmem:v3+s26+$0x0] =	vst.idx.msk $0xffff, v2  }
0x3be: {  	v3 =	vor.u32 s3, v22;
	v2 =	vld.idx.msk [tilespmem:v4+s25+$0x0], $0xffff  }
0x3bf: {  	v4 =	vor.u32 v42, v1;
	_ =	sdelay $0x3  }
0x3c0: {  	[tilespmem:v3+s26+$0x0] =	vst.idx.msk $0xffff, v2  }
0x3c1: {  	v3 =	vor.u32 s3, v39;
	v2 =	vld.idx.msk [tilespmem:v4+s25+$0x0], $0xffff  }
0x3c2: {  	v4 =	vor.u32 v41, v1;
	_ =	sdelay $0x3  }
0x3c3: {  	[tilespmem:v3+s26+$0x0] =	vst.idx.msk $0xffff, v2  }
0x3c4: {  	v3 =	vor.u32 s3, v24;
	v2 =	vld.idx.msk [tilespmem:v4+s25+$0x0], $0xffff  }
0x3c5: {  	v4 =	vor.u32 v58, v1;
	_ =	sdelay $0x3  }
0x3c6: {  	[tilespmem:v3+s26+$0x0] =	vst.idx.msk $0xffff, v2  }
0x3c7: {  	v3 =	vor.u32 s3, v25;
	v2 =	vld.idx.msk [tilespmem:v4+s25+$0x0], $0xffff  }
0x3c8: {  	v4 =	vor.u32 v61, v1;
	_ =	sdelay $0x3  }
0x3c9: {  	[tilespmem:v3+s26+$0x0] =	vst.idx.msk $0xffff, v2  }
0x3ca: {  	v3 =	vor.u32 s3, v26;
	v2 =	vld.idx.msk [tilespmem:v4+s25+$0x0], $0xffff  }
0x3cb: {  	v4 =	vor.u32 v0, v1;
	_ =	sdelay $0x3  }
0x3cc: {  	[tilespmem:v3+s26+$0x0] =	vst.idx.msk $0xffff, v2  }
0x3cd: {  	v3 =	vor.u32 s3, v27;
	v2 =	vld.idx.msk [tilespmem:v4+s25+$0x0], $0xffff  }
0x3ce: {  	v4 =	vor.u32 v51, v1;
	_ =	sdelay $0x3  }
0x3cf: {  	[tilespmem:v3+s26+$0x0] =	vst.idx.msk $0xffff, v2  }
0x3d0: {  	v3 =	vor.u32 s3, v28;
	v2 =	vld.idx.msk [tilespmem:v4+s25+$0x0], $0xffff  }
0x3d1: {  	v4 =	vor.u32 v52, v1;
	_ =	sdelay $0x3  }
0x3d2: {  	[tilespmem:v3+s26+$0x0] =	vst.idx.msk $0xffff, v2  }
0x3d3: {  	v3 =	vor.u32 s3, v29;
	v2 =	vld.idx.msk [tilespmem:v4+s25+$0x0], $0xffff  }
0x3d4: {  	v4 =	vor.u32 v53, v1;
	_ =	sdelay $0x3  }
0x3d5: {  	[tilespmem:v3+s26+$0x0] =	vst.idx.msk $0xffff, v2  }
0x3d6: {  	v3 =	vor.u32 s3, v30;
	v2 =	vld.idx.msk [tilespmem:v4+s25+$0x0], $0xffff  }
0x3d7: {  	v4 =	vor.u32 v55, v1;
	_ =	sdelay $0x3  }
0x3d8: {  	[tilespmem:v3+s26+$0x0] =	vst.idx.msk $0xffff, v2  }
0x3d9: {  	v3 =	vor.u32 s3, v31;
	v2 =	vld.idx.msk [tilespmem:v4+s25+$0x0], $0xffff  }
0x3da: {  	v4 =	vor.u32 v56, v1;
	_ =	sdelay $0x3  }
0x3db: {  	[tilespmem:v3+s26+$0x0] =	vst.idx.msk $0xffff, v2  }
0x3dc: {  	v3 =	vor.u32 s3, v32;
	v2 =	vld.idx.msk [tilespmem:v4+s25+$0x0], $0xffff  }
0x3dd: {  	v4 =	vor.u32 v59, v1;
	_ =	sdelay $0x3  }
0x3de: {  	[tilespmem:v3+s26+$0x0] =	vst.idx.msk $0xffff, v2  }
0x3df: {  	v3 =	vor.u32 s3, v33;
	v2 =	vld.idx.msk [tilespmem:v4+s25+$0x0], $0xffff  }
0x3e0: {  	v4 =	vor.u32 v62, v1;
	_ =	sdelay $0x3  }
0x3e1: {  	[tilespmem:v3+s26+$0x0] =	vst.idx.msk $0xffff, v2  }
0x3e2: {  	v3 =	vor.u32 s3, v34;
	v2 =	vld.idx.msk [tilespmem:v4+s25+$0x0], $0xffff  }
0x3e3: {  	v4 =	vor.u32 v40, v1;
	_ =	sdelay $0x3  }
0x3e4: {  	[tilespmem:v3+s26+$0x0] =	vst.idx.msk $0xffff, v2  }
0x3e5: {  	v3 =	vor.u32 s3, v35;
	v2 =	vld.idx.msk [tilespmem:v4+s25+$0x0], $0xffff  }
0x3e6: {  	v4 =	vor.u32 v11, v1;
	_ =	sdelay $0x3  }
0x3e7: {  	[tilespmem:v3+s26+$0x0] =	vst.idx.msk $0xffff, v2  }
0x3e8: {  	v3 =	vor.u32 s3, v38;
	v2 =	vld.idx.msk [tilespmem:v4+s25+$0x0], $0xffff;
	_ =	sdelay $0x2  }
0x3e9: {  	v4 =	vor.u32 v36, v1;
	_ =	sdelay $0x1  }
0x3ea: {  	[tilespmem:v3+s26+$0x0] =	vst.idx.msk $0xffff, v2;
	v3 =	vld [tilespmem:$0x1FE40];
	_ =	sdelay $0x2  }
0x3eb: {  	v2 =	vld.idx.msk [tilespmem:v4+s25+$0x0], $0xffff  }
0x3ec: {  	v4 =	vld [tilespmem:$0x1FB60]  }
0x3ed: {  	v3 =	vor.u32 s3, v3;
	_ =	sdelay $0x3  }
0x3ee: {  	v4 =	vor.u32 v4, v1  }
0x3ef: {  	[tilespmem:v3+s26+$0x0] =	vst.idx.msk $0xffff, v2;
	v2 =	vld [tilespmem:$0x1FE50];
	_ =	sdelay $0x3  }
0x3f0: {  	v3 =	vld.idx.msk [tilespmem:v4+s25+$0x0], $0xffff  }
0x3f1: {  	p0 =	sne.s32 s15, $0x1F0;
	v4 =	vor.u32 s3, v2;
	v2 =	vld [tilespmem:$0x1FB70]  }
.Ltmp12:
0x3f2: {  	_ = 	snop;
	(pc) =	sbr.rel @p0 .LBB2_13-.Ltmp12, $3  }
0x3f3: {  	_ =	sdelay $0x1  }
0x3f4: {  	s8 =	smov.u32 s15  }
0x3f5: {  	s15 =	sadd.s32 $0x10, s15;
	v1 =	vor.u32 v2, v1;
	v2 =	vmov s8;
	[tilespmem:v4+s26+$0x0] =	vst.idx.msk $0xffff, v3  }
.Ltmp13:
0x3f6: {  	_ = 	snop;
	(pc) =	sbr.rel .LBB2_14-.Ltmp13, $1  }
0x3f7: {  	_ =	sdelay $0x3  }
.LBB2_17:
0x3f8: {  	_ =	sfence.sel $0x180000  }
0x3f9: {  	[bflag:$0x0] =	sbarrier.arrive $0xFFFF  }
0x3fa: {  	_ =	strace $0x90000047  }
0x3fb: {  	s0 =	stileid.u32;
	[bflag:$0x2] =	sbarrier.arrive $0xFFFF  }
0x3fc: {  	p0 =	sne.s32 s0, $0x0;
	s0 =	rddreg [dreg:$0x2]  }
0x3fd: {  	s0 =	sadd.s32 @!p0 $0x100000, s0  }
0x3fe: {  	[sflag:s0] =	ssyncadd.tile.s32 @!p0 $0x1;
	_ =	shalt  }
.Lfunc_end2:
_tile_overlayer_lowered:
.L_overlay_start_2:
0x3ff: {  	(tag) =	ssettag $0x2  }
0x400: {  	s0 =	rddreg [dreg:$0x0];
	s2 =	stileid.u32  }
0x401: {  	s1 =	rddreg [dreg:$0x1];
	p0 =	sne.s32 s2, $0x0  }
0x402: {  	s3 =	rddreg [dreg:$0x2];
	[bflag:$0x3] =	sbarrier.arrive $0xFFFF;
	s2 =	simm.s32 @!p0 $0x1C07  }
0x403: {  	[timem:s3], [sflag:s2] =	dma.local @!p0 [hbm:s0], s1  }
0x404: {  	s0 =	simm.s32 @!p0 $0x7  }
0x405: {  	_ =	swait.ge @!p0 [sflag:s0], s1  }
0x406: {  	s1 =	ssub.s32 @!p0 $0x0, s1;
	[sflag:s0] =	ssyncset.done @!p0 $0x0  }
0x407: {  	[sflag:s0] =	ssyncadd.s32 @!p0 s1  }
0x408: {  	[bflag:$0x3] =	sbarrier.arrive $0xFFFF  }
0x409: {  	_ =	shalt  }

</sc_bundles>
